<compile_context>
chip_gen: v7x
topology: tpu7x:2x2x1
jax: 0.10.2.dev20260603
libtpu: 0.0.44.dev20260713+nightly
codegen_flags: <defaults>
</compile_context>

<pallas_src>
import functools

import jax
import jax.numpy as jnp
from jax import lax
from jax.experimental import pallas as pl
from jax.experimental.pallas import tpu as pltpu
from jax.experimental.pallas import tpu_sc as plsc


def _tc_body(src_ref, dis_ref, w1_ref, b1_ref, w2_ref, lt_ref, b2_ref,
             ratio_ref, table_ref, rank_ref, loss_ref):
    b = pl.program_id(0)
    x = src_ref[0]
    dis = dis_ref[0]
    xd = x * dis
    hid = lax.dot_general(w1_ref[...], xd, (((1,), (0,)), ((), ())),
                          preferred_element_type=jnp.float32)
    hid = jax.nn.relu(hid + b1_ref[...])
    scores = lax.dot_general(w2_ref[...], hid, (((1,), (0,)), ((), ())),
                             preferred_element_type=jnp.float32)
    scores = scores + b2_ref[0, 0]
    sw_row = jax.nn.sigmoid(scores) * ratio_ref[0, 0]

    mu = jnp.mean(x, axis=0, keepdims=True)
    var = jnp.mean(x * x, axis=0, keepdims=True) - mu * mu
    srcn = (x - mu) * lax.rsqrt(var + 1e-5)

    table_ref[0] = jnp.transpose(srcn * sw_row)

    hw = sw_row.shape[1]
    sw_col = jnp.transpose(sw_row)
    beats = jnp.where(sw_col > sw_row, 1.0,
                      jnp.where(sw_col == sw_row, lt_ref[...], 0.0))
    ones_row = jnp.ones((1, hw), jnp.float32)
    rank_row = lax.dot_general(ones_row, beats, (((1,), (0,)), ((), ())),
                               preferred_element_type=jnp.float32)
    rank_ref[0] = rank_row.astype(jnp.int32)

    partial = jnp.sum(sw_row) / (32.0 * hw)
    prev = jnp.where(b == 0, 0.0, loss_ref[0, 0])
    loss_ref[0, 0] = prev + partial


def _tc_stage(src3, dis3, w1, b1c, w2, ltc, b2s, ratio):
    bs, c, hw = src3.shape
    return pl.pallas_call(
        _tc_body,
        grid=(bs,),
        in_specs=[
            pl.BlockSpec((1, c, hw), lambda b: (b, 0, 0)),
            pl.BlockSpec((1, 1, hw), lambda b: (b, 0, 0)),
            pl.BlockSpec((c, c), lambda b: (0, 0)),
            pl.BlockSpec((c, 1), lambda b: (0, 0)),
            pl.BlockSpec((1, c), lambda b: (0, 0)),
            pl.BlockSpec((hw, hw), lambda b: (0, 0)),
            pl.BlockSpec(memory_space=pltpu.SMEM),
            pl.BlockSpec(memory_space=pltpu.SMEM),
        ],
        out_specs=[
            pl.BlockSpec((1, hw, c), lambda b: (b, 0, 0)),
            pl.BlockSpec((1, 1, hw), lambda b: (b, 0, 0)),
            pl.BlockSpec(memory_space=pltpu.SMEM),
        ],
        out_shape=[
            jax.ShapeDtypeStruct((bs, hw, c), jnp.float32),
            jax.ShapeDtypeStruct((bs, 1, hw), jnp.int32),
            jax.ShapeDtypeStruct((1, 1), jnp.float32),
        ],
    )(src3, dis3, w1, b1c, w2, ltc, b2s, ratio)


def _sc_stage(table_flat, rank, pe_flat, bs, c, hw):
    info = plsc.get_sparse_core_info()
    nc = info.num_cores
    chunk = 256
    mesh = plsc.VectorSubcoreMesh(core_axis_name="c", subcore_axis_name="s")

    @functools.partial(
        pl.kernel, mesh=mesh,
        compiler_params=pltpu.CompilerParams(needs_layout_passes=False),
        out_type=[
            jax.ShapeDtypeStruct((hw, bs, c), jnp.float32),
            jax.ShapeDtypeStruct((bs, hw), jnp.float32),
            jax.ShapeDtypeStruct((bs, hw), jnp.int32),
        ],
        scratch_types=[
            pltpu.VMEM((hw,), jnp.int32),
            pltpu.VMEM((hw,), jnp.int32),
            pltpu.VMEM((hw,), jnp.int32),
            pltpu.VMEM((hw,), jnp.int32),
            pltpu.VMEM((chunk, c), jnp.float32),
            pltpu.VMEM((hw,), jnp.float32),
            pltpu.SemaphoreType.DMA,
        ],
    )
    def run(table_hbm, rank_hbm, pe_hbm, out_hbm, outpe_hbm, outidx_hbm,
            rank_v, idx_v, rowidx_v, peidx_v, rows_v, peout_v, sem):
        b = lax.axis_index("s") * nc + lax.axis_index("c")
        pltpu.sync_copy(rank_hbm.at[b], rank_v)
        for j in range(hw // 16):
            sl = pl.ds(j * 16, 16)
            v = rank_v[sl]
            jvec = j * 16 + lax.broadcasted_iota(jnp.int32, (16,), 0)
            plsc.store_scatter(idx_v, [v], jvec)
        pltpu.sync_copy(idx_v, outidx_hbm.at[b])
        for j in range(hw // 16):
            sl = pl.ds(j * 16, 16)
            v2 = idx_v[sl]
            rowidx_v[sl] = v2 + b * hw
            peidx_v[sl] = v2 * bs + b
        for k in range(hw // chunk):
            pltpu.async_copy(
                table_hbm.at[rowidx_v.at[pl.ds(k * chunk, chunk)]],
                rows_v, sem).wait()
            pltpu.sync_copy(rows_v, out_hbm.at[pl.ds(k * chunk, chunk), b])
        pltpu.async_copy(pe_hbm.at[peidx_v], peout_v, sem).wait()
        pltpu.sync_copy(peout_v, outpe_hbm.at[b])

    return run(table_flat, rank, pe_flat)


def kernel(src, pos_embed, sample_ratio, dis_priority, W1, b1, W2, b2):
    bs, c, h, w = src.shape
    hw = h * w
    src3 = src.reshape(bs, c, hw)
    dis3 = dis_priority.reshape(bs, 1, hw)
    b1c = b1.reshape(c, 1)
    b2s = b2.reshape(1, 1)
    ratio = jnp.asarray(sample_ratio, jnp.float32).reshape(1, 1)
    ltc = jnp.triu(jnp.ones((hw, hw), jnp.float32), 1)

    table, rank3, loss = _tc_stage(src3, dis3, W1, b1c, W2, ltc, b2s, ratio)

    pe0_flat = pos_embed[:, :, 0].reshape(bs * hw)
    out, outpe, outidx = _sc_stage(
        table.reshape(bs * hw, c), rank3.reshape(bs, hw),
        pe0_flat, bs, c, hw)

    return (out, loss.reshape(()), outidx,
            jnp.transpose(outpe).reshape(hw, bs, 1))

# --- scband reference (transcript-rebuilt; emitter-appended) ---
"""Pipeline reference for scband-sort-sampler-14697378087076 (READ-ONLY COPY).

The authoritative reference and input builder live on the scoring server;
editing this copy changes nothing except your own understanding.
"""

import jax, jax.numpy as jnp
import numpy as np


def setup_inputs(seed: int = 0) -> dict:
    key = jax.random.key(seed)
    ks = jax.random.split(key, 8)
    bs, c, h, w = 32, 384, 32, 32
    src = jax.random.normal(ks[0], (bs, c, h, w), dtype=jnp.float32)
    pos_embed = jax.random.normal(ks[1], (h * w, bs, c), dtype=jnp.float32)
    dis_priority = jax.random.uniform(ks[2], (bs, h, w), dtype=jnp.float32)
    # score_pred_net '2layer-fc-256': Conv2d(c, c, 1) -> ReLU -> Conv2d(c, 1, 1)
    W1 = jax.random.normal(ks[3], (c, c), dtype=jnp.float32) * 0.02
    b1 = jnp.zeros((c,), dtype=jnp.float32)
    W2 = jax.random.normal(ks[4], (1, c), dtype=jnp.float32) * 0.02
    b2 = jnp.zeros((1,), dtype=jnp.float32)
    return {"src": src, "pos_embed": pos_embed, "sample_ratio": 1,
            "dis_priority": dis_priority, "W1": W1, "b1": b1, "W2": W2, "b2": b2}


def reference(src, pos_embed, sample_ratio, dis_priority, W1, b1, W2, b2):
    bs, c, h, w = src.shape
    # dis_priority * src.permute(1,0,2,3) then permute back == src * dis_priority[:, None]
    src_dis = (src * dis_priority[:, None, :, :]).astype(jnp.float32)
    # 1x1 convs == channel matmuls
    hid = jax.nn.relu(jnp.einsum('bchw,dc->bdhw', src_dis, W1) + b1[None, :, None, None])
    scores = jnp.einsum('bchw,dc->bdhw', hid, W2) + b2[None, :, None, None]
    sample_weight = jax.nn.sigmoid(scores).reshape(bs, h * w)
    sample_weight = sample_weight * jnp.asarray(sample_ratio).astype(jnp.float32)
    k = h * w
    sort_order = jnp.argsort(-sample_weight, axis=1)  # descending sort indices
    sort_confidence_topk = sort_order[:, :k]  # [bs, k]
    # src.flatten(2).permute(2,0,1) -> [hw, bs, c], LayerNorm (no affine)
    src_flat = jnp.transpose(src.reshape(bs, c, h * w), (2, 0, 1))
    mu = src_flat.mean(-1, keepdims=True)
    var = ((src_flat - mu) ** 2).mean(-1, keepdims=True)
    srcn = (src_flat - mu) / jnp.sqrt(var + 1e-5)
    sw_topk = jnp.take_along_axis(sample_weight, sort_confidence_topk, axis=1)  # [bs, k]
    sample_reg_loss = sw_topk.mean()
    barange = jnp.arange(bs)[None, :]
    idxT = sort_confidence_topk.T  # [k, bs]
    src_sampled = srcn[idxT, barange, :] * sw_topk.T[:, :, None]  # [k, bs, c]
    pos_embed_sampled = pos_embed[idxT, barange, 0][:, :, None]  # [k, bs, 1]
    return (src_sampled, sample_reg_loss, sort_confidence_topk, pos_embed_sampled)

if __name__ == "__main__":
    import jax
    _d = setup_inputs()
    print(jax.jit(kernel)(*tuple(_d.values())))

</pallas_src>

<mosaic_0001>
#map = affine_map<(d0, d1) -> (0, 0)>
#map1 = affine_map<(d0, d1) -> (0)>
#map2 = affine_map<(d0, d1) -> (0, 0, 0)>
module attributes {stable_mosaic.version = 14 : i64} {
  func.func @run(%arg0: i32, %arg1: i32, %arg2: memref<32768x384xf32, #tpu.memory_space<hbm>>, %arg3: memref<32x1024xi32, #tpu.memory_space<hbm>>, %arg4: memref<32768xf32, #tpu.memory_space<hbm>>, %arg5: memref<1024x32x384xf32, #tpu.memory_space<hbm>>, %arg6: memref<32x1024xf32, #tpu.memory_space<hbm>>, %arg7: memref<32x1024xi32, #tpu.memory_space<hbm>>, %arg8: memref<1024xi32, #tpu.memory_space<vmem>>, %arg9: memref<1024xi32, #tpu.memory_space<vmem>>, %arg10: memref<1024xi32, #tpu.memory_space<vmem>>, %arg11: memref<1024xi32, #tpu.memory_space<vmem>>, %arg12: memref<256x384xf32, #tpu.memory_space<vmem>>, %arg13: memref<1024xf32, #tpu.memory_space<vmem>>, %arg14: memref<!tpu.dma_semaphore, #tpu.memory_space<semaphore_mem>>) attributes {dimension_semantics = [#tpu.dimension_semantics<core_parallel>, #tpu.dimension_semantics<subcore_parallel>], iteration_bounds = array<i64: 2, 16>, scalar_prefetch = 0 : i64, scratch_operands = 7 : i64, tpu.core_type = #tpu.core_type<sc_vector_subcore>, window_params = [{transform_indices = #map}, {transform_indices = #map}, {transform_indices = #map1}, {transform_indices = #map2}, {transform_indices = #map}, {transform_indices = #map}]} {
    %mul3A = arith.constant 2 : i32
    %mul3A_0 = arith.muli %arg1, %mul3A : i32
    %add3A = arith.addi %mul3A_0, %arg0 : i32
    "tpu.region"() ({
      %run_scoped3A = tpu.sem_alloc : memref<!tpu.dma_semaphore, #tpu.memory_space<semaphore_mem>>
      %dma_start3A_1384 = arith.constant 0 : i32
      %dma_start3A_1385 = tpu.memref_slice %arg3[%add3A, %dma_start3A_1384] : memref<32x1024xi32, #tpu.memory_space<hbm>> -> memref<1x1024xi32, #tpu.memory_space<hbm>>
      %dma_start3A_1386 = tpu.memref_squeeze %dma_start3A_1385 : memref<1x1024xi32, #tpu.memory_space<hbm>> -> memref<1024xi32, #tpu.memory_space<hbm>>
      %dma_start3A_1387 = arith.constant 0 : i32
      %dma_start3A_1388 = tpu.memref_slice %arg3[%add3A, %dma_start3A_1387] : memref<32x1024xi32, #tpu.memory_space<hbm>> -> memref<1x1024xi32, #tpu.memory_space<hbm>>
      %dma_start3A_1389 = tpu.memref_squeeze %dma_start3A_1388 : memref<1x1024xi32, #tpu.memory_space<hbm>> -> memref<1024xi32, #tpu.memory_space<hbm>>
      tpu.enqueue_dma source(%dma_start3A_1389 : memref<1024xi32, #tpu.memory_space<hbm>>) target(%arg8 : memref<1024xi32, #tpu.memory_space<vmem>>) target_semaphore(%run_scoped3A : memref<!tpu.dma_semaphore, #tpu.memory_space<semaphore_mem>>)
      %dma_wait3A_1390 = arith.constant 0 : i32
      %dma_wait3A_1391 = tpu.memref_slice %arg3[%add3A, %dma_wait3A_1390] : memref<32x1024xi32, #tpu.memory_space<hbm>> -> memref<1x1024xi32, #tpu.memory_space<hbm>>
      %dma_wait3A_1392 = tpu.memref_squeeze %dma_wait3A_1391 : memref<1x1024xi32, #tpu.memory_space<hbm>> -> memref<1024xi32, #tpu.memory_space<hbm>>
      %dma_wait3A_1393 = arith.constant 0 : i32
      %dma_wait3A_1394 = tpu.memref_slice %arg3[%add3A, %dma_wait3A_1393] : memref<32x1024xi32, #tpu.memory_space<hbm>> -> memref<1x1024xi32, #tpu.memory_space<hbm>>
      %dma_wait3A_1395 = tpu.memref_squeeze %dma_wait3A_1394 : memref<1x1024xi32, #tpu.memory_space<hbm>> -> memref<1024xi32, #tpu.memory_space<hbm>>
      tpu.wait_dma2 semaphore(%run_scoped3A : memref<!tpu.dma_semaphore, #tpu.memory_space<semaphore_mem>>) src(%dma_wait3A_1395 : memref<1024xi32, #tpu.memory_space<hbm>>) dst(%arg8 : memref<1024xi32, #tpu.memory_space<vmem>>)
      tpu.yield
    }) : () -> ()
    %get3A = arith.constant 0 : index
    %get3A_1 = tpu.vector_load %arg8[%get3A] {strides = array<i32>} : memref<1024xi32, #tpu.memory_space<vmem>>, vector<16xi32>,
    %iota3A = tpu.iota {dimensions = array<i32: 0>} : vector<16xi32>
    %add3A_2 = arith.constant 0 : i32
    %add3A_3 = vector.broadcast %add3A_2 : i32 to vector<16xi32>
    %add3A_4 = arith.addi %add3A_3, %iota3A : vector<16xi32>
    tpu.vector_store_idx %arg9[%get3A_1], %add3A_4 : memref<1024xi32, #tpu.memory_space<vmem>>[vector<16xi32>], vector<16xi32>,
    %get3A_5 = arith.constant 16 : index
    %get3A_6 = tpu.vector_load %arg8[%get3A_5] {strides = array<i32>} : memref<1024xi32, #tpu.memory_space<vmem>>, vector<16xi32>,
    %iota3A_7 = tpu.iota {dimensions = array<i32: 0>} : vector<16xi32>
    %add3A_8 = arith.constant 16 : i32
    %add3A_9 = vector.broadcast %add3A_8 : i32 to vector<16xi32>
    %add3A_10 = arith.addi %add3A_9, %iota3A_7 : vector<16xi32>
    tpu.vector_store_idx %arg9[%get3A_6], %add3A_10 : memref<1024xi32, #tpu.memory_space<vmem>>[vector<16xi32>], vector<16xi32>,
    %get3A_11 = arith.constant 32 : index
    %get3A_12 = tpu.vector_load %arg8[%get3A_11] {strides = array<i32>} : memref<1024xi32, #tpu.memory_space<vmem>>, vector<16xi32>,
    %iota3A_13 = tpu.iota {dimensions = array<i32: 0>} : vector<16xi32>
    %add3A_14 = arith.constant 32 : i32
    %add3A_15 = vector.broadcast %add3A_14 : i32 to vector<16xi32>
    %add3A_16 = arith.addi %add3A_15, %iota3A_13 : vector<16xi32>
    tpu.vector_store_idx %arg9[%get3A_12], %add3A_16 : memref<1024xi32, #tpu.memory_space<vmem>>[vector<16xi32>], vector<16xi32>,
    %get3A_17 = arith.constant 48 : index
    %get3A_18 = tpu.vector_load %arg8[%get3A_17] {strides = array<i32>} : memref<1024xi32, #tpu.memory_space<vmem>>, vector<16xi32>,
    %iota3A_19 = tpu.iota {dimensions = array<i32: 0>} : vector<16xi32>
    %add3A_20 = arith.constant 48 : i32
    %add3A_21 = vector.broadcast %add3A_20 : i32 to vector<16xi32>
    %add3A_22 = arith.addi %add3A_21, %iota3A_19 : vector<16xi32>
    tpu.vector_store_idx %arg9[%get3A_18], %add3A_22 : memref<1024xi32, #tpu.memory_space<vmem>>[vector<16xi32>], vector<16xi32>,
    %get3A_23 = arith.constant 64 : index
    %get3A_24 = tpu.vector_load %arg8[%get3A_23] {strides = array<i32>} : memref<1024xi32, #tpu.memory_space<vmem>>, vector<16xi32>,
    %iota3A_25 = tpu.iota {dimensions = array<i32: 0>} : vector<16xi32>
    %add3A_26 = arith.constant 64 : i32
    %add3A_27 = vector.broadcast %add3A_26 : i32 to vector<16xi32>
    %add3A_28 = arith.addi %add3A_27, %iota3A_25 : vector<16xi32>
    tpu.vector_store_idx %arg9[%get3A_24], %add3A_28 : memref<1024xi32, #tpu.memory_space<vmem>>[vector<16xi32>], vector<16xi32>,
    %get3A_29 = arith.constant 80 : index
    %get3A_30 = tpu.vector_load %arg8[%get3A_29] {strides = array<i32>} : memref<1024xi32, #tpu.memory_space<vmem>>, vector<16xi32>,
    %iota3A_31 = tpu.iota {dimensions = array<i32: 0>} : vector<16xi32>
    %add3A_32 = arith.constant 80 : i32
    %add3A_33 = vector.broadcast %add3A_32 : i32 to vector<16xi32>
    %add3A_34 = arith.addi %add3A_33, %iota3A_31 : vector<16xi32>
    tpu.vector_store_idx %arg9[%get3A_30], %add3A_34 : memref<1024xi32, #tpu.memory_space<vmem>>[vector<16xi32>], vector<16xi32>,
    %get3A_35 = arith.constant 96 : index
    %get3A_36 = tpu.vector_load %arg8[%get3A_35] {strides = array<i32>} : memref<1024xi32, #tpu.memory_space<vmem>>, vector<16xi32>,
    %iota3A_37 = tpu.iota {dimensions = array<i32: 0>} : vector<16xi32>
    %add3A_38 = arith.constant 96 : i32
    %add3A_39 = vector.broadcast %add3A_38 : i32 to vector<16xi32>
    %add3A_40 = arith.addi %add3A_39, %iota3A_37 : vector<16xi32>
    tpu.vector_store_idx %arg9[%get3A_36], %add3A_40 : memref<1024xi32, #tpu.memory_space<vmem>>[vector<16xi32>], vector<16xi32>,
    %get3A_41 = arith.constant 112 : index
    %get3A_42 = tpu.vector_load %arg8[%get3A_41] {strides = array<i32>} : memref<1024xi32, #tpu.memory_space<vmem>>, vector<16xi32>,
    %iota3A_43 = tpu.iota {dimensions = array<i32: 0>} : vector<16xi32>
    %add3A_44 = arith.constant 112 : i32
    %add3A_45 = vector.broadcast %add3A_44 : i32 to vector<16xi32>
    %add3A_46 = arith.addi %add3A_45, %iota3A_43 : vector<16xi32>
    tpu.vector_store_idx %arg9[%get3A_42], %add3A_46 : memref<1024xi32, #tpu.memory_space<vmem>>[vector<16xi32>], vector<16xi32>,
    %get3A_47 = arith.constant 128 : index
    %get3A_48 = tpu.vector_load %arg8[%get3A_47] {strides = array<i32>} : memref<1024xi32, #tpu.memory_space<vmem>>, vector<16xi32>,
    %iota3A_49 = tpu.iota {dimensions = array<i32: 0>} : vector<16xi32>
    %add3A_50 = arith.constant 128 : i32
    %add3A_51 = vector.broadcast %add3A_50 : i32 to vector<16xi32>
    %add3A_52 = arith.addi %add3A_51, %iota3A_49 : vector<16xi32>
    tpu.vector_store_idx %arg9[%get3A_48], %add3A_52 : memref<1024xi32, #tpu.memory_space<vmem>>[vector<16xi32>], vector<16xi32>,
    %get3A_53 = arith.constant 144 : index
    %get3A_54 = tpu.vector_load %arg8[%get3A_53] {strides = array<i32>} : memref<1024xi32, #tpu.memory_space<vmem>>, vector<16xi32>,
    %iota3A_55 = tpu.iota {dimensions = array<i32: 0>} : vector<16xi32>
    %add3A_56 = arith.constant 144 : i32
    %add3A_57 = vector.broadcast %add3A_56 : i32 to vector<16xi32>
    %add3A_58 = arith.addi %add3A_57, %iota3A_55 : vector<16xi32>
    tpu.vector_store_idx %arg9[%get3A_54], %add3A_58 : memref<1024xi32, #tpu.memory_space<vmem>>[vector<16xi32>], vector<16xi32>,
    %get3A_59 = arith.constant 160 : index
    %get3A_60 = tpu.vector_load %arg8[%get3A_59] {strides = array<i32>} : memref<1024xi32, #tpu.memory_space<vmem>>, vector<16xi32>,
    %iota3A_61 = tpu.iota {dimensions = array<i32: 0>} : vector<16xi32>
    %add3A_62 = arith.constant 160 : i32
    %add3A_63 = vector.broadcast %add3A_62 : i32 to vector<16xi32>
    %add3A_64 = arith.addi %add3A_63, %iota3A_61 : vector<16xi32>
    tpu.vector_store_idx %arg9[%get3A_60], %add3A_64 : memref<1024xi32, #tpu.memory_space<vmem>>[vector<16xi32>], vector<16xi32>,
    %get3A_65 = arith.constant 176 : index
    %get3A_66 = tpu.vector_load %arg8[%get3A_65] {strides = array<i32>} : memref<1024xi32, #tpu.memory_space<vmem>>, vector<16xi32>,
    %iota3A_67 = tpu.iota {dimensions = array<i32: 0>} : vector<16xi32>
    %add3A_68 = arith.constant 176 : i32
    %add3A_69 = vector.broadcast %add3A_68 : i32 to vector<16xi32>
    %add3A_70 = arith.addi %add3A_69, %iota3A_67 : vector<16xi32>
    tpu.vector_store_idx %arg9[%get3A_66], %add3A_70 : memref<1024xi32, #tpu.memory_space<vmem>>[vector<16xi32>], vector<16xi32>,
    %get3A_71 = arith.constant 192 : index
    %get3A_72 = tpu.vector_load %arg8[%get3A_71] {strides = array<i32>} : memref<1024xi32, #tpu.memory_space<vmem>>, vector<16xi32>,
    %iota3A_73 = tpu.iota {dimensions = array<i32: 0>} : vector<16xi32>
    %add3A_74 = arith.constant 192 : i32
    %add3A_75 = vector.broadcast %add3A_74 : i32 to vector<16xi32>
    %add3A_76 = arith.addi %add3A_75, %iota3A_73 : vector<16xi32>
    tpu.vector_store_idx %arg9[%get3A_72], %add3A_76 : memref<1024xi32, #tpu.memory_space<vmem>>[vector<16xi32>], vector<16xi32>,
    %get3A_77 = arith.constant 208 : index
    %get3A_78 = tpu.vector_load %arg8[%get3A_77] {strides = array<i32>} : memref<1024xi32, #tpu.memory_space<vmem>>, vector<16xi32>,
    %iota3A_79 = tpu.iota {dimensions = array<i32: 0>} : vector<16xi32>
    %add3A_80 = arith.constant 208 : i32
    %add3A_81 = vector.broadcast %add3A_80 : i32 to vector<16xi32>
    %add3A_82 = arith.addi %add3A_81, %iota3A_79 : vector<16xi32>
    tpu.vector_store_idx %arg9[%get3A_78], %add3A_82 : memref<1024xi32, #tpu.memory_space<vmem>>[vector<16xi32>], vector<16xi32>,
    %get3A_83 = arith.constant 224 : index
    %get3A_84 = tpu.vector_load %arg8[%get3A_83] {strides = array<i32>} : memref<1024xi32, #tpu.memory_space<vmem>>, vector<16xi32>,
    %iota3A_85 = tpu.iota {dimensions = array<i32: 0>} : vector<16xi32>
    %add3A_86 = arith.constant 224 : i32
    %add3A_87 = vector.broadcast %add3A_86 : i32 to vector<16xi32>
    %add3A_88 = arith.addi %add3A_87, %iota3A_85 : vector<16xi32>
    tpu.vector_store_idx %arg9[%get3A_84], %add3A_88 : memref<1024xi32, #tpu.memory_space<vmem>>[vector<16xi32>], vector<16xi32>,
    %get3A_89 = arith.constant 240 : index
    %get3A_90 = tpu.vector_load %arg8[%get3A_89] {strides = array<i32>} : memref<1024xi32, #tpu.memory_space<vmem>>, vector<16xi32>,
    %iota3A_91 = tpu.iota {dimensions = array<i32: 0>} : vector<16xi32>
    %add3A_92 = arith.constant 240 : i32
    %add3A_93 = vector.broadcast %add3A_92 : i32 to vector<16xi32>
    %add3A_94 = arith.addi %add3A_93, %iota3A_91 : vector<16xi32>
    tpu.vector_store_idx %arg9[%get3A_90], %add3A_94 : memref<1024xi32, #tpu.memory_space<vmem>>[vector<16xi32>], vector<16xi32>,
    %get3A_95 = arith.constant 256 : index
    %get3A_96 = tpu.vector_load %arg8[%get3A_95] {strides = array<i32>} : memref<1024xi32, #tpu.memory_space<vmem>>, vector<16xi32>,
    %iota3A_97 = tpu.iota {dimensions = array<i32: 0>} : vector<16xi32>
    %add3A_98 = arith.constant 256 : i32
    %add3A_99 = vector.broadcast %add3A_98 : i32 to vector<16xi32>
    %add3A_100 = arith.addi %add3A_99, %iota3A_97 : vector<16xi32>
    tpu.vector_store_idx %arg9[%get3A_96], %add3A_100 : memref<1024xi32, #tpu.memory_space<vmem>>[vector<16xi32>], vector<16xi32>,
    %get3A_101 = arith.constant 272 : index
    %get3A_102 = tpu.vector_load %arg8[%get3A_101] {strides = array<i32>} : memref<1024xi32, #tpu.memory_space<vmem>>, vector<16xi32>,
    %iota3A_103 = tpu.iota {dimensions = array<i32: 0>} : vector<16xi32>
    %add3A_104 = arith.constant 272 : i32
    %add3A_105 = vector.broadcast %add3A_104 : i32 to vector<16xi32>
    %add3A_106 = arith.addi %add3A_105, %iota3A_103 : vector<16xi32>
    tpu.vector_store_idx %arg9[%get3A_102], %add3A_106 : memref<1024xi32, #tpu.memory_space<vmem>>[vector<16xi32>], vector<16xi32>,
    %get3A_107 = arith.constant 288 : index
    %get3A_108 = tpu.vector_load %arg8[%get3A_107] {strides = array<i32>} : memref<1024xi32, #tpu.memory_space<vmem>>, vector<16xi32>,
    %iota3A_109 = tpu.iota {dimensions = array<i32: 0>} : vector<16xi32>
    %add3A_110 = arith.constant 288 : i32
    %add3A_111 = vector.broadcast %add3A_110 : i32 to vector<16xi32>
    %add3A_112 = arith.addi %add3A_111, %iota3A_109 : vector<16xi32>
    tpu.vector_store_idx %arg9[%get3A_108], %add3A_112 : memref<1024xi32, #tpu.memory_space<vmem>>[vector<16xi32>], vector<16xi32>,
    %get3A_113 = arith.constant 304 : index
    %get3A_114 = tpu.vector_load %arg8[%get3A_113] {strides = array<i32>} : memref<1024xi32, #tpu.memory_space<vmem>>, vector<16xi32>,
    %iota3A_115 = tpu.iota {dimensions = array<i32: 0>} : vector<16xi32>
    %add3A_116 = arith.constant 304 : i32
    %add3A_117 = vector.broadcast %add3A_116 : i32 to vector<16xi32>
    %add3A_118 = arith.addi %add3A_117, %iota3A_115 : vector<16xi32>
    tpu.vector_store_idx %arg9[%get3A_114], %add3A_118 : memref<1024xi32, #tpu.memory_space<vmem>>[vector<16xi32>], vector<16xi32>,
    %get3A_119 = arith.constant 320 : index
    %get3A_120 = tpu.vector_load %arg8[%get3A_119] {strides = array<i32>} : memref<1024xi32, #tpu.memory_space<vmem>>, vector<16xi32>,
    %iota3A_121 = tpu.iota {dimensions = array<i32: 0>} : vector<16xi32>
    %add3A_122 = arith.constant 320 : i32
    %add3A_123 = vector.broadcast %add3A_122 : i32 to vector<16xi32>
    %add3A_124 = arith.addi %add3A_123, %iota3A_121 : vector<16xi32>
    tpu.vector_store_idx %arg9[%get3A_120], %add3A_124 : memref<1024xi32, #tpu.memory_space<vmem>>[vector<16xi32>], vector<16xi32>,
    %get3A_125 = arith.constant 336 : index
    %get3A_126 = tpu.vector_load %arg8[%get3A_125] {strides = array<i32>} : memref<1024xi32, #tpu.memory_space<vmem>>, vector<16xi32>,
    %iota3A_127 = tpu.iota {dimensions = array<i32: 0>} : vector<16xi32>
    %add3A_128 = arith.constant 336 : i32
    %add3A_129 = vector.broadcast %add3A_128 : i32 to vector<16xi32>
    %add3A_130 = arith.addi %add3A_129, %iota3A_127 : vector<16xi32>
    tpu.vector_store_idx %arg9[%get3A_126], %add3A_130 : memref<1024xi32, #tpu.memory_space<vmem>>[vector<16xi32>], vector<16xi32>,
    %get3A_131 = arith.constant 352 : index
    %get3A_132 = tpu.vector_load %arg8[%get3A_131] {strides = array<i32>} : memref<1024xi32, #tpu.memory_space<vmem>>, vector<16xi32>,
    %iota3A_133 = tpu.iota {dimensions = array<i32: 0>} : vector<16xi32>
    %add3A_134 = arith.constant 352 : i32
    %add3A_135 = vector.broadcast %add3A_134 : i32 to vector<16xi32>
    %add3A_136 = arith.addi %add3A_135, %iota3A_133 : vector<16xi32>
    tpu.vector_store_idx %arg9[%get3A_132], %add3A_136 : memref<1024xi32, #tpu.memory_space<vmem>>[vector<16xi32>], vector<16xi32>,
    %get3A_137 = arith.constant 368 : index
    %get3A_138 = tpu.vector_load %arg8[%get3A_137] {strides = array<i32>} : memref<1024xi32, #tpu.memory_space<vmem>>, vector<16xi32>,
    %iota3A_139 = tpu.iota {dimensions = array<i32: 0>} : vector<16xi32>
    %add3A_140 = arith.constant 368 : i32
    %add3A_141 = vector.broadcast %add3A_140 : i32 to vector<16xi32>
    %add3A_142 = arith.addi %add3A_141, %iota3A_139 : vector<16xi32>
    tpu.vector_store_idx %arg9[%get3A_138], %add3A_142 : memref<1024xi32, #tpu.memory_space<vmem>>[vector<16xi32>], vector<16xi32>,
    %get3A_143 = arith.constant 384 : index
    %get3A_144 = tpu.vector_load %arg8[%get3A_143] {strides = array<i32>} : memref<1024xi32, #tpu.memory_space<vmem>>, vector<16xi32>,
    %iota3A_145 = tpu.iota {dimensions = array<i32: 0>} : vector<16xi32>
    %add3A_146 = arith.constant 384 : i32
    %add3A_147 = vector.broadcast %add3A_146 : i32 to vector<16xi32>
    %add3A_148 = arith.addi %add3A_147, %iota3A_145 : vector<16xi32>
    tpu.vector_store_idx %arg9[%get3A_144], %add3A_148 : memref<1024xi32, #tpu.memory_space<vmem>>[vector<16xi32>], vector<16xi32>,
    %get3A_149 = arith.constant 400 : index
    %get3A_150 = tpu.vector_load %arg8[%get3A_149] {strides = array<i32>} : memref<1024xi32, #tpu.memory_space<vmem>>, vector<16xi32>,
    %iota3A_151 = tpu.iota {dimensions = array<i32: 0>} : vector<16xi32>
    %add3A_152 = arith.constant 400 : i32
    %add3A_153 = vector.broadcast %add3A_152 : i32 to vector<16xi32>
    %add3A_154 = arith.addi %add3A_153, %iota3A_151 : vector<16xi32>
    tpu.vector_store_idx %arg9[%get3A_150], %add3A_154 : memref<1024xi32, #tpu.memory_space<vmem>>[vector<16xi32>], vector<16xi32>,
    %get3A_155 = arith.constant 416 : index
    %get3A_156 = tpu.vector_load %arg8[%get3A_155] {strides = array<i32>} : memref<1024xi32, #tpu.memory_space<vmem>>, vector<16xi32>,
    %iota3A_157 = tpu.iota {dimensions = array<i32: 0>} : vector<16xi32>
    %add3A_158 = arith.constant 416 : i32
    %add3A_159 = vector.broadcast %add3A_158 : i32 to vector<16xi32>
    %add3A_160 = arith.addi %add3A_159, %iota3A_157 : vector<16xi32>
    tpu.vector_store_idx %arg9[%get3A_156], %add3A_160 : memref<1024xi32, #tpu.memory_space<vmem>>[vector<16xi32>], vector<16xi32>,
    %get3A_161 = arith.constant 432 : index
    %get3A_162 = tpu.vector_load %arg8[%get3A_161] {strides = array<i32>} : memref<1024xi32, #tpu.memory_space<vmem>>, vector<16xi32>,
    %iota3A_163 = tpu.iota {dimensions = array<i32: 0>} : vector<16xi32>
    %add3A_164 = arith.constant 432 : i32
    %add3A_165 = vector.broadcast %add3A_164 : i32 to vector<16xi32>
    %add3A_166 = arith.addi %add3A_165, %iota3A_163 : vector<16xi32>
    tpu.vector_store_idx %arg9[%get3A_162], %add3A_166 : memref<1024xi32, #tpu.memory_space<vmem>>[vector<16xi32>], vector<16xi32>,
    %get3A_167 = arith.constant 448 : index
    %get3A_168 = tpu.vector_load %arg8[%get3A_167] {strides = array<i32>} : memref<1024xi32, #tpu.memory_space<vmem>>, vector<16xi32>,
    %iota3A_169 = tpu.iota {dimensions = array<i32: 0>} : vector<16xi32>
    %add3A_170 = arith.constant 448 : i32
    %add3A_171 = vector.broadcast %add3A_170 : i32 to vector<16xi32>
    %add3A_172 = arith.addi %add3A_171, %iota3A_169 : vector<16xi32>
    tpu.vector_store_idx %arg9[%get3A_168], %add3A_172 : memref<1024xi32, #tpu.memory_space<vmem>>[vector<16xi32>], vector<16xi32>,
    %get3A_173 = arith.constant 464 : index
    %get3A_174 = tpu.vector_load %arg8[%get3A_173] {strides = array<i32>} : memref<1024xi32, #tpu.memory_space<vmem>>, vector<16xi32>,
    %iota3A_175 = tpu.iota {dimensions = array<i32: 0>} : vector<16xi32>
    %add3A_176 = arith.constant 464 : i32
    %add3A_177 = vector.broadcast %add3A_176 : i32 to vector<16xi32>
    %add3A_178 = arith.addi %add3A_177, %iota3A_175 : vector<16xi32>
    tpu.vector_store_idx %arg9[%get3A_174], %add3A_178 : memref<1024xi32, #tpu.memory_space<vmem>>[vector<16xi32>], vector<16xi32>,
    %get3A_179 = arith.constant 480 : index
    %get3A_180 = tpu.vector_load %arg8[%get3A_179] {strides = array<i32>} : memref<1024xi32, #tpu.memory_space<vmem>>, vector<16xi32>,
    %iota3A_181 = tpu.iota {dimensions = array<i32: 0>} : vector<16xi32>
    %add3A_182 = arith.constant 480 : i32
    %add3A_183 = vector.broadcast %add3A_182 : i32 to vector<16xi32>
    %add3A_184 = arith.addi %add3A_183, %iota3A_181 : vector<16xi32>
    tpu.vector_store_idx %arg9[%get3A_180], %add3A_184 : memref<1024xi32, #tpu.memory_space<vmem>>[vector<16xi32>], vector<16xi32>,
    %get3A_185 = arith.constant 496 : index
    %get3A_186 = tpu.vector_load %arg8[%get3A_185] {strides = array<i32>} : memref<1024xi32, #tpu.memory_space<vmem>>, vector<16xi32>,
    %iota3A_187 = tpu.iota {dimensions = array<i32: 0>} : vector<16xi32>
    %add3A_188 = arith.constant 496 : i32
    %add3A_189 = vector.broadcast %add3A_188 : i32 to vector<16xi32>
    %add3A_190 = arith.addi %add3A_189, %iota3A_187 : vector<16xi32>
    tpu.vector_store_idx %arg9[%get3A_186], %add3A_190 : memref<1024xi32, #tpu.memory_space<vmem>>[vector<16xi32>], vector<16xi32>,
    %get3A_191 = arith.constant 512 : index
    %get3A_192 = tpu.vector_load %arg8[%get3A_191] {strides = array<i32>} : memref<1024xi32, #tpu.memory_space<vmem>>, vector<16xi32>,
    %iota3A_193 = tpu.iota {dimensions = array<i32: 0>} : vector<16xi32>
    %add3A_194 = arith.constant 512 : i32
    %add3A_195 = vector.broadcast %add3A_194 : i32 to vector<16xi32>
    %add3A_196 = arith.addi %add3A_195, %iota3A_193 : vector<16xi32>
    tpu.vector_store_idx %arg9[%get3A_192], %add3A_196 : memref<1024xi32, #tpu.memory_space<vmem>>[vector<16xi32>], vector<16xi32>,
    %get3A_197 = arith.constant 528 : index
    %get3A_198 = tpu.vector_load %arg8[%get3A_197] {strides = array<i32>} : memref<1024xi32, #tpu.memory_space<vmem>>, vector<16xi32>,
    %iota3A_199 = tpu.iota {dimensions = array<i32: 0>} : vector<16xi32>
    %add3A_200 = arith.constant 528 : i32
    %add3A_201 = vector.broadcast %add3A_200 : i32 to vector<16xi32>
    %add3A_202 = arith.addi %add3A_201, %iota3A_199 : vector<16xi32>
    tpu.vector_store_idx %arg9[%get3A_198], %add3A_202 : memref<1024xi32, #tpu.memory_space<vmem>>[vector<16xi32>], vector<16xi32>,
    %get3A_203 = arith.constant 544 : index
    %get3A_204 = tpu.vector_load %arg8[%get3A_203] {strides = array<i32>} : memref<1024xi32, #tpu.memory_space<vmem>>, vector<16xi32>,
    %iota3A_205 = tpu.iota {dimensions = array<i32: 0>} : vector<16xi32>
    %add3A_206 = arith.constant 544 : i32
    %add3A_207 = vector.broadcast %add3A_206 : i32 to vector<16xi32>
    %add3A_208 = arith.addi %add3A_207, %iota3A_205 : vector<16xi32>
    tpu.vector_store_idx %arg9[%get3A_204], %add3A_208 : memref<1024xi32, #tpu.memory_space<vmem>>[vector<16xi32>], vector<16xi32>,
    %get3A_209 = arith.constant 560 : index
    %get3A_210 = tpu.vector_load %arg8[%get3A_209] {strides = array<i32>} : memref<1024xi32, #tpu.memory_space<vmem>>, vector<16xi32>,
    %iota3A_211 = tpu.iota {dimensions = array<i32: 0>} : vector<16xi32>
    %add3A_212 = arith.constant 560 : i32
    %add3A_213 = vector.broadcast %add3A_212 : i32 to vector<16xi32>
    %add3A_214 = arith.addi %add3A_213, %iota3A_211 : vector<16xi32>
    tpu.vector_store_idx %arg9[%get3A_210], %add3A_214 : memref<1024xi32, #tpu.memory_space<vmem>>[vector<16xi32>], vector<16xi32>,
    %get3A_215 = arith.constant 576 : index
    %get3A_216 = tpu.vector_load %arg8[%get3A_215] {strides = array<i32>} : memref<1024xi32, #tpu.memory_space<vmem>>, vector<16xi32>,
    %iota3A_217 = tpu.iota {dimensions = array<i32: 0>} : vector<16xi32>
    %add3A_218 = arith.constant 576 : i32
    %add3A_219 = vector.broadcast %add3A_218 : i32 to vector<16xi32>
    %add3A_220 = arith.addi %add3A_219, %iota3A_217 : vector<16xi32>
    tpu.vector_store_idx %arg9[%get3A_216], %add3A_220 : memref<1024xi32, #tpu.memory_space<vmem>>[vector<16xi32>], vector<16xi32>,
    %get3A_221 = arith.constant 592 : index
    %get3A_222 = tpu.vector_load %arg8[%get3A_221] {strides = array<i32>} : memref<1024xi32, #tpu.memory_space<vmem>>, vector<16xi32>,
    %iota3A_223 = tpu.iota {dimensions = array<i32: 0>} : vector<16xi32>
    %add3A_224 = arith.constant 592 : i32
    %add3A_225 = vector.broadcast %add3A_224 : i32 to vector<16xi32>
    %add3A_226 = arith.addi %add3A_225, %iota3A_223 : vector<16xi32>
    tpu.vector_store_idx %arg9[%get3A_222], %add3A_226 : memref<1024xi32, #tpu.memory_space<vmem>>[vector<16xi32>], vector<16xi32>,
    %get3A_227 = arith.constant 608 : index
    %get3A_228 = tpu.vector_load %arg8[%get3A_227] {strides = array<i32>} : memref<1024xi32, #tpu.memory_space<vmem>>, vector<16xi32>,
    %iota3A_229 = tpu.iota {dimensions = array<i32: 0>} : vector<16xi32>
    %add3A_230 = arith.constant 608 : i32
    %add3A_231 = vector.broadcast %add3A_230 : i32 to vector<16xi32>
    %add3A_232 = arith.addi %add3A_231, %iota3A_229 : vector<16xi32>
    tpu.vector_store_idx %arg9[%get3A_228], %add3A_232 : memref<1024xi32, #tpu.memory_space<vmem>>[vector<16xi32>], vector<16xi32>,
    %get3A_233 = arith.constant 624 : index
    %get3A_234 = tpu.vector_load %arg8[%get3A_233] {strides = array<i32>} : memref<1024xi32, #tpu.memory_space<vmem>>, vector<16xi32>,
    %iota3A_235 = tpu.iota {dimensions = array<i32: 0>} : vector<16xi32>
    %add3A_236 = arith.constant 624 : i32
    %add3A_237 = vector.broadcast %add3A_236 : i32 to vector<16xi32>
    %add3A_238 = arith.addi %add3A_237, %iota3A_235 : vector<16xi32>
    tpu.vector_store_idx %arg9[%get3A_234], %add3A_238 : memref<1024xi32, #tpu.memory_space<vmem>>[vector<16xi32>], vector<16xi32>,
    %get3A_239 = arith.constant 640 : index
    %get3A_240 = tpu.vector_load %arg8[%get3A_239] {strides = array<i32>} : memref<1024xi32, #tpu.memory_space<vmem>>, vector<16xi32>,
    %iota3A_241 = tpu.iota {dimensions = array<i32: 0>} : vector<16xi32>
    %add3A_242 = arith.constant 640 : i32
    %add3A_243 = vector.broadcast %add3A_242 : i32 to vector<16xi32>
    %add3A_244 = arith.addi %add3A_243, %iota3A_241 : vector<16xi32>
    tpu.vector_store_idx %arg9[%get3A_240], %add3A_244 : memref<1024xi32, #tpu.memory_space<vmem>>[vector<16xi32>], vector<16xi32>,
    %get3A_245 = arith.constant 656 : index
    %get3A_246 = tpu.vector_load %arg8[%get3A_245] {strides = array<i32>} : memref<1024xi32, #tpu.memory_space<vmem>>, vector<16xi32>,
    %iota3A_247 = tpu.iota {dimensions = array<i32: 0>} : vector<16xi32>
    %add3A_248 = arith.constant 656 : i32
    %add3A_249 = vector.broadcast %add3A_248 : i32 to vector<16xi32>
    %add3A_250 = arith.addi %add3A_249, %iota3A_247 : vector<16xi32>
    tpu.vector_store_idx %arg9[%get3A_246], %add3A_250 : memref<1024xi32, #tpu.memory_space<vmem>>[vector<16xi32>], vector<16xi32>,
    %get3A_251 = arith.constant 672 : index
    %get3A_252 = tpu.vector_load %arg8[%get3A_251] {strides = array<i32>} : memref<1024xi32, #tpu.memory_space<vmem>>, vector<16xi32>,
    %iota3A_253 = tpu.iota {dimensions = array<i32: 0>} : vector<16xi32>
    %add3A_254 = arith.constant 672 : i32
    %add3A_255 = vector.broadcast %add3A_254 : i32 to vector<16xi32>
    %add3A_256 = arith.addi %add3A_255, %iota3A_253 : vector<16xi32>
    tpu.vector_store_idx %arg9[%get3A_252], %add3A_256 : memref<1024xi32, #tpu.memory_space<vmem>>[vector<16xi32>], vector<16xi32>,
    %get3A_257 = arith.constant 688 : index
    %get3A_258 = tpu.vector_load %arg8[%get3A_257] {strides = array<i32>} : memref<1024xi32, #tpu.memory_space<vmem>>, vector<16xi32>,
    %iota3A_259 = tpu.iota {dimensions = array<i32: 0>} : vector<16xi32>
    %add3A_260 = arith.constant 688 : i32
    %add3A_261 = vector.broadcast %add3A_260 : i32 to vector<16xi32>
    %add3A_262 = arith.addi %add3A_261, %iota3A_259 : vector<16xi32>
    tpu.vector_store_idx %arg9[%get3A_258], %add3A_262 : memref<1024xi32, #tpu.memory_space<vmem>>[vector<16xi32>], vector<16xi32>,
    %get3A_263 = arith.constant 704 : index
    %get3A_264 = tpu.vector_load %arg8[%get3A_263] {strides = array<i32>} : memref<1024xi32, #tpu.memory_space<vmem>>, vector<16xi32>,
    %iota3A_265 = tpu.iota {dimensions = array<i32: 0>} : vector<16xi32>
    %add3A_266 = arith.constant 704 : i32
    %add3A_267 = vector.broadcast %add3A_266 : i32 to vector<16xi32>
    %add3A_268 = arith.addi %add3A_267, %iota3A_265 : vector<16xi32>
    tpu.vector_store_idx %arg9[%get3A_264], %add3A_268 : memref<1024xi32, #tpu.memory_space<vmem>>[vector<16xi32>], vector<16xi32>,
    %get3A_269 = arith.constant 720 : index
    %get3A_270 = tpu.vector_load %arg8[%get3A_269] {strides = array<i32>} : memref<1024xi32, #tpu.memory_space<vmem>>, vector<16xi32>,
    %iota3A_271 = tpu.iota {dimensions = array<i32: 0>} : vector<16xi32>
    %add3A_272 = arith.constant 720 : i32
    %add3A_273 = vector.broadcast %add3A_272 : i32 to vector<16xi32>
    %add3A_274 = arith.addi %add3A_273, %iota3A_271 : vector<16xi32>
    tpu.vector_store_idx %arg9[%get3A_270], %add3A_274 : memref<1024xi32, #tpu.memory_space<vmem>>[vector<16xi32>], vector<16xi32>,
    %get3A_275 = arith.constant 736 : index
    %get3A_276 = tpu.vector_load %arg8[%get3A_275] {strides = array<i32>} : memref<1024xi32, #tpu.memory_space<vmem>>, vector<16xi32>,
    %iota3A_277 = tpu.iota {dimensions = array<i32: 0>} : vector<16xi32>
    %add3A_278 = arith.constant 736 : i32
    %add3A_279 = vector.broadcast %add3A_278 : i32 to vector<16xi32>
    %add3A_280 = arith.addi %add3A_279, %iota3A_277 : vector<16xi32>
    tpu.vector_store_idx %arg9[%get3A_276], %add3A_280 : memref<1024xi32, #tpu.memory_space<vmem>>[vector<16xi32>], vector<16xi32>,
    %get3A_281 = arith.constant 752 : index
    %get3A_282 = tpu.vector_load %arg8[%get3A_281] {strides = array<i32>} : memref<1024xi32, #tpu.memory_space<vmem>>, vector<16xi32>,
    %iota3A_283 = tpu.iota {dimensions = array<i32: 0>} : vector<16xi32>
    %add3A_284 = arith.constant 752 : i32
    %add3A_285 = vector.broadcast %add3A_284 : i32 to vector<16xi32>
    %add3A_286 = arith.addi %add3A_285, %iota3A_283 : vector<16xi32>
    tpu.vector_store_idx %arg9[%get3A_282], %add3A_286 : memref<1024xi32, #tpu.memory_space<vmem>>[vector<16xi32>], vector<16xi32>,
    %get3A_287 = arith.constant 768 : index
    %get3A_288 = tpu.vector_load %arg8[%get3A_287] {strides = array<i32>} : memref<1024xi32, #tpu.memory_space<vmem>>, vector<16xi32>,
    %iota3A_289 = tpu.iota {dimensions = array<i32: 0>} : vector<16xi32>
    %add3A_290 = arith.constant 768 : i32
    %add3A_291 = vector.broadcast %add3A_290 : i32 to vector<16xi32>
    %add3A_292 = arith.addi %add3A_291, %iota3A_289 : vector<16xi32>
    tpu.vector_store_idx %arg9[%get3A_288], %add3A_292 : memref<1024xi32, #tpu.memory_space<vmem>>[vector<16xi32>], vector<16xi32>,
    %get3A_293 = arith.constant 784 : index
    %get3A_294 = tpu.vector_load %arg8[%get3A_293] {strides = array<i32>} : memref<1024xi32, #tpu.memory_space<vmem>>, vector<16xi32>,
    %iota3A_295 = tpu.iota {dimensions = array<i32: 0>} : vector<16xi32>
    %add3A_296 = arith.constant 784 : i32
    %add3A_297 = vector.broadcast %add3A_296 : i32 to vector<16xi32>
    %add3A_298 = arith.addi %add3A_297, %iota3A_295 : vector<16xi32>
    tpu.vector_store_idx %arg9[%get3A_294], %add3A_298 : memref<1024xi32, #tpu.memory_space<vmem>>[vector<16xi32>], vector<16xi32>,
    %get3A_299 = arith.constant 800 : index
    %get3A_300 = tpu.vector_load %arg8[%get3A_299] {strides = array<i32>} : memref<1024xi32, #tpu.memory_space<vmem>>, vector<16xi32>,
    %iota3A_301 = tpu.iota {dimensions = array<i32: 0>} : vector<16xi32>
    %add3A_302 = arith.constant 800 : i32
    %add3A_303 = vector.broadcast %add3A_302 : i32 to vector<16xi32>
    %add3A_304 = arith.addi %add3A_303, %iota3A_301 : vector<16xi32>
    tpu.vector_store_idx %arg9[%get3A_300], %add3A_304 : memref<1024xi32, #tpu.memory_space<vmem>>[vector<16xi32>], vector<16xi32>,
    %get3A_305 = arith.constant 816 : index
    %get3A_306 = tpu.vector_load %arg8[%get3A_305] {strides = array<i32>} : memref<1024xi32, #tpu.memory_space<vmem>>, vector<16xi32>,
    %iota3A_307 = tpu.iota {dimensions = array<i32: 0>} : vector<16xi32>
    %add3A_308 = arith.constant 816 : i32
    %add3A_309 = vector.broadcast %add3A_308 : i32 to vector<16xi32>
    %add3A_310 = arith.addi %add3A_309, %iota3A_307 : vector<16xi32>
    tpu.vector_store_idx %arg9[%get3A_306], %add3A_310 : memref<1024xi32, #tpu.memory_space<vmem>>[vector<16xi32>], vector<16xi32>,
    %get3A_311 = arith.constant 832 : index
    %get3A_312 = tpu.vector_load %arg8[%get3A_311] {strides = array<i32>} : memref<1024xi32, #tpu.memory_space<vmem>>, vector<16xi32>,
    %iota3A_313 = tpu.iota {dimensions = array<i32: 0>} : vector<16xi32>
    %add3A_314 = arith.constant 832 : i32
    %add3A_315 = vector.broadcast %add3A_314 : i32 to vector<16xi32>
    %add3A_316 = arith.addi %add3A_315, %iota3A_313 : vector<16xi32>
    tpu.vector_store_idx %arg9[%get3A_312], %add3A_316 : memref<1024xi32, #tpu.memory_space<vmem>>[vector<16xi32>], vector<16xi32>,
    %get3A_317 = arith.constant 848 : index
    %get3A_318 = tpu.vector_load %arg8[%get3A_317] {strides = array<i32>} : memref<1024xi32, #tpu.memory_space<vmem>>, vector<16xi32>,
    %iota3A_319 = tpu.iota {dimensions = array<i32: 0>} : vector<16xi32>
    %add3A_320 = arith.constant 848 : i32
    %add3A_321 = vector.broadcast %add3A_320 : i32 to vector<16xi32>
    %add3A_322 = arith.addi %add3A_321, %iota3A_319 : vector<16xi32>
    tpu.vector_store_idx %arg9[%get3A_318], %add3A_322 : memref<1024xi32, #tpu.memory_space<vmem>>[vector<16xi32>], vector<16xi32>,
    %get3A_323 = arith.constant 864 : index
    %get3A_324 = tpu.vector_load %arg8[%get3A_323] {strides = array<i32>} : memref<1024xi32, #tpu.memory_space<vmem>>, vector<16xi32>,
    %iota3A_325 = tpu.iota {dimensions = array<i32: 0>} : vector<16xi32>
    %add3A_326 = arith.constant 864 : i32
    %add3A_327 = vector.broadcast %add3A_326 : i32 to vector<16xi32>
    %add3A_328 = arith.addi %add3A_327, %iota3A_325 : vector<16xi32>
    tpu.vector_store_idx %arg9[%get3A_324], %add3A_328 : memref<1024xi32, #tpu.memory_space<vmem>>[vector<16xi32>], vector<16xi32>,
    %get3A_329 = arith.constant 880 : index
    %get3A_330 = tpu.vector_load %arg8[%get3A_329] {strides = array<i32>} : memref<1024xi32, #tpu.memory_space<vmem>>, vector<16xi32>,
    %iota3A_331 = tpu.iota {dimensions = array<i32: 0>} : vector<16xi32>
    %add3A_332 = arith.constant 880 : i32
    %add3A_333 = vector.broadcast %add3A_332 : i32 to vector<16xi32>
    %add3A_334 = arith.addi %add3A_333, %iota3A_331 : vector<16xi32>
    tpu.vector_store_idx %arg9[%get3A_330], %add3A_334 : memref<1024xi32, #tpu.memory_space<vmem>>[vector<16xi32>], vector<16xi32>,
    %get3A_335 = arith.constant 896 : index
    %get3A_336 = tpu.vector_load %arg8[%get3A_335] {strides = array<i32>} : memref<1024xi32, #tpu.memory_space<vmem>>, vector<16xi32>,
    %iota3A_337 = tpu.iota {dimensions = array<i32: 0>} : vector<16xi32>
    %add3A_338 = arith.constant 896 : i32
    %add3A_339 = vector.broadcast %add3A_338 : i32 to vector<16xi32>
    %add3A_340 = arith.addi %add3A_339, %iota3A_337 : vector<16xi32>
    tpu.vector_store_idx %arg9[%get3A_336], %add3A_340 : memref<1024xi32, #tpu.memory_space<vmem>>[vector<16xi32>], vector<16xi32>,
    %get3A_341 = arith.constant 912 : index
    %get3A_342 = tpu.vector_load %arg8[%get3A_341] {strides = array<i32>} : memref<1024xi32, #tpu.memory_space<vmem>>, vector<16xi32>,
    %iota3A_343 = tpu.iota {dimensions = array<i32: 0>} : vector<16xi32>
    %add3A_344 = arith.constant 912 : i32
    %add3A_345 = vector.broadcast %add3A_344 : i32 to vector<16xi32>
    %add3A_346 = arith.addi %add3A_345, %iota3A_343 : vector<16xi32>
    tpu.vector_store_idx %arg9[%get3A_342], %add3A_346 : memref<1024xi32, #tpu.memory_space<vmem>>[vector<16xi32>], vector<16xi32>,
    %get3A_347 = arith.constant 928 : index
    %get3A_348 = tpu.vector_load %arg8[%get3A_347] {strides = array<i32>} : memref<1024xi32, #tpu.memory_space<vmem>>, vector<16xi32>,
    %iota3A_349 = tpu.iota {dimensions = array<i32: 0>} : vector<16xi32>
    %add3A_350 = arith.constant 928 : i32
    %add3A_351 = vector.broadcast %add3A_350 : i32 to vector<16xi32>
    %add3A_352 = arith.addi %add3A_351, %iota3A_349 : vector<16xi32>
    tpu.vector_store_idx %arg9[%get3A_348], %add3A_352 : memref<1024xi32, #tpu.memory_space<vmem>>[vector<16xi32>], vector<16xi32>,
    %get3A_353 = arith.constant 944 : index
    %get3A_354 = tpu.vector_load %arg8[%get3A_353] {strides = array<i32>} : memref<1024xi32, #tpu.memory_space<vmem>>, vector<16xi32>,
    %iota3A_355 = tpu.iota {dimensions = array<i32: 0>} : vector<16xi32>
    %add3A_356 = arith.constant 944 : i32
    %add3A_357 = vector.broadcast %add3A_356 : i32 to vector<16xi32>
    %add3A_358 = arith.addi %add3A_357, %iota3A_355 : vector<16xi32>
    tpu.vector_store_idx %arg9[%get3A_354], %add3A_358 : memref<1024xi32, #tpu.memory_space<vmem>>[vector<16xi32>], vector<16xi32>,
    %get3A_359 = arith.constant 960 : index
    %get3A_360 = tpu.vector_load %arg8[%get3A_359] {strides = array<i32>} : memref<1024xi32, #tpu.memory_space<vmem>>, vector<16xi32>,
    %iota3A_361 = tpu.iota {dimensions = array<i32: 0>} : vector<16xi32>
    %add3A_362 = arith.constant 960 : i32
    %add3A_363 = vector.broadcast %add3A_362 : i32 to vector<16xi32>
    %add3A_364 = arith.addi %add3A_363, %iota3A_361 : vector<16xi32>
    tpu.vector_store_idx %arg9[%get3A_360], %add3A_364 : memref<1024xi32, #tpu.memory_space<vmem>>[vector<16xi32>], vector<16xi32>,
    %get3A_365 = arith.constant 976 : index
    %get3A_366 = tpu.vector_load %arg8[%get3A_365] {strides = array<i32>} : memref<1024xi32, #tpu.memory_space<vmem>>, vector<16xi32>,
    %iota3A_367 = tpu.iota {dimensions = array<i32: 0>} : vector<16xi32>
    %add3A_368 = arith.constant 976 : i32
    %add3A_369 = vector.broadcast %add3A_368 : i32 to vector<16xi32>
    %add3A_370 = arith.addi %add3A_369, %iota3A_367 : vector<16xi32>
    tpu.vector_store_idx %arg9[%get3A_366], %add3A_370 : memref<1024xi32, #tpu.memory_space<vmem>>[vector<16xi32>], vector<16xi32>,
    %get3A_371 = arith.constant 992 : index
    %get3A_372 = tpu.vector_load %arg8[%get3A_371] {strides = array<i32>} : memref<1024xi32, #tpu.memory_space<vmem>>, vector<16xi32>,
    %iota3A_373 = tpu.iota {dimensions = array<i32: 0>} : vector<16xi32>
    %add3A_374 = arith.constant 992 : i32
    %add3A_375 = vector.broadcast %add3A_374 : i32 to vector<16xi32>
    %add3A_376 = arith.addi %add3A_375, %iota3A_373 : vector<16xi32>
    tpu.vector_store_idx %arg9[%get3A_372], %add3A_376 : memref<1024xi32, #tpu.memory_space<vmem>>[vector<16xi32>], vector<16xi32>,
    %get3A_377 = arith.constant 1008 : index
    %get3A_378 = tpu.vector_load %arg8[%get3A_377] {strides = array<i32>} : memref<1024xi32, #tpu.memory_space<vmem>>, vector<16xi32>,
    %iota3A_379 = tpu.iota {dimensions = array<i32: 0>} : vector<16xi32>
    %add3A_380 = arith.constant 1008 : i32
    %add3A_381 = vector.broadcast %add3A_380 : i32 to vector<16xi32>
    %add3A_382 = arith.addi %add3A_381, %iota3A_379 : vector<16xi32>
    tpu.vector_store_idx %arg9[%get3A_378], %add3A_382 : memref<1024xi32, #tpu.memory_space<vmem>>[vector<16xi32>], vector<16xi32>,
    "tpu.region"() ({
      %run_scoped3A = tpu.sem_alloc : memref<!tpu.dma_semaphore, #tpu.memory_space<semaphore_mem>>
      %dma_start3A_1384 = arith.constant 0 : i32
      %dma_start3A_1385 = tpu.memref_slice %arg7[%add3A, %dma_start3A_1384] : memref<32x1024xi32, #tpu.memory_space<hbm>> -> memref<1x1024xi32, #tpu.memory_space<hbm>>
      %dma_start3A_1386 = tpu.memref_squeeze %dma_start3A_1385 : memref<1x1024xi32, #tpu.memory_space<hbm>> -> memref<1024xi32, #tpu.memory_space<hbm>>
      %dma_start3A_1387 = arith.constant 0 : i32
      %dma_start3A_1388 = tpu.memref_slice %arg7[%add3A, %dma_start3A_1387] : memref<32x1024xi32, #tpu.memory_space<hbm>> -> memref<1x1024xi32, #tpu.memory_space<hbm>>
      %dma_start3A_1389 = tpu.memref_squeeze %dma_start3A_1388 : memref<1x1024xi32, #tpu.memory_space<hbm>> -> memref<1024xi32, #tpu.memory_space<hbm>>
      tpu.enqueue_dma source(%arg9 : memref<1024xi32, #tpu.memory_space<vmem>>) target(%dma_start3A_1389 : memref<1024xi32, #tpu.memory_space<hbm>>) target_semaphore(%run_scoped3A : memref<!tpu.dma_semaphore, #tpu.memory_space<semaphore_mem>>)
      %dma_wait3A_1390 = arith.constant 0 : i32
      %dma_wait3A_1391 = tpu.memref_slice %arg7[%add3A, %dma_wait3A_1390] : memref<32x1024xi32, #tpu.memory_space<hbm>> -> memref<1x1024xi32, #tpu.memory_space<hbm>>
      %dma_wait3A_1392 = tpu.memref_squeeze %dma_wait3A_1391 : memref<1x1024xi32, #tpu.memory_space<hbm>> -> memref<1024xi32, #tpu.memory_space<hbm>>
      %dma_wait3A_1393 = arith.constant 0 : i32
      %dma_wait3A_1394 = tpu.memref_slice %arg7[%add3A, %dma_wait3A_1393] : memref<32x1024xi32, #tpu.memory_space<hbm>> -> memref<1x1024xi32, #tpu.memory_space<hbm>>
      %dma_wait3A_1395 = tpu.memref_squeeze %dma_wait3A_1394 : memref<1x1024xi32, #tpu.memory_space<hbm>> -> memref<1024xi32, #tpu.memory_space<hbm>>
      tpu.wait_dma2 semaphore(%run_scoped3A : memref<!tpu.dma_semaphore, #tpu.memory_space<semaphore_mem>>) src(%arg9 : memref<1024xi32, #tpu.memory_space<vmem>>) dst(%dma_wait3A_1395 : memref<1024xi32, #tpu.memory_space<hbm>>)
      tpu.yield
    }) : () -> ()
    %get3A_383 = arith.constant 0 : index
    %get3A_384 = tpu.vector_load %arg9[%get3A_383] {strides = array<i32>} : memref<1024xi32, #tpu.memory_space<vmem>>, vector<16xi32>,
    %mul3A_385 = arith.constant 1024 : i32
    %mul3A_386 = arith.muli %add3A, %mul3A_385 : i32
    %add3A_387 = vector.broadcast %mul3A_386 : i32 to vector<16xi32>
    %add3A_388 = arith.addi %get3A_384, %add3A_387 : vector<16xi32>
    %swap3A = arith.constant 0 : index
    %swap3A_389 = tpu.vector_load %arg10[%swap3A] {strides = array<i32>} : memref<1024xi32, #tpu.memory_space<vmem>>, vector<16xi32>,
    tpu.vector_store %arg10[%swap3A], %add3A_388 {strides = array<i32>} : memref<1024xi32, #tpu.memory_space<vmem>>, vector<16xi32>,
    %mul3A_390 = arith.constant 32 : i32
    %mul3A_391 = vector.broadcast %mul3A_390 : i32 to vector<16xi32>
    %mul3A_392 = arith.muli %get3A_384, %mul3A_391 : vector<16xi32>
    %add3A_393 = vector.broadcast %add3A : i32 to vector<16xi32>
    %add3A_394 = arith.addi %mul3A_392, %add3A_393 : vector<16xi32>
    %swap3A_395 = arith.constant 0 : index
    %swap3A_396 = tpu.vector_load %arg11[%swap3A_395] {strides = array<i32>} : memref<1024xi32, #tpu.memory_space<vmem>>, vector<16xi32>,
    tpu.vector_store %arg11[%swap3A_395], %add3A_394 {strides = array<i32>} : memref<1024xi32, #tpu.memory_space<vmem>>, vector<16xi32>,
    %get3A_397 = arith.constant 16 : index
    %get3A_398 = tpu.vector_load %arg9[%get3A_397] {strides = array<i32>} : memref<1024xi32, #tpu.memory_space<vmem>>, vector<16xi32>,
    %mul3A_399 = arith.constant 1024 : i32
    %mul3A_400 = arith.muli %add3A, %mul3A_399 : i32
    %add3A_401 = vector.broadcast %mul3A_400 : i32 to vector<16xi32>
    %add3A_402 = arith.addi %get3A_398, %add3A_401 : vector<16xi32>
    %swap3A_403 = arith.constant 16 : index
    %swap3A_404 = tpu.vector_load %arg10[%swap3A_403] {strides = array<i32>} : memref<1024xi32, #tpu.memory_space<vmem>>, vector<16xi32>,
    tpu.vector_store %arg10[%swap3A_403], %add3A_402 {strides = array<i32>} : memref<1024xi32, #tpu.memory_space<vmem>>, vector<16xi32>,
    %mul3A_405 = arith.constant 32 : i32
    %mul3A_406 = vector.broadcast %mul3A_405 : i32 to vector<16xi32>
    %mul3A_407 = arith.muli %get3A_398, %mul3A_406 : vector<16xi32>
    %add3A_408 = vector.broadcast %add3A : i32 to vector<16xi32>
    %add3A_409 = arith.addi %mul3A_407, %add3A_408 : vector<16xi32>
    %swap3A_410 = arith.constant 16 : index
    %swap3A_411 = tpu.vector_load %arg11[%swap3A_410] {strides = array<i32>} : memref<1024xi32, #tpu.memory_space<vmem>>, vector<16xi32>,
    tpu.vector_store %arg11[%swap3A_410], %add3A_409 {strides = array<i32>} : memref<1024xi32, #tpu.memory_space<vmem>>, vector<16xi32>,
    %get3A_412 = arith.constant 32 : index
    %get3A_413 = tpu.vector_load %arg9[%get3A_412] {strides = array<i32>} : memref<1024xi32, #tpu.memory_space<vmem>>, vector<16xi32>,
    %mul3A_414 = arith.constant 1024 : i32
    %mul3A_415 = arith.muli %add3A, %mul3A_414 : i32
    %add3A_416 = vector.broadcast %mul3A_415 : i32 to vector<16xi32>
    %add3A_417 = arith.addi %get3A_413, %add3A_416 : vector<16xi32>
    %swap3A_418 = arith.constant 32 : index
    %swap3A_419 = tpu.vector_load %arg10[%swap3A_418] {strides = array<i32>} : memref<1024xi32, #tpu.memory_space<vmem>>, vector<16xi32>,
    tpu.vector_store %arg10[%swap3A_418], %add3A_417 {strides = array<i32>} : memref<1024xi32, #tpu.memory_space<vmem>>, vector<16xi32>,
    %mul3A_420 = arith.constant 32 : i32
    %mul3A_421 = vector.broadcast %mul3A_420 : i32 to vector<16xi32>
    %mul3A_422 = arith.muli %get3A_413, %mul3A_421 : vector<16xi32>
    %add3A_423 = vector.broadcast %add3A : i32 to vector<16xi32>
    %add3A_424 = arith.addi %mul3A_422, %add3A_423 : vector<16xi32>
    %swap3A_425 = arith.constant 32 : index
    %swap3A_426 = tpu.vector_load %arg11[%swap3A_425] {strides = array<i32>} : memref<1024xi32, #tpu.memory_space<vmem>>, vector<16xi32>,
    tpu.vector_store %arg11[%swap3A_425], %add3A_424 {strides = array<i32>} : memref<1024xi32, #tpu.memory_space<vmem>>, vector<16xi32>,
    %get3A_427 = arith.constant 48 : index
    %get3A_428 = tpu.vector_load %arg9[%get3A_427] {strides = array<i32>} : memref<1024xi32, #tpu.memory_space<vmem>>, vector<16xi32>,
    %mul3A_429 = arith.constant 1024 : i32
    %mul3A_430 = arith.muli %add3A, %mul3A_429 : i32
    %add3A_431 = vector.broadcast %mul3A_430 : i32 to vector<16xi32>
    %add3A_432 = arith.addi %get3A_428, %add3A_431 : vector<16xi32>
    %swap3A_433 = arith.constant 48 : index
    %swap3A_434 = tpu.vector_load %arg10[%swap3A_433] {strides = array<i32>} : memref<1024xi32, #tpu.memory_space<vmem>>, vector<16xi32>,
    tpu.vector_store %arg10[%swap3A_433], %add3A_432 {strides = array<i32>} : memref<1024xi32, #tpu.memory_space<vmem>>, vector<16xi32>,
    %mul3A_435 = arith.constant 32 : i32
    %mul3A_436 = vector.broadcast %mul3A_435 : i32 to vector<16xi32>
    %mul3A_437 = arith.muli %get3A_428, %mul3A_436 : vector<16xi32>
    %add3A_438 = vector.broadcast %add3A : i32 to vector<16xi32>
    %add3A_439 = arith.addi %mul3A_437, %add3A_438 : vector<16xi32>
    %swap3A_440 = arith.constant 48 : index
    %swap3A_441 = tpu.vector_load %arg11[%swap3A_440] {strides = array<i32>} : memref<1024xi32, #tpu.memory_space<vmem>>, vector<16xi32>,
    tpu.vector_store %arg11[%swap3A_440], %add3A_439 {strides = array<i32>} : memref<1024xi32, #tpu.memory_space<vmem>>, vector<16xi32>,
    %get3A_442 = arith.constant 64 : index
    %get3A_443 = tpu.vector_load %arg9[%get3A_442] {strides = array<i32>} : memref<1024xi32, #tpu.memory_space<vmem>>, vector<16xi32>,
    %mul3A_444 = arith.constant 1024 : i32
    %mul3A_445 = arith.muli %add3A, %mul3A_444 : i32
    %add3A_446 = vector.broadcast %mul3A_445 : i32 to vector<16xi32>
    %add3A_447 = arith.addi %get3A_443, %add3A_446 : vector<16xi32>
    %swap3A_448 = arith.constant 64 : index
    %swap3A_449 = tpu.vector_load %arg10[%swap3A_448] {strides = array<i32>} : memref<1024xi32, #tpu.memory_space<vmem>>, vector<16xi32>,
    tpu.vector_store %arg10[%swap3A_448], %add3A_447 {strides = array<i32>} : memref<1024xi32, #tpu.memory_space<vmem>>, vector<16xi32>,
    %mul3A_450 = arith.constant 32 : i32
    %mul3A_451 = vector.broadcast %mul3A_450 : i32 to vector<16xi32>
    %mul3A_452 = arith.muli %get3A_443, %mul3A_451 : vector<16xi32>
    %add3A_453 = vector.broadcast %add3A : i32 to vector<16xi32>
    %add3A_454 = arith.addi %mul3A_452, %add3A_453 : vector<16xi32>
    %swap3A_455 = arith.constant 64 : index
    %swap3A_456 = tpu.vector_load %arg11[%swap3A_455] {strides = array<i32>} : memref<1024xi32, #tpu.memory_space<vmem>>, vector<16xi32>,
    tpu.vector_store %arg11[%swap3A_455], %add3A_454 {strides = array<i32>} : memref<1024xi32, #tpu.memory_space<vmem>>, vector<16xi32>,
    %get3A_457 = arith.constant 80 : index
    %get3A_458 = tpu.vector_load %arg9[%get3A_457] {strides = array<i32>} : memref<1024xi32, #tpu.memory_space<vmem>>, vector<16xi32>,
    %mul3A_459 = arith.constant 1024 : i32
    %mul3A_460 = arith.muli %add3A, %mul3A_459 : i32
    %add3A_461 = vector.broadcast %mul3A_460 : i32 to vector<16xi32>
    %add3A_462 = arith.addi %get3A_458, %add3A_461 : vector<16xi32>
    %swap3A_463 = arith.constant 80 : index
    %swap3A_464 = tpu.vector_load %arg10[%swap3A_463] {strides = array<i32>} : memref<1024xi32, #tpu.memory_space<vmem>>, vector<16xi32>,
    tpu.vector_store %arg10[%swap3A_463], %add3A_462 {strides = array<i32>} : memref<1024xi32, #tpu.memory_space<vmem>>, vector<16xi32>,
    %mul3A_465 = arith.constant 32 : i32
    %mul3A_466 = vector.broadcast %mul3A_465 : i32 to vector<16xi32>
    %mul3A_467 = arith.muli %get3A_458, %mul3A_466 : vector<16xi32>
    %add3A_468 = vector.broadcast %add3A : i32 to vector<16xi32>
    %add3A_469 = arith.addi %mul3A_467, %add3A_468 : vector<16xi32>
    %swap3A_470 = arith.constant 80 : index
    %swap3A_471 = tpu.vector_load %arg11[%swap3A_470] {strides = array<i32>} : memref<1024xi32, #tpu.memory_space<vmem>>, vector<16xi32>,
    tpu.vector_store %arg11[%swap3A_470], %add3A_469 {strides = array<i32>} : memref<1024xi32, #tpu.memory_space<vmem>>, vector<16xi32>,
    %get3A_472 = arith.constant 96 : index
    %get3A_473 = tpu.vector_load %arg9[%get3A_472] {strides = array<i32>} : memref<1024xi32, #tpu.memory_space<vmem>>, vector<16xi32>,
    %mul3A_474 = arith.constant 1024 : i32
    %mul3A_475 = arith.muli %add3A, %mul3A_474 : i32
    %add3A_476 = vector.broadcast %mul3A_475 : i32 to vector<16xi32>
    %add3A_477 = arith.addi %get3A_473, %add3A_476 : vector<16xi32>
    %swap3A_478 = arith.constant 96 : index
    %swap3A_479 = tpu.vector_load %arg10[%swap3A_478] {strides = array<i32>} : memref<1024xi32, #tpu.memory_space<vmem>>, vector<16xi32>,
    tpu.vector_store %arg10[%swap3A_478], %add3A_477 {strides = array<i32>} : memref<1024xi32, #tpu.memory_space<vmem>>, vector<16xi32>,
    %mul3A_480 = arith.constant 32 : i32
    %mul3A_481 = vector.broadcast %mul3A_480 : i32 to vector<16xi32>
    %mul3A_482 = arith.muli %get3A_473, %mul3A_481 : vector<16xi32>
    %add3A_483 = vector.broadcast %add3A : i32 to vector<16xi32>
    %add3A_484 = arith.addi %mul3A_482, %add3A_483 : vector<16xi32>
    %swap3A_485 = arith.constant 96 : index
    %swap3A_486 = tpu.vector_load %arg11[%swap3A_485] {strides = array<i32>} : memref<1024xi32, #tpu.memory_space<vmem>>, vector<16xi32>,
    tpu.vector_store %arg11[%swap3A_485], %add3A_484 {strides = array<i32>} : memref<1024xi32, #tpu.memory_space<vmem>>, vector<16xi32>,
    %get3A_487 = arith.constant 112 : index
    %get3A_488 = tpu.vector_load %arg9[%get3A_487] {strides = array<i32>} : memref<1024xi32, #tpu.memory_space<vmem>>, vector<16xi32>,
    %mul3A_489 = arith.constant 1024 : i32
    %mul3A_490 = arith.muli %add3A, %mul3A_489 : i32
    %add3A_491 = vector.broadcast %mul3A_490 : i32 to vector<16xi32>
    %add3A_492 = arith.addi %get3A_488, %add3A_491 : vector<16xi32>
    %swap3A_493 = arith.constant 112 : index
    %swap3A_494 = tpu.vector_load %arg10[%swap3A_493] {strides = array<i32>} : memref<1024xi32, #tpu.memory_space<vmem>>, vector<16xi32>,
    tpu.vector_store %arg10[%swap3A_493], %add3A_492 {strides = array<i32>} : memref<1024xi32, #tpu.memory_space<vmem>>, vector<16xi32>,
    %mul3A_495 = arith.constant 32 : i32
    %mul3A_496 = vector.broadcast %mul3A_495 : i32 to vector<16xi32>
    %mul3A_497 = arith.muli %get3A_488, %mul3A_496 : vector<16xi32>
    %add3A_498 = vector.broadcast %add3A : i32 to vector<16xi32>
    %add3A_499 = arith.addi %mul3A_497, %add3A_498 : vector<16xi32>
    %swap3A_500 = arith.constant 112 : index
    %swap3A_501 = tpu.vector_load %arg11[%swap3A_500] {strides = array<i32>} : memref<1024xi32, #tpu.memory_space<vmem>>, vector<16xi32>,
    tpu.vector_store %arg11[%swap3A_500], %add3A_499 {strides = array<i32>} : memref<1024xi32, #tpu.memory_space<vmem>>, vector<16xi32>,
    %get3A_502 = arith.constant 128 : index
    %get3A_503 = tpu.vector_load %arg9[%get3A_502] {strides = array<i32>} : memref<1024xi32, #tpu.memory_space<vmem>>, vector<16xi32>,
    %mul3A_504 = arith.constant 1024 : i32
    %mul3A_505 = arith.muli %add3A, %mul3A_504 : i32
    %add3A_506 = vector.broadcast %mul3A_505 : i32 to vector<16xi32>
    %add3A_507 = arith.addi %get3A_503, %add3A_506 : vector<16xi32>
    %swap3A_508 = arith.constant 128 : index
    %swap3A_509 = tpu.vector_load %arg10[%swap3A_508] {strides = array<i32>} : memref<1024xi32, #tpu.memory_space<vmem>>, vector<16xi32>,
    tpu.vector_store %arg10[%swap3A_508], %add3A_507 {strides = array<i32>} : memref<1024xi32, #tpu.memory_space<vmem>>, vector<16xi32>,
    %mul3A_510 = arith.constant 32 : i32
    %mul3A_511 = vector.broadcast %mul3A_510 : i32 to vector<16xi32>
    %mul3A_512 = arith.muli %get3A_503, %mul3A_511 : vector<16xi32>
    %add3A_513 = vector.broadcast %add3A : i32 to vector<16xi32>
    %add3A_514 = arith.addi %mul3A_512, %add3A_513 : vector<16xi32>
    %swap3A_515 = arith.constant 128 : index
    %swap3A_516 = tpu.vector_load %arg11[%swap3A_515] {strides = array<i32>} : memref<1024xi32, #tpu.memory_space<vmem>>, vector<16xi32>,
    tpu.vector_store %arg11[%swap3A_515], %add3A_514 {strides = array<i32>} : memref<1024xi32, #tpu.memory_space<vmem>>, vector<16xi32>,
    %get3A_517 = arith.constant 144 : index
    %get3A_518 = tpu.vector_load %arg9[%get3A_517] {strides = array<i32>} : memref<1024xi32, #tpu.memory_space<vmem>>, vector<16xi32>,
    %mul3A_519 = arith.constant 1024 : i32
    %mul3A_520 = arith.muli %add3A, %mul3A_519 : i32
    %add3A_521 = vector.broadcast %mul3A_520 : i32 to vector<16xi32>
    %add3A_522 = arith.addi %get3A_518, %add3A_521 : vector<16xi32>
    %swap3A_523 = arith.constant 144 : index
    %swap3A_524 = tpu.vector_load %arg10[%swap3A_523] {strides = array<i32>} : memref<1024xi32, #tpu.memory_space<vmem>>, vector<16xi32>,
    tpu.vector_store %arg10[%swap3A_523], %add3A_522 {strides = array<i32>} : memref<1024xi32, #tpu.memory_space<vmem>>, vector<16xi32>,
    %mul3A_525 = arith.constant 32 : i32
    %mul3A_526 = vector.broadcast %mul3A_525 : i32 to vector<16xi32>
    %mul3A_527 = arith.muli %get3A_518, %mul3A_526 : vector<16xi32>
    %add3A_528 = vector.broadcast %add3A : i32 to vector<16xi32>
    %add3A_529 = arith.addi %mul3A_527, %add3A_528 : vector<16xi32>
    %swap3A_530 = arith.constant 144 : index
    %swap3A_531 = tpu.vector_load %arg11[%swap3A_530] {strides = array<i32>} : memref<1024xi32, #tpu.memory_space<vmem>>, vector<16xi32>,
    tpu.vector_store %arg11[%swap3A_530], %add3A_529 {strides = array<i32>} : memref<1024xi32, #tpu.memory_space<vmem>>, vector<16xi32>,
    %get3A_532 = arith.constant 160 : index
    %get3A_533 = tpu.vector_load %arg9[%get3A_532] {strides = array<i32>} : memref<1024xi32, #tpu.memory_space<vmem>>, vector<16xi32>,
    %mul3A_534 = arith.constant 1024 : i32
    %mul3A_535 = arith.muli %add3A, %mul3A_534 : i32
    %add3A_536 = vector.broadcast %mul3A_535 : i32 to vector<16xi32>
    %add3A_537 = arith.addi %get3A_533, %add3A_536 : vector<16xi32>
    %swap3A_538 = arith.constant 160 : index
    %swap3A_539 = tpu.vector_load %arg10[%swap3A_538] {strides = array<i32>} : memref<1024xi32, #tpu.memory_space<vmem>>, vector<16xi32>,
    tpu.vector_store %arg10[%swap3A_538], %add3A_537 {strides = array<i32>} : memref<1024xi32, #tpu.memory_space<vmem>>, vector<16xi32>,
    %mul3A_540 = arith.constant 32 : i32
    %mul3A_541 = vector.broadcast %mul3A_540 : i32 to vector<16xi32>
    %mul3A_542 = arith.muli %get3A_533, %mul3A_541 : vector<16xi32>
    %add3A_543 = vector.broadcast %add3A : i32 to vector<16xi32>
    %add3A_544 = arith.addi %mul3A_542, %add3A_543 : vector<16xi32>
    %swap3A_545 = arith.constant 160 : index
    %swap3A_546 = tpu.vector_load %arg11[%swap3A_545] {strides = array<i32>} : memref<1024xi32, #tpu.memory_space<vmem>>, vector<16xi32>,
    tpu.vector_store %arg11[%swap3A_545], %add3A_544 {strides = array<i32>} : memref<1024xi32, #tpu.memory_space<vmem>>, vector<16xi32>,
    %get3A_547 = arith.constant 176 : index
    %get3A_548 = tpu.vector_load %arg9[%get3A_547] {strides = array<i32>} : memref<1024xi32, #tpu.memory_space<vmem>>, vector<16xi32>,
    %mul3A_549 = arith.constant 1024 : i32
    %mul3A_550 = arith.muli %add3A, %mul3A_549 : i32
    %add3A_551 = vector.broadcast %mul3A_550 : i32 to vector<16xi32>
    %add3A_552 = arith.addi %get3A_548, %add3A_551 : vector<16xi32>
    %swap3A_553 = arith.constant 176 : index
    %swap3A_554 = tpu.vector_load %arg10[%swap3A_553] {strides = array<i32>} : memref<1024xi32, #tpu.memory_space<vmem>>, vector<16xi32>,
    tpu.vector_store %arg10[%swap3A_553], %add3A_552 {strides = array<i32>} : memref<1024xi32, #tpu.memory_space<vmem>>, vector<16xi32>,
    %mul3A_555 = arith.constant 32 : i32
    %mul3A_556 = vector.broadcast %mul3A_555 : i32 to vector<16xi32>
    %mul3A_557 = arith.muli %get3A_548, %mul3A_556 : vector<16xi32>
    %add3A_558 = vector.broadcast %add3A : i32 to vector<16xi32>
    %add3A_559 = arith.addi %mul3A_557, %add3A_558 : vector<16xi32>
    %swap3A_560 = arith.constant 176 : index
    %swap3A_561 = tpu.vector_load %arg11[%swap3A_560] {strides = array<i32>} : memref<1024xi32, #tpu.memory_space<vmem>>, vector<16xi32>,
    tpu.vector_store %arg11[%swap3A_560], %add3A_559 {strides = array<i32>} : memref<1024xi32, #tpu.memory_space<vmem>>, vector<16xi32>,
    %get3A_562 = arith.constant 192 : index
    %get3A_563 = tpu.vector_load %arg9[%get3A_562] {strides = array<i32>} : memref<1024xi32, #tpu.memory_space<vmem>>, vector<16xi32>,
    %mul3A_564 = arith.constant 1024 : i32
    %mul3A_565 = arith.muli %add3A, %mul3A_564 : i32
    %add3A_566 = vector.broadcast %mul3A_565 : i32 to vector<16xi32>
    %add3A_567 = arith.addi %get3A_563, %add3A_566 : vector<16xi32>
    %swap3A_568 = arith.constant 192 : index
    %swap3A_569 = tpu.vector_load %arg10[%swap3A_568] {strides = array<i32>} : memref<1024xi32, #tpu.memory_space<vmem>>, vector<16xi32>,
    tpu.vector_store %arg10[%swap3A_568], %add3A_567 {strides = array<i32>} : memref<1024xi32, #tpu.memory_space<vmem>>, vector<16xi32>,
    %mul3A_570 = arith.constant 32 : i32
    %mul3A_571 = vector.broadcast %mul3A_570 : i32 to vector<16xi32>
    %mul3A_572 = arith.muli %get3A_563, %mul3A_571 : vector<16xi32>
    %add3A_573 = vector.broadcast %add3A : i32 to vector<16xi32>
    %add3A_574 = arith.addi %mul3A_572, %add3A_573 : vector<16xi32>
    %swap3A_575 = arith.constant 192 : index
    %swap3A_576 = tpu.vector_load %arg11[%swap3A_575] {strides = array<i32>} : memref<1024xi32, #tpu.memory_space<vmem>>, vector<16xi32>,
    tpu.vector_store %arg11[%swap3A_575], %add3A_574 {strides = array<i32>} : memref<1024xi32, #tpu.memory_space<vmem>>, vector<16xi32>,
    %get3A_577 = arith.constant 208 : index
    %get3A_578 = tpu.vector_load %arg9[%get3A_577] {strides = array<i32>} : memref<1024xi32, #tpu.memory_space<vmem>>, vector<16xi32>,
    %mul3A_579 = arith.constant 1024 : i32
    %mul3A_580 = arith.muli %add3A, %mul3A_579 : i32
    %add3A_581 = vector.broadcast %mul3A_580 : i32 to vector<16xi32>
    %add3A_582 = arith.addi %get3A_578, %add3A_581 : vector<16xi32>
    %swap3A_583 = arith.constant 208 : index
    %swap3A_584 = tpu.vector_load %arg10[%swap3A_583] {strides = array<i32>} : memref<1024xi32, #tpu.memory_space<vmem>>, vector<16xi32>,
    tpu.vector_store %arg10[%swap3A_583], %add3A_582 {strides = array<i32>} : memref<1024xi32, #tpu.memory_space<vmem>>, vector<16xi32>,
    %mul3A_585 = arith.constant 32 : i32
    %mul3A_586 = vector.broadcast %mul3A_585 : i32 to vector<16xi32>
    %mul3A_587 = arith.muli %get3A_578, %mul3A_586 : vector<16xi32>
    %add3A_588 = vector.broadcast %add3A : i32 to vector<16xi32>
    %add3A_589 = arith.addi %mul3A_587, %add3A_588 : vector<16xi32>
    %swap3A_590 = arith.constant 208 : index
    %swap3A_591 = tpu.vector_load %arg11[%swap3A_590] {strides = array<i32>} : memref<1024xi32, #tpu.memory_space<vmem>>, vector<16xi32>,
    tpu.vector_store %arg11[%swap3A_590], %add3A_589 {strides = array<i32>} : memref<1024xi32, #tpu.memory_space<vmem>>, vector<16xi32>,
    %get3A_592 = arith.constant 224 : index
    %get3A_593 = tpu.vector_load %arg9[%get3A_592] {strides = array<i32>} : memref<1024xi32, #tpu.memory_space<vmem>>, vector<16xi32>,
    %mul3A_594 = arith.constant 1024 : i32
    %mul3A_595 = arith.muli %add3A, %mul3A_594 : i32
    %add3A_596 = vector.broadcast %mul3A_595 : i32 to vector<16xi32>
    %add3A_597 = arith.addi %get3A_593, %add3A_596 : vector<16xi32>
    %swap3A_598 = arith.constant 224 : index
    %swap3A_599 = tpu.vector_load %arg10[%swap3A_598] {strides = array<i32>} : memref<1024xi32, #tpu.memory_space<vmem>>, vector<16xi32>,
    tpu.vector_store %arg10[%swap3A_598], %add3A_597 {strides = array<i32>} : memref<1024xi32, #tpu.memory_space<vmem>>, vector<16xi32>,
    %mul3A_600 = arith.constant 32 : i32
    %mul3A_601 = vector.broadcast %mul3A_600 : i32 to vector<16xi32>
    %mul3A_602 = arith.muli %get3A_593, %mul3A_601 : vector<16xi32>
    %add3A_603 = vector.broadcast %add3A : i32 to vector<16xi32>
    %add3A_604 = arith.addi %mul3A_602, %add3A_603 : vector<16xi32>
    %swap3A_605 = arith.constant 224 : index
    %swap3A_606 = tpu.vector_load %arg11[%swap3A_605] {strides = array<i32>} : memref<1024xi32, #tpu.memory_space<vmem>>, vector<16xi32>,
    tpu.vector_store %arg11[%swap3A_605], %add3A_604 {strides = array<i32>} : memref<1024xi32, #tpu.memory_space<vmem>>, vector<16xi32>,
    %get3A_607 = arith.constant 240 : index
    %get3A_608 = tpu.vector_load %arg9[%get3A_607] {strides = array<i32>} : memref<1024xi32, #tpu.memory_space<vmem>>, vector<16xi32>,
    %mul3A_609 = arith.constant 1024 : i32
    %mul3A_610 = arith.muli %add3A, %mul3A_609 : i32
    %add3A_611 = vector.broadcast %mul3A_610 : i32 to vector<16xi32>
    %add3A_612 = arith.addi %get3A_608, %add3A_611 : vector<16xi32>
    %swap3A_613 = arith.constant 240 : index
    %swap3A_614 = tpu.vector_load %arg10[%swap3A_613] {strides = array<i32>} : memref<1024xi32, #tpu.memory_space<vmem>>, vector<16xi32>,
    tpu.vector_store %arg10[%swap3A_613], %add3A_612 {strides = array<i32>} : memref<1024xi32, #tpu.memory_space<vmem>>, vector<16xi32>,
    %mul3A_615 = arith.constant 32 : i32
    %mul3A_616 = vector.broadcast %mul3A_615 : i32 to vector<16xi32>
    %mul3A_617 = arith.muli %get3A_608, %mul3A_616 : vector<16xi32>
    %add3A_618 = vector.broadcast %add3A : i32 to vector<16xi32>
    %add3A_619 = arith.addi %mul3A_617, %add3A_618 : vector<16xi32>
    %swap3A_620 = arith.constant 240 : index
    %swap3A_621 = tpu.vector_load %arg11[%swap3A_620] {strides = array<i32>} : memref<1024xi32, #tpu.memory_space<vmem>>, vector<16xi32>,
    tpu.vector_store %arg11[%swap3A_620], %add3A_619 {strides = array<i32>} : memref<1024xi32, #tpu.memory_space<vmem>>, vector<16xi32>,
    %get3A_622 = arith.constant 256 : index
    %get3A_623 = tpu.vector_load %arg9[%get3A_622] {strides = array<i32>} : memref<1024xi32, #tpu.memory_space<vmem>>, vector<16xi32>,
    %mul3A_624 = arith.constant 1024 : i32
    %mul3A_625 = arith.muli %add3A, %mul3A_624 : i32
    %add3A_626 = vector.broadcast %mul3A_625 : i32 to vector<16xi32>
    %add3A_627 = arith.addi %get3A_623, %add3A_626 : vector<16xi32>
    %swap3A_628 = arith.constant 256 : index
    %swap3A_629 = tpu.vector_load %arg10[%swap3A_628] {strides = array<i32>} : memref<1024xi32, #tpu.memory_space<vmem>>, vector<16xi32>,
    tpu.vector_store %arg10[%swap3A_628], %add3A_627 {strides = array<i32>} : memref<1024xi32, #tpu.memory_space<vmem>>, vector<16xi32>,
    %mul3A_630 = arith.constant 32 : i32
    %mul3A_631 = vector.broadcast %mul3A_630 : i32 to vector<16xi32>
    %mul3A_632 = arith.muli %get3A_623, %mul3A_631 : vector<16xi32>
    %add3A_633 = vector.broadcast %add3A : i32 to vector<16xi32>
    %add3A_634 = arith.addi %mul3A_632, %add3A_633 : vector<16xi32>
    %swap3A_635 = arith.constant 256 : index
    %swap3A_636 = tpu.vector_load %arg11[%swap3A_635] {strides = array<i32>} : memref<1024xi32, #tpu.memory_space<vmem>>, vector<16xi32>,
    tpu.vector_store %arg11[%swap3A_635], %add3A_634 {strides = array<i32>} : memref<1024xi32, #tpu.memory_space<vmem>>, vector<16xi32>,
    %get3A_637 = arith.constant 272 : index
    %get3A_638 = tpu.vector_load %arg9[%get3A_637] {strides = array<i32>} : memref<1024xi32, #tpu.memory_space<vmem>>, vector<16xi32>,
    %mul3A_639 = arith.constant 1024 : i32
    %mul3A_640 = arith.muli %add3A, %mul3A_639 : i32
    %add3A_641 = vector.broadcast %mul3A_640 : i32 to vector<16xi32>
    %add3A_642 = arith.addi %get3A_638, %add3A_641 : vector<16xi32>
    %swap3A_643 = arith.constant 272 : index
    %swap3A_644 = tpu.vector_load %arg10[%swap3A_643] {strides = array<i32>} : memref<1024xi32, #tpu.memory_space<vmem>>, vector<16xi32>,
    tpu.vector_store %arg10[%swap3A_643], %add3A_642 {strides = array<i32>} : memref<1024xi32, #tpu.memory_space<vmem>>, vector<16xi32>,
    %mul3A_645 = arith.constant 32 : i32
    %mul3A_646 = vector.broadcast %mul3A_645 : i32 to vector<16xi32>
    %mul3A_647 = arith.muli %get3A_638, %mul3A_646 : vector<16xi32>
    %add3A_648 = vector.broadcast %add3A : i32 to vector<16xi32>
    %add3A_649 = arith.addi %mul3A_647, %add3A_648 : vector<16xi32>
    %swap3A_650 = arith.constant 272 : index
    %swap3A_651 = tpu.vector_load %arg11[%swap3A_650] {strides = array<i32>} : memref<1024xi32, #tpu.memory_space<vmem>>, vector<16xi32>,
    tpu.vector_store %arg11[%swap3A_650], %add3A_649 {strides = array<i32>} : memref<1024xi32, #tpu.memory_space<vmem>>, vector<16xi32>,
    %get3A_652 = arith.constant 288 : index
    %get3A_653 = tpu.vector_load %arg9[%get3A_652] {strides = array<i32>} : memref<1024xi32, #tpu.memory_space<vmem>>, vector<16xi32>,
    %mul3A_654 = arith.constant 1024 : i32
    %mul3A_655 = arith.muli %add3A, %mul3A_654 : i32
    %add3A_656 = vector.broadcast %mul3A_655 : i32 to vector<16xi32>
    %add3A_657 = arith.addi %get3A_653, %add3A_656 : vector<16xi32>
    %swap3A_658 = arith.constant 288 : index
    %swap3A_659 = tpu.vector_load %arg10[%swap3A_658] {strides = array<i32>} : memref<1024xi32, #tpu.memory_space<vmem>>, vector<16xi32>,
    tpu.vector_store %arg10[%swap3A_658], %add3A_657 {strides = array<i32>} : memref<1024xi32, #tpu.memory_space<vmem>>, vector<16xi32>,
    %mul3A_660 = arith.constant 32 : i32
    %mul3A_661 = vector.broadcast %mul3A_660 : i32 to vector<16xi32>
    %mul3A_662 = arith.muli %get3A_653, %mul3A_661 : vector<16xi32>
    %add3A_663 = vector.broadcast %add3A : i32 to vector<16xi32>
    %add3A_664 = arith.addi %mul3A_662, %add3A_663 : vector<16xi32>
    %swap3A_665 = arith.constant 288 : index
    %swap3A_666 = tpu.vector_load %arg11[%swap3A_665] {strides = array<i32>} : memref<1024xi32, #tpu.memory_space<vmem>>, vector<16xi32>,
    tpu.vector_store %arg11[%swap3A_665], %add3A_664 {strides = array<i32>} : memref<1024xi32, #tpu.memory_space<vmem>>, vector<16xi32>,
    %get3A_667 = arith.constant 304 : index
    %get3A_668 = tpu.vector_load %arg9[%get3A_667] {strides = array<i32>} : memref<1024xi32, #tpu.memory_space<vmem>>, vector<16xi32>,
    %mul3A_669 = arith.constant 1024 : i32
    %mul3A_670 = arith.muli %add3A, %mul3A_669 : i32
    %add3A_671 = vector.broadcast %mul3A_670 : i32 to vector<16xi32>
    %add3A_672 = arith.addi %get3A_668, %add3A_671 : vector<16xi32>
    %swap3A_673 = arith.constant 304 : index
    %swap3A_674 = tpu.vector_load %arg10[%swap3A_673] {strides = array<i32>} : memref<1024xi32, #tpu.memory_space<vmem>>, vector<16xi32>,
    tpu.vector_store %arg10[%swap3A_673], %add3A_672 {strides = array<i32>} : memref<1024xi32, #tpu.memory_space<vmem>>, vector<16xi32>,
    %mul3A_675 = arith.constant 32 : i32
    %mul3A_676 = vector.broadcast %mul3A_675 : i32 to vector<16xi32>
    %mul3A_677 = arith.muli %get3A_668, %mul3A_676 : vector<16xi32>
    %add3A_678 = vector.broadcast %add3A : i32 to vector<16xi32>
    %add3A_679 = arith.addi %mul3A_677, %add3A_678 : vector<16xi32>
    %swap3A_680 = arith.constant 304 : index
    %swap3A_681 = tpu.vector_load %arg11[%swap3A_680] {strides = array<i32>} : memref<1024xi32, #tpu.memory_space<vmem>>, vector<16xi32>,
    tpu.vector_store %arg11[%swap3A_680], %add3A_679 {strides = array<i32>} : memref<1024xi32, #tpu.memory_space<vmem>>, vector<16xi32>,
    %get3A_682 = arith.constant 320 : index
    %get3A_683 = tpu.vector_load %arg9[%get3A_682] {strides = array<i32>} : memref<1024xi32, #tpu.memory_space<vmem>>, vector<16xi32>,
    %mul3A_684 = arith.constant 1024 : i32
    %mul3A_685 = arith.muli %add3A, %mul3A_684 : i32
    %add3A_686 = vector.broadcast %mul3A_685 : i32 to vector<16xi32>
    %add3A_687 = arith.addi %get3A_683, %add3A_686 : vector<16xi32>
    %swap3A_688 = arith.constant 320 : index
    %swap3A_689 = tpu.vector_load %arg10[%swap3A_688] {strides = array<i32>} : memref<1024xi32, #tpu.memory_space<vmem>>, vector<16xi32>,
    tpu.vector_store %arg10[%swap3A_688], %add3A_687 {strides = array<i32>} : memref<1024xi32, #tpu.memory_space<vmem>>, vector<16xi32>,
    %mul3A_690 = arith.constant 32 : i32
    %mul3A_691 = vector.broadcast %mul3A_690 : i32 to vector<16xi32>
    %mul3A_692 = arith.muli %get3A_683, %mul3A_691 : vector<16xi32>
    %add3A_693 = vector.broadcast %add3A : i32 to vector<16xi32>
    %add3A_694 = arith.addi %mul3A_692, %add3A_693 : vector<16xi32>
    %swap3A_695 = arith.constant 320 : index
    %swap3A_696 = tpu.vector_load %arg11[%swap3A_695] {strides = array<i32>} : memref<1024xi32, #tpu.memory_space<vmem>>, vector<16xi32>,
    tpu.vector_store %arg11[%swap3A_695], %add3A_694 {strides = array<i32>} : memref<1024xi32, #tpu.memory_space<vmem>>, vector<16xi32>,
    %get3A_697 = arith.constant 336 : index
    %get3A_698 = tpu.vector_load %arg9[%get3A_697] {strides = array<i32>} : memref<1024xi32, #tpu.memory_space<vmem>>, vector<16xi32>,
    %mul3A_699 = arith.constant 1024 : i32
    %mul3A_700 = arith.muli %add3A, %mul3A_699 : i32
    %add3A_701 = vector.broadcast %mul3A_700 : i32 to vector<16xi32>
    %add3A_702 = arith.addi %get3A_698, %add3A_701 : vector<16xi32>
    %swap3A_703 = arith.constant 336 : index
    %swap3A_704 = tpu.vector_load %arg10[%swap3A_703] {strides = array<i32>} : memref<1024xi32, #tpu.memory_space<vmem>>, vector<16xi32>,
    tpu.vector_store %arg10[%swap3A_703], %add3A_702 {strides = array<i32>} : memref<1024xi32, #tpu.memory_space<vmem>>, vector<16xi32>,
    %mul3A_705 = arith.constant 32 : i32
    %mul3A_706 = vector.broadcast %mul3A_705 : i32 to vector<16xi32>
    %mul3A_707 = arith.muli %get3A_698, %mul3A_706 : vector<16xi32>
    %add3A_708 = vector.broadcast %add3A : i32 to vector<16xi32>
    %add3A_709 = arith.addi %mul3A_707, %add3A_708 : vector<16xi32>
    %swap3A_710 = arith.constant 336 : index
    %swap3A_711 = tpu.vector_load %arg11[%swap3A_710] {strides = array<i32>} : memref<1024xi32, #tpu.memory_space<vmem>>, vector<16xi32>,
    tpu.vector_store %arg11[%swap3A_710], %add3A_709 {strides = array<i32>} : memref<1024xi32, #tpu.memory_space<vmem>>, vector<16xi32>,
    %get3A_712 = arith.constant 352 : index
    %get3A_713 = tpu.vector_load %arg9[%get3A_712] {strides = array<i32>} : memref<1024xi32, #tpu.memory_space<vmem>>, vector<16xi32>,
    %mul3A_714 = arith.constant 1024 : i32
    %mul3A_715 = arith.muli %add3A, %mul3A_714 : i32
    %add3A_716 = vector.broadcast %mul3A_715 : i32 to vector<16xi32>
    %add3A_717 = arith.addi %get3A_713, %add3A_716 : vector<16xi32>
    %swap3A_718 = arith.constant 352 : index
    %swap3A_719 = tpu.vector_load %arg10[%swap3A_718] {strides = array<i32>} : memref<1024xi32, #tpu.memory_space<vmem>>, vector<16xi32>,
    tpu.vector_store %arg10[%swap3A_718], %add3A_717 {strides = array<i32>} : memref<1024xi32, #tpu.memory_space<vmem>>, vector<16xi32>,
    %mul3A_720 = arith.constant 32 : i32
    %mul3A_721 = vector.broadcast %mul3A_720 : i32 to vector<16xi32>
    %mul3A_722 = arith.muli %get3A_713, %mul3A_721 : vector<16xi32>
    %add3A_723 = vector.broadcast %add3A : i32 to vector<16xi32>
    %add3A_724 = arith.addi %mul3A_722, %add3A_723 : vector<16xi32>
    %swap3A_725 = arith.constant 352 : index
    %swap3A_726 = tpu.vector_load %arg11[%swap3A_725] {strides = array<i32>} : memref<1024xi32, #tpu.memory_space<vmem>>, vector<16xi32>,
    tpu.vector_store %arg11[%swap3A_725], %add3A_724 {strides = array<i32>} : memref<1024xi32, #tpu.memory_space<vmem>>, vector<16xi32>,
    %get3A_727 = arith.constant 368 : index
    %get3A_728 = tpu.vector_load %arg9[%get3A_727] {strides = array<i32>} : memref<1024xi32, #tpu.memory_space<vmem>>, vector<16xi32>,
    %mul3A_729 = arith.constant 1024 : i32
    %mul3A_730 = arith.muli %add3A, %mul3A_729 : i32
    %add3A_731 = vector.broadcast %mul3A_730 : i32 to vector<16xi32>
    %add3A_732 = arith.addi %get3A_728, %add3A_731 : vector<16xi32>
    %swap3A_733 = arith.constant 368 : index
    %swap3A_734 = tpu.vector_load %arg10[%swap3A_733] {strides = array<i32>} : memref<1024xi32, #tpu.memory_space<vmem>>, vector<16xi32>,
    tpu.vector_store %arg10[%swap3A_733], %add3A_732 {strides = array<i32>} : memref<1024xi32, #tpu.memory_space<vmem>>, vector<16xi32>,
    %mul3A_735 = arith.constant 32 : i32
    %mul3A_736 = vector.broadcast %mul3A_735 : i32 to vector<16xi32>
    %mul3A_737 = arith.muli %get3A_728, %mul3A_736 : vector<16xi32>
    %add3A_738 = vector.broadcast %add3A : i32 to vector<16xi32>
    %add3A_739 = arith.addi %mul3A_737, %add3A_738 : vector<16xi32>
    %swap3A_740 = arith.constant 368 : index
    %swap3A_741 = tpu.vector_load %arg11[%swap3A_740] {strides = array<i32>} : memref<1024xi32, #tpu.memory_space<vmem>>, vector<16xi32>,
    tpu.vector_store %arg11[%swap3A_740], %add3A_739 {strides = array<i32>} : memref<1024xi32, #tpu.memory_space<vmem>>, vector<16xi32>,
    %get3A_742 = arith.constant 384 : index
    %get3A_743 = tpu.vector_load %arg9[%get3A_742] {strides = array<i32>} : memref<1024xi32, #tpu.memory_space<vmem>>, vector<16xi32>,
    %mul3A_744 = arith.constant 1024 : i32
    %mul3A_745 = arith.muli %add3A, %mul3A_744 : i32
    %add3A_746 = vector.broadcast %mul3A_745 : i32 to vector<16xi32>
    %add3A_747 = arith.addi %get3A_743, %add3A_746 : vector<16xi32>
    %swap3A_748 = arith.constant 384 : index
    %swap3A_749 = tpu.vector_load %arg10[%swap3A_748] {strides = array<i32>} : memref<1024xi32, #tpu.memory_space<vmem>>, vector<16xi32>,
    tpu.vector_store %arg10[%swap3A_748], %add3A_747 {strides = array<i32>} : memref<1024xi32, #tpu.memory_space<vmem>>, vector<16xi32>,
    %mul3A_750 = arith.constant 32 : i32
    %mul3A_751 = vector.broadcast %mul3A_750 : i32 to vector<16xi32>
    %mul3A_752 = arith.muli %get3A_743, %mul3A_751 : vector<16xi32>
    %add3A_753 = vector.broadcast %add3A : i32 to vector<16xi32>
    %add3A_754 = arith.addi %mul3A_752, %add3A_753 : vector<16xi32>
    %swap3A_755 = arith.constant 384 : index
    %swap3A_756 = tpu.vector_load %arg11[%swap3A_755] {strides = array<i32>} : memref<1024xi32, #tpu.memory_space<vmem>>, vector<16xi32>,
    tpu.vector_store %arg11[%swap3A_755], %add3A_754 {strides = array<i32>} : memref<1024xi32, #tpu.memory_space<vmem>>, vector<16xi32>,
    %get3A_757 = arith.constant 400 : index
    %get3A_758 = tpu.vector_load %arg9[%get3A_757] {strides = array<i32>} : memref<1024xi32, #tpu.memory_space<vmem>>, vector<16xi32>,
    %mul3A_759 = arith.constant 1024 : i32
    %mul3A_760 = arith.muli %add3A, %mul3A_759 : i32
    %add3A_761 = vector.broadcast %mul3A_760 : i32 to vector<16xi32>
    %add3A_762 = arith.addi %get3A_758, %add3A_761 : vector<16xi32>
    %swap3A_763 = arith.constant 400 : index
    %swap3A_764 = tpu.vector_load %arg10[%swap3A_763] {strides = array<i32>} : memref<1024xi32, #tpu.memory_space<vmem>>, vector<16xi32>,
    tpu.vector_store %arg10[%swap3A_763], %add3A_762 {strides = array<i32>} : memref<1024xi32, #tpu.memory_space<vmem>>, vector<16xi32>,
    %mul3A_765 = arith.constant 32 : i32
    %mul3A_766 = vector.broadcast %mul3A_765 : i32 to vector<16xi32>
    %mul3A_767 = arith.muli %get3A_758, %mul3A_766 : vector<16xi32>
    %add3A_768 = vector.broadcast %add3A : i32 to vector<16xi32>
    %add3A_769 = arith.addi %mul3A_767, %add3A_768 : vector<16xi32>
    %swap3A_770 = arith.constant 400 : index
    %swap3A_771 = tpu.vector_load %arg11[%swap3A_770] {strides = array<i32>} : memref<1024xi32, #tpu.memory_space<vmem>>, vector<16xi32>,
    tpu.vector_store %arg11[%swap3A_770], %add3A_769 {strides = array<i32>} : memref<1024xi32, #tpu.memory_space<vmem>>, vector<16xi32>,
    %get3A_772 = arith.constant 416 : index
    %get3A_773 = tpu.vector_load %arg9[%get3A_772] {strides = array<i32>} : memref<1024xi32, #tpu.memory_space<vmem>>, vector<16xi32>,
    %mul3A_774 = arith.constant 1024 : i32
    %mul3A_775 = arith.muli %add3A, %mul3A_774 : i32
    %add3A_776 = vector.broadcast %mul3A_775 : i32 to vector<16xi32>
    %add3A_777 = arith.addi %get3A_773, %add3A_776 : vector<16xi32>
    %swap3A_778 = arith.constant 416 : index
    %swap3A_779 = tpu.vector_load %arg10[%swap3A_778] {strides = array<i32>} : memref<1024xi32, #tpu.memory_space<vmem>>, vector<16xi32>,
    tpu.vector_store %arg10[%swap3A_778], %add3A_777 {strides = array<i32>} : memref<1024xi32, #tpu.memory_space<vmem>>, vector<16xi32>,
    %mul3A_780 = arith.constant 32 : i32
    %mul3A_781 = vector.broadcast %mul3A_780 : i32 to vector<16xi32>
    %mul3A_782 = arith.muli %get3A_773, %mul3A_781 : vector<16xi32>
    %add3A_783 = vector.broadcast %add3A : i32 to vector<16xi32>
    %add3A_784 = arith.addi %mul3A_782, %add3A_783 : vector<16xi32>
    %swap3A_785 = arith.constant 416 : index
    %swap3A_786 = tpu.vector_load %arg11[%swap3A_785] {strides = array<i32>} : memref<1024xi32, #tpu.memory_space<vmem>>, vector<16xi32>,
    tpu.vector_store %arg11[%swap3A_785], %add3A_784 {strides = array<i32>} : memref<1024xi32, #tpu.memory_space<vmem>>, vector<16xi32>,
    %get3A_787 = arith.constant 432 : index
    %get3A_788 = tpu.vector_load %arg9[%get3A_787] {strides = array<i32>} : memref<1024xi32, #tpu.memory_space<vmem>>, vector<16xi32>,
    %mul3A_789 = arith.constant 1024 : i32
    %mul3A_790 = arith.muli %add3A, %mul3A_789 : i32
    %add3A_791 = vector.broadcast %mul3A_790 : i32 to vector<16xi32>
    %add3A_792 = arith.addi %get3A_788, %add3A_791 : vector<16xi32>
    %swap3A_793 = arith.constant 432 : index
    %swap3A_794 = tpu.vector_load %arg10[%swap3A_793] {strides = array<i32>} : memref<1024xi32, #tpu.memory_space<vmem>>, vector<16xi32>,
    tpu.vector_store %arg10[%swap3A_793], %add3A_792 {strides = array<i32>} : memref<1024xi32, #tpu.memory_space<vmem>>, vector<16xi32>,
    %mul3A_795 = arith.constant 32 : i32
    %mul3A_796 = vector.broadcast %mul3A_795 : i32 to vector<16xi32>
    %mul3A_797 = arith.muli %get3A_788, %mul3A_796 : vector<16xi32>
    %add3A_798 = vector.broadcast %add3A : i32 to vector<16xi32>
    %add3A_799 = arith.addi %mul3A_797, %add3A_798 : vector<16xi32>
    %swap3A_800 = arith.constant 432 : index
    %swap3A_801 = tpu.vector_load %arg11[%swap3A_800] {strides = array<i32>} : memref<1024xi32, #tpu.memory_space<vmem>>, vector<16xi32>,
    tpu.vector_store %arg11[%swap3A_800], %add3A_799 {strides = array<i32>} : memref<1024xi32, #tpu.memory_space<vmem>>, vector<16xi32>,
    %get3A_802 = arith.constant 448 : index
    %get3A_803 = tpu.vector_load %arg9[%get3A_802] {strides = array<i32>} : memref<1024xi32, #tpu.memory_space<vmem>>, vector<16xi32>,
    %mul3A_804 = arith.constant 1024 : i32
    %mul3A_805 = arith.muli %add3A, %mul3A_804 : i32
    %add3A_806 = vector.broadcast %mul3A_805 : i32 to vector<16xi32>
    %add3A_807 = arith.addi %get3A_803, %add3A_806 : vector<16xi32>
    %swap3A_808 = arith.constant 448 : index
    %swap3A_809 = tpu.vector_load %arg10[%swap3A_808] {strides = array<i32>} : memref<1024xi32, #tpu.memory_space<vmem>>, vector<16xi32>,
    tpu.vector_store %arg10[%swap3A_808], %add3A_807 {strides = array<i32>} : memref<1024xi32, #tpu.memory_space<vmem>>, vector<16xi32>,
    %mul3A_810 = arith.constant 32 : i32
    %mul3A_811 = vector.broadcast %mul3A_810 : i32 to vector<16xi32>
    %mul3A_812 = arith.muli %get3A_803, %mul3A_811 : vector<16xi32>
    %add3A_813 = vector.broadcast %add3A : i32 to vector<16xi32>
    %add3A_814 = arith.addi %mul3A_812, %add3A_813 : vector<16xi32>
    %swap3A_815 = arith.constant 448 : index
    %swap3A_816 = tpu.vector_load %arg11[%swap3A_815] {strides = array<i32>} : memref<1024xi32, #tpu.memory_space<vmem>>, vector<16xi32>,
    tpu.vector_store %arg11[%swap3A_815], %add3A_814 {strides = array<i32>} : memref<1024xi32, #tpu.memory_space<vmem>>, vector<16xi32>,
    %get3A_817 = arith.constant 464 : index
    %get3A_818 = tpu.vector_load %arg9[%get3A_817] {strides = array<i32>} : memref<1024xi32, #tpu.memory_space<vmem>>, vector<16xi32>,
    %mul3A_819 = arith.constant 1024 : i32
    %mul3A_820 = arith.muli %add3A, %mul3A_819 : i32
    %add3A_821 = vector.broadcast %mul3A_820 : i32 to vector<16xi32>
    %add3A_822 = arith.addi %get3A_818, %add3A_821 : vector<16xi32>
    %swap3A_823 = arith.constant 464 : index
    %swap3A_824 = tpu.vector_load %arg10[%swap3A_823] {strides = array<i32>} : memref<1024xi32, #tpu.memory_space<vmem>>, vector<16xi32>,
    tpu.vector_store %arg10[%swap3A_823], %add3A_822 {strides = array<i32>} : memref<1024xi32, #tpu.memory_space<vmem>>, vector<16xi32>,
    %mul3A_825 = arith.constant 32 : i32
    %mul3A_826 = vector.broadcast %mul3A_825 : i32 to vector<16xi32>
    %mul3A_827 = arith.muli %get3A_818, %mul3A_826 : vector<16xi32>
    %add3A_828 = vector.broadcast %add3A : i32 to vector<16xi32>
    %add3A_829 = arith.addi %mul3A_827, %add3A_828 : vector<16xi32>
    %swap3A_830 = arith.constant 464 : index
    %swap3A_831 = tpu.vector_load %arg11[%swap3A_830] {strides = array<i32>} : memref<1024xi32, #tpu.memory_space<vmem>>, vector<16xi32>,
    tpu.vector_store %arg11[%swap3A_830], %add3A_829 {strides = array<i32>} : memref<1024xi32, #tpu.memory_space<vmem>>, vector<16xi32>,
    %get3A_832 = arith.constant 480 : index
    %get3A_833 = tpu.vector_load %arg9[%get3A_832] {strides = array<i32>} : memref<1024xi32, #tpu.memory_space<vmem>>, vector<16xi32>,
    %mul3A_834 = arith.constant 1024 : i32
    %mul3A_835 = arith.muli %add3A, %mul3A_834 : i32
    %add3A_836 = vector.broadcast %mul3A_835 : i32 to vector<16xi32>
    %add3A_837 = arith.addi %get3A_833, %add3A_836 : vector<16xi32>
    %swap3A_838 = arith.constant 480 : index
    %swap3A_839 = tpu.vector_load %arg10[%swap3A_838] {strides = array<i32>} : memref<1024xi32, #tpu.memory_space<vmem>>, vector<16xi32>,
    tpu.vector_store %arg10[%swap3A_838], %add3A_837 {strides = array<i32>} : memref<1024xi32, #tpu.memory_space<vmem>>, vector<16xi32>,
    %mul3A_840 = arith.constant 32 : i32
    %mul3A_841 = vector.broadcast %mul3A_840 : i32 to vector<16xi32>
    %mul3A_842 = arith.muli %get3A_833, %mul3A_841 : vector<16xi32>
    %add3A_843 = vector.broadcast %add3A : i32 to vector<16xi32>
    %add3A_844 = arith.addi %mul3A_842, %add3A_843 : vector<16xi32>
    %swap3A_845 = arith.constant 480 : index
    %swap3A_846 = tpu.vector_load %arg11[%swap3A_845] {strides = array<i32>} : memref<1024xi32, #tpu.memory_space<vmem>>, vector<16xi32>,
    tpu.vector_store %arg11[%swap3A_845], %add3A_844 {strides = array<i32>} : memref<1024xi32, #tpu.memory_space<vmem>>, vector<16xi32>,
    %get3A_847 = arith.constant 496 : index
    %get3A_848 = tpu.vector_load %arg9[%get3A_847] {strides = array<i32>} : memref<1024xi32, #tpu.memory_space<vmem>>, vector<16xi32>,
    %mul3A_849 = arith.constant 1024 : i32
    %mul3A_850 = arith.muli %add3A, %mul3A_849 : i32
    %add3A_851 = vector.broadcast %mul3A_850 : i32 to vector<16xi32>
    %add3A_852 = arith.addi %get3A_848, %add3A_851 : vector<16xi32>
    %swap3A_853 = arith.constant 496 : index
    %swap3A_854 = tpu.vector_load %arg10[%swap3A_853] {strides = array<i32>} : memref<1024xi32, #tpu.memory_space<vmem>>, vector<16xi32>,
    tpu.vector_store %arg10[%swap3A_853], %add3A_852 {strides = array<i32>} : memref<1024xi32, #tpu.memory_space<vmem>>, vector<16xi32>,
    %mul3A_855 = arith.constant 32 : i32
    %mul3A_856 = vector.broadcast %mul3A_855 : i32 to vector<16xi32>
    %mul3A_857 = arith.muli %get3A_848, %mul3A_856 : vector<16xi32>
    %add3A_858 = vector.broadcast %add3A : i32 to vector<16xi32>
    %add3A_859 = arith.addi %mul3A_857, %add3A_858 : vector<16xi32>
    %swap3A_860 = arith.constant 496 : index
    %swap3A_861 = tpu.vector_load %arg11[%swap3A_860] {strides = array<i32>} : memref<1024xi32, #tpu.memory_space<vmem>>, vector<16xi32>,
    tpu.vector_store %arg11[%swap3A_860], %add3A_859 {strides = array<i32>} : memref<1024xi32, #tpu.memory_space<vmem>>, vector<16xi32>,
    %get3A_862 = arith.constant 512 : index
    %get3A_863 = tpu.vector_load %arg9[%get3A_862] {strides = array<i32>} : memref<1024xi32, #tpu.memory_space<vmem>>, vector<16xi32>,
    %mul3A_864 = arith.constant 1024 : i32
    %mul3A_865 = arith.muli %add3A, %mul3A_864 : i32
    %add3A_866 = vector.broadcast %mul3A_865 : i32 to vector<16xi32>
    %add3A_867 = arith.addi %get3A_863, %add3A_866 : vector<16xi32>
    %swap3A_868 = arith.constant 512 : index
    %swap3A_869 = tpu.vector_load %arg10[%swap3A_868] {strides = array<i32>} : memref<1024xi32, #tpu.memory_space<vmem>>, vector<16xi32>,
    tpu.vector_store %arg10[%swap3A_868], %add3A_867 {strides = array<i32>} : memref<1024xi32, #tpu.memory_space<vmem>>, vector<16xi32>,
    %mul3A_870 = arith.constant 32 : i32
    %mul3A_871 = vector.broadcast %mul3A_870 : i32 to vector<16xi32>
    %mul3A_872 = arith.muli %get3A_863, %mul3A_871 : vector<16xi32>
    %add3A_873 = vector.broadcast %add3A : i32 to vector<16xi32>
    %add3A_874 = arith.addi %mul3A_872, %add3A_873 : vector<16xi32>
    %swap3A_875 = arith.constant 512 : index
    %swap3A_876 = tpu.vector_load %arg11[%swap3A_875] {strides = array<i32>} : memref<1024xi32, #tpu.memory_space<vmem>>, vector<16xi32>,
    tpu.vector_store %arg11[%swap3A_875], %add3A_874 {strides = array<i32>} : memref<1024xi32, #tpu.memory_space<vmem>>, vector<16xi32>,
    %get3A_877 = arith.constant 528 : index
    %get3A_878 = tpu.vector_load %arg9[%get3A_877] {strides = array<i32>} : memref<1024xi32, #tpu.memory_space<vmem>>, vector<16xi32>,
    %mul3A_879 = arith.constant 1024 : i32
    %mul3A_880 = arith.muli %add3A, %mul3A_879 : i32
    %add3A_881 = vector.broadcast %mul3A_880 : i32 to vector<16xi32>
    %add3A_882 = arith.addi %get3A_878, %add3A_881 : vector<16xi32>
    %swap3A_883 = arith.constant 528 : index
    %swap3A_884 = tpu.vector_load %arg10[%swap3A_883] {strides = array<i32>} : memref<1024xi32, #tpu.memory_space<vmem>>, vector<16xi32>,
    tpu.vector_store %arg10[%swap3A_883], %add3A_882 {strides = array<i32>} : memref<1024xi32, #tpu.memory_space<vmem>>, vector<16xi32>,
    %mul3A_885 = arith.constant 32 : i32
    %mul3A_886 = vector.broadcast %mul3A_885 : i32 to vector<16xi32>
    %mul3A_887 = arith.muli %get3A_878, %mul3A_886 : vector<16xi32>
    %add3A_888 = vector.broadcast %add3A : i32 to vector<16xi32>
    %add3A_889 = arith.addi %mul3A_887, %add3A_888 : vector<16xi32>
    %swap3A_890 = arith.constant 528 : index
    %swap3A_891 = tpu.vector_load %arg11[%swap3A_890] {strides = array<i32>} : memref<1024xi32, #tpu.memory_space<vmem>>, vector<16xi32>,
    tpu.vector_store %arg11[%swap3A_890], %add3A_889 {strides = array<i32>} : memref<1024xi32, #tpu.memory_space<vmem>>, vector<16xi32>,
    %get3A_892 = arith.constant 544 : index
    %get3A_893 = tpu.vector_load %arg9[%get3A_892] {strides = array<i32>} : memref<1024xi32, #tpu.memory_space<vmem>>, vector<16xi32>,
    %mul3A_894 = arith.constant 1024 : i32
    %mul3A_895 = arith.muli %add3A, %mul3A_894 : i32
    %add3A_896 = vector.broadcast %mul3A_895 : i32 to vector<16xi32>
    %add3A_897 = arith.addi %get3A_893, %add3A_896 : vector<16xi32>
    %swap3A_898 = arith.constant 544 : index
    %swap3A_899 = tpu.vector_load %arg10[%swap3A_898] {strides = array<i32>} : memref<1024xi32, #tpu.memory_space<vmem>>, vector<16xi32>,
    tpu.vector_store %arg10[%swap3A_898], %add3A_897 {strides = array<i32>} : memref<1024xi32, #tpu.memory_space<vmem>>, vector<16xi32>,
    %mul3A_900 = arith.constant 32 : i32
    %mul3A_901 = vector.broadcast %mul3A_900 : i32 to vector<16xi32>
    %mul3A_902 = arith.muli %get3A_893, %mul3A_901 : vector<16xi32>
    %add3A_903 = vector.broadcast %add3A : i32 to vector<16xi32>
    %add3A_904 = arith.addi %mul3A_902, %add3A_903 : vector<16xi32>
    %swap3A_905 = arith.constant 544 : index
    %swap3A_906 = tpu.vector_load %arg11[%swap3A_905] {strides = array<i32>} : memref<1024xi32, #tpu.memory_space<vmem>>, vector<16xi32>,
    tpu.vector_store %arg11[%swap3A_905], %add3A_904 {strides = array<i32>} : memref<1024xi32, #tpu.memory_space<vmem>>, vector<16xi32>,
    %get3A_907 = arith.constant 560 : index
    %get3A_908 = tpu.vector_load %arg9[%get3A_907] {strides = array<i32>} : memref<1024xi32, #tpu.memory_space<vmem>>, vector<16xi32>,
    %mul3A_909 = arith.constant 1024 : i32
    %mul3A_910 = arith.muli %add3A, %mul3A_909 : i32
    %add3A_911 = vector.broadcast %mul3A_910 : i32 to vector<16xi32>
    %add3A_912 = arith.addi %get3A_908, %add3A_911 : vector<16xi32>
    %swap3A_913 = arith.constant 560 : index
    %swap3A_914 = tpu.vector_load %arg10[%swap3A_913] {strides = array<i32>} : memref<1024xi32, #tpu.memory_space<vmem>>, vector<16xi32>,
    tpu.vector_store %arg10[%swap3A_913], %add3A_912 {strides = array<i32>} : memref<1024xi32, #tpu.memory_space<vmem>>, vector<16xi32>,
    %mul3A_915 = arith.constant 32 : i32
    %mul3A_916 = vector.broadcast %mul3A_915 : i32 to vector<16xi32>
    %mul3A_917 = arith.muli %get3A_908, %mul3A_916 : vector<16xi32>
    %add3A_918 = vector.broadcast %add3A : i32 to vector<16xi32>
    %add3A_919 = arith.addi %mul3A_917, %add3A_918 : vector<16xi32>
    %swap3A_920 = arith.constant 560 : index
    %swap3A_921 = tpu.vector_load %arg11[%swap3A_920] {strides = array<i32>} : memref<1024xi32, #tpu.memory_space<vmem>>, vector<16xi32>,
    tpu.vector_store %arg11[%swap3A_920], %add3A_919 {strides = array<i32>} : memref<1024xi32, #tpu.memory_space<vmem>>, vector<16xi32>,
    %get3A_922 = arith.constant 576 : index
    %get3A_923 = tpu.vector_load %arg9[%get3A_922] {strides = array<i32>} : memref<1024xi32, #tpu.memory_space<vmem>>, vector<16xi32>,
    %mul3A_924 = arith.constant 1024 : i32
    %mul3A_925 = arith.muli %add3A, %mul3A_924 : i32
    %add3A_926 = vector.broadcast %mul3A_925 : i32 to vector<16xi32>
    %add3A_927 = arith.addi %get3A_923, %add3A_926 : vector<16xi32>
    %swap3A_928 = arith.constant 576 : index
    %swap3A_929 = tpu.vector_load %arg10[%swap3A_928] {strides = array<i32>} : memref<1024xi32, #tpu.memory_space<vmem>>, vector<16xi32>,
    tpu.vector_store %arg10[%swap3A_928], %add3A_927 {strides = array<i32>} : memref<1024xi32, #tpu.memory_space<vmem>>, vector<16xi32>,
    %mul3A_930 = arith.constant 32 : i32
    %mul3A_931 = vector.broadcast %mul3A_930 : i32 to vector<16xi32>
    %mul3A_932 = arith.muli %get3A_923, %mul3A_931 : vector<16xi32>
    %add3A_933 = vector.broadcast %add3A : i32 to vector<16xi32>
    %add3A_934 = arith.addi %mul3A_932, %add3A_933 : vector<16xi32>
    %swap3A_935 = arith.constant 576 : index
    %swap3A_936 = tpu.vector_load %arg11[%swap3A_935] {strides = array<i32>} : memref<1024xi32, #tpu.memory_space<vmem>>, vector<16xi32>,
    tpu.vector_store %arg11[%swap3A_935], %add3A_934 {strides = array<i32>} : memref<1024xi32, #tpu.memory_space<vmem>>, vector<16xi32>,
    %get3A_937 = arith.constant 592 : index
    %get3A_938 = tpu.vector_load %arg9[%get3A_937] {strides = array<i32>} : memref<1024xi32, #tpu.memory_space<vmem>>, vector<16xi32>,
    %mul3A_939 = arith.constant 1024 : i32
    %mul3A_940 = arith.muli %add3A, %mul3A_939 : i32
    %add3A_941 = vector.broadcast %mul3A_940 : i32 to vector<16xi32>
    %add3A_942 = arith.addi %get3A_938, %add3A_941 : vector<16xi32>
    %swap3A_943 = arith.constant 592 : index
    %swap3A_944 = tpu.vector_load %arg10[%swap3A_943] {strides = array<i32>} : memref<1024xi32, #tpu.memory_space<vmem>>, vector<16xi32>,
    tpu.vector_store %arg10[%swap3A_943], %add3A_942 {strides = array<i32>} : memref<1024xi32, #tpu.memory_space<vmem>>, vector<16xi32>,
    %mul3A_945 = arith.constant 32 : i32
    %mul3A_946 = vector.broadcast %mul3A_945 : i32 to vector<16xi32>
    %mul3A_947 = arith.muli %get3A_938, %mul3A_946 : vector<16xi32>
    %add3A_948 = vector.broadcast %add3A : i32 to vector<16xi32>
    %add3A_949 = arith.addi %mul3A_947, %add3A_948 : vector<16xi32>
    %swap3A_950 = arith.constant 592 : index
    %swap3A_951 = tpu.vector_load %arg11[%swap3A_950] {strides = array<i32>} : memref<1024xi32, #tpu.memory_space<vmem>>, vector<16xi32>,
    tpu.vector_store %arg11[%swap3A_950], %add3A_949 {strides = array<i32>} : memref<1024xi32, #tpu.memory_space<vmem>>, vector<16xi32>,
    %get3A_952 = arith.constant 608 : index
    %get3A_953 = tpu.vector_load %arg9[%get3A_952] {strides = array<i32>} : memref<1024xi32, #tpu.memory_space<vmem>>, vector<16xi32>,
    %mul3A_954 = arith.constant 1024 : i32
    %mul3A_955 = arith.muli %add3A, %mul3A_954 : i32
    %add3A_956 = vector.broadcast %mul3A_955 : i32 to vector<16xi32>
    %add3A_957 = arith.addi %get3A_953, %add3A_956 : vector<16xi32>
    %swap3A_958 = arith.constant 608 : index
    %swap3A_959 = tpu.vector_load %arg10[%swap3A_958] {strides = array<i32>} : memref<1024xi32, #tpu.memory_space<vmem>>, vector<16xi32>,
    tpu.vector_store %arg10[%swap3A_958], %add3A_957 {strides = array<i32>} : memref<1024xi32, #tpu.memory_space<vmem>>, vector<16xi32>,
    %mul3A_960 = arith.constant 32 : i32
    %mul3A_961 = vector.broadcast %mul3A_960 : i32 to vector<16xi32>
    %mul3A_962 = arith.muli %get3A_953, %mul3A_961 : vector<16xi32>
    %add3A_963 = vector.broadcast %add3A : i32 to vector<16xi32>
    %add3A_964 = arith.addi %mul3A_962, %add3A_963 : vector<16xi32>
    %swap3A_965 = arith.constant 608 : index
    %swap3A_966 = tpu.vector_load %arg11[%swap3A_965] {strides = array<i32>} : memref<1024xi32, #tpu.memory_space<vmem>>, vector<16xi32>,
    tpu.vector_store %arg11[%swap3A_965], %add3A_964 {strides = array<i32>} : memref<1024xi32, #tpu.memory_space<vmem>>, vector<16xi32>,
    %get3A_967 = arith.constant 624 : index
    %get3A_968 = tpu.vector_load %arg9[%get3A_967] {strides = array<i32>} : memref<1024xi32, #tpu.memory_space<vmem>>, vector<16xi32>,
    %mul3A_969 = arith.constant 1024 : i32
    %mul3A_970 = arith.muli %add3A, %mul3A_969 : i32
    %add3A_971 = vector.broadcast %mul3A_970 : i32 to vector<16xi32>
    %add3A_972 = arith.addi %get3A_968, %add3A_971 : vector<16xi32>
    %swap3A_973 = arith.constant 624 : index
    %swap3A_974 = tpu.vector_load %arg10[%swap3A_973] {strides = array<i32>} : memref<1024xi32, #tpu.memory_space<vmem>>, vector<16xi32>,
    tpu.vector_store %arg10[%swap3A_973], %add3A_972 {strides = array<i32>} : memref<1024xi32, #tpu.memory_space<vmem>>, vector<16xi32>,
    %mul3A_975 = arith.constant 32 : i32
    %mul3A_976 = vector.broadcast %mul3A_975 : i32 to vector<16xi32>
    %mul3A_977 = arith.muli %get3A_968, %mul3A_976 : vector<16xi32>
    %add3A_978 = vector.broadcast %add3A : i32 to vector<16xi32>
    %add3A_979 = arith.addi %mul3A_977, %add3A_978 : vector<16xi32>
    %swap3A_980 = arith.constant 624 : index
    %swap3A_981 = tpu.vector_load %arg11[%swap3A_980] {strides = array<i32>} : memref<1024xi32, #tpu.memory_space<vmem>>, vector<16xi32>,
    tpu.vector_store %arg11[%swap3A_980], %add3A_979 {strides = array<i32>} : memref<1024xi32, #tpu.memory_space<vmem>>, vector<16xi32>,
    %get3A_982 = arith.constant 640 : index
    %get3A_983 = tpu.vector_load %arg9[%get3A_982] {strides = array<i32>} : memref<1024xi32, #tpu.memory_space<vmem>>, vector<16xi32>,
    %mul3A_984 = arith.constant 1024 : i32
    %mul3A_985 = arith.muli %add3A, %mul3A_984 : i32
    %add3A_986 = vector.broadcast %mul3A_985 : i32 to vector<16xi32>
    %add3A_987 = arith.addi %get3A_983, %add3A_986 : vector<16xi32>
    %swap3A_988 = arith.constant 640 : index
    %swap3A_989 = tpu.vector_load %arg10[%swap3A_988] {strides = array<i32>} : memref<1024xi32, #tpu.memory_space<vmem>>, vector<16xi32>,
    tpu.vector_store %arg10[%swap3A_988], %add3A_987 {strides = array<i32>} : memref<1024xi32, #tpu.memory_space<vmem>>, vector<16xi32>,
    %mul3A_990 = arith.constant 32 : i32
    %mul3A_991 = vector.broadcast %mul3A_990 : i32 to vector<16xi32>
    %mul3A_992 = arith.muli %get3A_983, %mul3A_991 : vector<16xi32>
    %add3A_993 = vector.broadcast %add3A : i32 to vector<16xi32>
    %add3A_994 = arith.addi %mul3A_992, %add3A_993 : vector<16xi32>
    %swap3A_995 = arith.constant 640 : index
    %swap3A_996 = tpu.vector_load %arg11[%swap3A_995] {strides = array<i32>} : memref<1024xi32, #tpu.memory_space<vmem>>, vector<16xi32>,
    tpu.vector_store %arg11[%swap3A_995], %add3A_994 {strides = array<i32>} : memref<1024xi32, #tpu.memory_space<vmem>>, vector<16xi32>,
    %get3A_997 = arith.constant 656 : index
    %get3A_998 = tpu.vector_load %arg9[%get3A_997] {strides = array<i32>} : memref<1024xi32, #tpu.memory_space<vmem>>, vector<16xi32>,
    %mul3A_999 = arith.constant 1024 : i32
    %mul3A_1000 = arith.muli %add3A, %mul3A_999 : i32
    %add3A_1001 = vector.broadcast %mul3A_1000 : i32 to vector<16xi32>
    %add3A_1002 = arith.addi %get3A_998, %add3A_1001 : vector<16xi32>
    %swap3A_1003 = arith.constant 656 : index
    %swap3A_1004 = tpu.vector_load %arg10[%swap3A_1003] {strides = array<i32>} : memref<1024xi32, #tpu.memory_space<vmem>>, vector<16xi32>,
    tpu.vector_store %arg10[%swap3A_1003], %add3A_1002 {strides = array<i32>} : memref<1024xi32, #tpu.memory_space<vmem>>, vector<16xi32>,
    %mul3A_1005 = arith.constant 32 : i32
    %mul3A_1006 = vector.broadcast %mul3A_1005 : i32 to vector<16xi32>
    %mul3A_1007 = arith.muli %get3A_998, %mul3A_1006 : vector<16xi32>
    %add3A_1008 = vector.broadcast %add3A : i32 to vector<16xi32>
    %add3A_1009 = arith.addi %mul3A_1007, %add3A_1008 : vector<16xi32>
    %swap3A_1010 = arith.constant 656 : index
    %swap3A_1011 = tpu.vector_load %arg11[%swap3A_1010] {strides = array<i32>} : memref<1024xi32, #tpu.memory_space<vmem>>, vector<16xi32>,
    tpu.vector_store %arg11[%swap3A_1010], %add3A_1009 {strides = array<i32>} : memref<1024xi32, #tpu.memory_space<vmem>>, vector<16xi32>,
    %get3A_1012 = arith.constant 672 : index
    %get3A_1013 = tpu.vector_load %arg9[%get3A_1012] {strides = array<i32>} : memref<1024xi32, #tpu.memory_space<vmem>>, vector<16xi32>,
    %mul3A_1014 = arith.constant 1024 : i32
    %mul3A_1015 = arith.muli %add3A, %mul3A_1014 : i32
    %add3A_1016 = vector.broadcast %mul3A_1015 : i32 to vector<16xi32>
    %add3A_1017 = arith.addi %get3A_1013, %add3A_1016 : vector<16xi32>
    %swap3A_1018 = arith.constant 672 : index
    %swap3A_1019 = tpu.vector_load %arg10[%swap3A_1018] {strides = array<i32>} : memref<1024xi32, #tpu.memory_space<vmem>>, vector<16xi32>,
    tpu.vector_store %arg10[%swap3A_1018], %add3A_1017 {strides = array<i32>} : memref<1024xi32, #tpu.memory_space<vmem>>, vector<16xi32>,
    %mul3A_1020 = arith.constant 32 : i32
    %mul3A_1021 = vector.broadcast %mul3A_1020 : i32 to vector<16xi32>
    %mul3A_1022 = arith.muli %get3A_1013, %mul3A_1021 : vector<16xi32>
    %add3A_1023 = vector.broadcast %add3A : i32 to vector<16xi32>
    %add3A_1024 = arith.addi %mul3A_1022, %add3A_1023 : vector<16xi32>
    %swap3A_1025 = arith.constant 672 : index
    %swap3A_1026 = tpu.vector_load %arg11[%swap3A_1025] {strides = array<i32>} : memref<1024xi32, #tpu.memory_space<vmem>>, vector<16xi32>,
    tpu.vector_store %arg11[%swap3A_1025], %add3A_1024 {strides = array<i32>} : memref<1024xi32, #tpu.memory_space<vmem>>, vector<16xi32>,
    %get3A_1027 = arith.constant 688 : index
    %get3A_1028 = tpu.vector_load %arg9[%get3A_1027] {strides = array<i32>} : memref<1024xi32, #tpu.memory_space<vmem>>, vector<16xi32>,
    %mul3A_1029 = arith.constant 1024 : i32
    %mul3A_1030 = arith.muli %add3A, %mul3A_1029 : i32
    %add3A_1031 = vector.broadcast %mul3A_1030 : i32 to vector<16xi32>
    %add3A_1032 = arith.addi %get3A_1028, %add3A_1031 : vector<16xi32>
    %swap3A_1033 = arith.constant 688 : index
    %swap3A_1034 = tpu.vector_load %arg10[%swap3A_1033] {strides = array<i32>} : memref<1024xi32, #tpu.memory_space<vmem>>, vector<16xi32>,
    tpu.vector_store %arg10[%swap3A_1033], %add3A_1032 {strides = array<i32>} : memref<1024xi32, #tpu.memory_space<vmem>>, vector<16xi32>,
    %mul3A_1035 = arith.constant 32 : i32
    %mul3A_1036 = vector.broadcast %mul3A_1035 : i32 to vector<16xi32>
    %mul3A_1037 = arith.muli %get3A_1028, %mul3A_1036 : vector<16xi32>
    %add3A_1038 = vector.broadcast %add3A : i32 to vector<16xi32>
    %add3A_1039 = arith.addi %mul3A_1037, %add3A_1038 : vector<16xi32>
    %swap3A_1040 = arith.constant 688 : index
    %swap3A_1041 = tpu.vector_load %arg11[%swap3A_1040] {strides = array<i32>} : memref<1024xi32, #tpu.memory_space<vmem>>, vector<16xi32>,
    tpu.vector_store %arg11[%swap3A_1040], %add3A_1039 {strides = array<i32>} : memref<1024xi32, #tpu.memory_space<vmem>>, vector<16xi32>,
    %get3A_1042 = arith.constant 704 : index
    %get3A_1043 = tpu.vector_load %arg9[%get3A_1042] {strides = array<i32>} : memref<1024xi32, #tpu.memory_space<vmem>>, vector<16xi32>,
    %mul3A_1044 = arith.constant 1024 : i32
    %mul3A_1045 = arith.muli %add3A, %mul3A_1044 : i32
    %add3A_1046 = vector.broadcast %mul3A_1045 : i32 to vector<16xi32>
    %add3A_1047 = arith.addi %get3A_1043, %add3A_1046 : vector<16xi32>
    %swap3A_1048 = arith.constant 704 : index
    %swap3A_1049 = tpu.vector_load %arg10[%swap3A_1048] {strides = array<i32>} : memref<1024xi32, #tpu.memory_space<vmem>>, vector<16xi32>,
    tpu.vector_store %arg10[%swap3A_1048], %add3A_1047 {strides = array<i32>} : memref<1024xi32, #tpu.memory_space<vmem>>, vector<16xi32>,
    %mul3A_1050 = arith.constant 32 : i32
    %mul3A_1051 = vector.broadcast %mul3A_1050 : i32 to vector<16xi32>
    %mul3A_1052 = arith.muli %get3A_1043, %mul3A_1051 : vector<16xi32>
    %add3A_1053 = vector.broadcast %add3A : i32 to vector<16xi32>
    %add3A_1054 = arith.addi %mul3A_1052, %add3A_1053 : vector<16xi32>
    %swap3A_1055 = arith.constant 704 : index
    %swap3A_1056 = tpu.vector_load %arg11[%swap3A_1055] {strides = array<i32>} : memref<1024xi32, #tpu.memory_space<vmem>>, vector<16xi32>,
    tpu.vector_store %arg11[%swap3A_1055], %add3A_1054 {strides = array<i32>} : memref<1024xi32, #tpu.memory_space<vmem>>, vector<16xi32>,
    %get3A_1057 = arith.constant 720 : index
    %get3A_1058 = tpu.vector_load %arg9[%get3A_1057] {strides = array<i32>} : memref<1024xi32, #tpu.memory_space<vmem>>, vector<16xi32>,
    %mul3A_1059 = arith.constant 1024 : i32
    %mul3A_1060 = arith.muli %add3A, %mul3A_1059 : i32
    %add3A_1061 = vector.broadcast %mul3A_1060 : i32 to vector<16xi32>
    %add3A_1062 = arith.addi %get3A_1058, %add3A_1061 : vector<16xi32>
    %swap3A_1063 = arith.constant 720 : index
    %swap3A_1064 = tpu.vector_load %arg10[%swap3A_1063] {strides = array<i32>} : memref<1024xi32, #tpu.memory_space<vmem>>, vector<16xi32>,
    tpu.vector_store %arg10[%swap3A_1063], %add3A_1062 {strides = array<i32>} : memref<1024xi32, #tpu.memory_space<vmem>>, vector<16xi32>,
    %mul3A_1065 = arith.constant 32 : i32
    %mul3A_1066 = vector.broadcast %mul3A_1065 : i32 to vector<16xi32>
    %mul3A_1067 = arith.muli %get3A_1058, %mul3A_1066 : vector<16xi32>
    %add3A_1068 = vector.broadcast %add3A : i32 to vector<16xi32>
    %add3A_1069 = arith.addi %mul3A_1067, %add3A_1068 : vector<16xi32>
    %swap3A_1070 = arith.constant 720 : index
    %swap3A_1071 = tpu.vector_load %arg11[%swap3A_1070] {strides = array<i32>} : memref<1024xi32, #tpu.memory_space<vmem>>, vector<16xi32>,
    tpu.vector_store %arg11[%swap3A_1070], %add3A_1069 {strides = array<i32>} : memref<1024xi32, #tpu.memory_space<vmem>>, vector<16xi32>,
    %get3A_1072 = arith.constant 736 : index
    %get3A_1073 = tpu.vector_load %arg9[%get3A_1072] {strides = array<i32>} : memref<1024xi32, #tpu.memory_space<vmem>>, vector<16xi32>,
    %mul3A_1074 = arith.constant 1024 : i32
    %mul3A_1075 = arith.muli %add3A, %mul3A_1074 : i32
    %add3A_1076 = vector.broadcast %mul3A_1075 : i32 to vector<16xi32>
    %add3A_1077 = arith.addi %get3A_1073, %add3A_1076 : vector<16xi32>
    %swap3A_1078 = arith.constant 736 : index
    %swap3A_1079 = tpu.vector_load %arg10[%swap3A_1078] {strides = array<i32>} : memref<1024xi32, #tpu.memory_space<vmem>>, vector<16xi32>,
    tpu.vector_store %arg10[%swap3A_1078], %add3A_1077 {strides = array<i32>} : memref<1024xi32, #tpu.memory_space<vmem>>, vector<16xi32>,
    %mul3A_1080 = arith.constant 32 : i32
    %mul3A_1081 = vector.broadcast %mul3A_1080 : i32 to vector<16xi32>
    %mul3A_1082 = arith.muli %get3A_1073, %mul3A_1081 : vector<16xi32>
    %add3A_1083 = vector.broadcast %add3A : i32 to vector<16xi32>
    %add3A_1084 = arith.addi %mul3A_1082, %add3A_1083 : vector<16xi32>
    %swap3A_1085 = arith.constant 736 : index
    %swap3A_1086 = tpu.vector_load %arg11[%swap3A_1085] {strides = array<i32>} : memref<1024xi32, #tpu.memory_space<vmem>>, vector<16xi32>,
    tpu.vector_store %arg11[%swap3A_1085], %add3A_1084 {strides = array<i32>} : memref<1024xi32, #tpu.memory_space<vmem>>, vector<16xi32>,
    %get3A_1087 = arith.constant 752 : index
    %get3A_1088 = tpu.vector_load %arg9[%get3A_1087] {strides = array<i32>} : memref<1024xi32, #tpu.memory_space<vmem>>, vector<16xi32>,
    %mul3A_1089 = arith.constant 1024 : i32
    %mul3A_1090 = arith.muli %add3A, %mul3A_1089 : i32
    %add3A_1091 = vector.broadcast %mul3A_1090 : i32 to vector<16xi32>
    %add3A_1092 = arith.addi %get3A_1088, %add3A_1091 : vector<16xi32>
    %swap3A_1093 = arith.constant 752 : index
    %swap3A_1094 = tpu.vector_load %arg10[%swap3A_1093] {strides = array<i32>} : memref<1024xi32, #tpu.memory_space<vmem>>, vector<16xi32>,
    tpu.vector_store %arg10[%swap3A_1093], %add3A_1092 {strides = array<i32>} : memref<1024xi32, #tpu.memory_space<vmem>>, vector<16xi32>,
    %mul3A_1095 = arith.constant 32 : i32
    %mul3A_1096 = vector.broadcast %mul3A_1095 : i32 to vector<16xi32>
    %mul3A_1097 = arith.muli %get3A_1088, %mul3A_1096 : vector<16xi32>
    %add3A_1098 = vector.broadcast %add3A : i32 to vector<16xi32>
    %add3A_1099 = arith.addi %mul3A_1097, %add3A_1098 : vector<16xi32>
    %swap3A_1100 = arith.constant 752 : index
    %swap3A_1101 = tpu.vector_load %arg11[%swap3A_1100] {strides = array<i32>} : memref<1024xi32, #tpu.memory_space<vmem>>, vector<16xi32>,
    tpu.vector_store %arg11[%swap3A_1100], %add3A_1099 {strides = array<i32>} : memref<1024xi32, #tpu.memory_space<vmem>>, vector<16xi32>,
    %get3A_1102 = arith.constant 768 : index
    %get3A_1103 = tpu.vector_load %arg9[%get3A_1102] {strides = array<i32>} : memref<1024xi32, #tpu.memory_space<vmem>>, vector<16xi32>,
    %mul3A_1104 = arith.constant 1024 : i32
    %mul3A_1105 = arith.muli %add3A, %mul3A_1104 : i32
    %add3A_1106 = vector.broadcast %mul3A_1105 : i32 to vector<16xi32>
    %add3A_1107 = arith.addi %get3A_1103, %add3A_1106 : vector<16xi32>
    %swap3A_1108 = arith.constant 768 : index
    %swap3A_1109 = tpu.vector_load %arg10[%swap3A_1108] {strides = array<i32>} : memref<1024xi32, #tpu.memory_space<vmem>>, vector<16xi32>,
    tpu.vector_store %arg10[%swap3A_1108], %add3A_1107 {strides = array<i32>} : memref<1024xi32, #tpu.memory_space<vmem>>, vector<16xi32>,
    %mul3A_1110 = arith.constant 32 : i32
    %mul3A_1111 = vector.broadcast %mul3A_1110 : i32 to vector<16xi32>
    %mul3A_1112 = arith.muli %get3A_1103, %mul3A_1111 : vector<16xi32>
    %add3A_1113 = vector.broadcast %add3A : i32 to vector<16xi32>
    %add3A_1114 = arith.addi %mul3A_1112, %add3A_1113 : vector<16xi32>
    %swap3A_1115 = arith.constant 768 : index
    %swap3A_1116 = tpu.vector_load %arg11[%swap3A_1115] {strides = array<i32>} : memref<1024xi32, #tpu.memory_space<vmem>>, vector<16xi32>,
    tpu.vector_store %arg11[%swap3A_1115], %add3A_1114 {strides = array<i32>} : memref<1024xi32, #tpu.memory_space<vmem>>, vector<16xi32>,
    %get3A_1117 = arith.constant 784 : index
    %get3A_1118 = tpu.vector_load %arg9[%get3A_1117] {strides = array<i32>} : memref<1024xi32, #tpu.memory_space<vmem>>, vector<16xi32>,
    %mul3A_1119 = arith.constant 1024 : i32
    %mul3A_1120 = arith.muli %add3A, %mul3A_1119 : i32
    %add3A_1121 = vector.broadcast %mul3A_1120 : i32 to vector<16xi32>
    %add3A_1122 = arith.addi %get3A_1118, %add3A_1121 : vector<16xi32>
    %swap3A_1123 = arith.constant 784 : index
    %swap3A_1124 = tpu.vector_load %arg10[%swap3A_1123] {strides = array<i32>} : memref<1024xi32, #tpu.memory_space<vmem>>, vector<16xi32>,
    tpu.vector_store %arg10[%swap3A_1123], %add3A_1122 {strides = array<i32>} : memref<1024xi32, #tpu.memory_space<vmem>>, vector<16xi32>,
    %mul3A_1125 = arith.constant 32 : i32
    %mul3A_1126 = vector.broadcast %mul3A_1125 : i32 to vector<16xi32>
    %mul3A_1127 = arith.muli %get3A_1118, %mul3A_1126 : vector<16xi32>
    %add3A_1128 = vector.broadcast %add3A : i32 to vector<16xi32>
    %add3A_1129 = arith.addi %mul3A_1127, %add3A_1128 : vector<16xi32>
    %swap3A_1130 = arith.constant 784 : index
    %swap3A_1131 = tpu.vector_load %arg11[%swap3A_1130] {strides = array<i32>} : memref<1024xi32, #tpu.memory_space<vmem>>, vector<16xi32>,
    tpu.vector_store %arg11[%swap3A_1130], %add3A_1129 {strides = array<i32>} : memref<1024xi32, #tpu.memory_space<vmem>>, vector<16xi32>,
    %get3A_1132 = arith.constant 800 : index
    %get3A_1133 = tpu.vector_load %arg9[%get3A_1132] {strides = array<i32>} : memref<1024xi32, #tpu.memory_space<vmem>>, vector<16xi32>,
    %mul3A_1134 = arith.constant 1024 : i32
    %mul3A_1135 = arith.muli %add3A, %mul3A_1134 : i32
    %add3A_1136 = vector.broadcast %mul3A_1135 : i32 to vector<16xi32>
    %add3A_1137 = arith.addi %get3A_1133, %add3A_1136 : vector<16xi32>
    %swap3A_1138 = arith.constant 800 : index
    %swap3A_1139 = tpu.vector_load %arg10[%swap3A_1138] {strides = array<i32>} : memref<1024xi32, #tpu.memory_space<vmem>>, vector<16xi32>,
    tpu.vector_store %arg10[%swap3A_1138], %add3A_1137 {strides = array<i32>} : memref<1024xi32, #tpu.memory_space<vmem>>, vector<16xi32>,
    %mul3A_1140 = arith.constant 32 : i32
    %mul3A_1141 = vector.broadcast %mul3A_1140 : i32 to vector<16xi32>
    %mul3A_1142 = arith.muli %get3A_1133, %mul3A_1141 : vector<16xi32>
    %add3A_1143 = vector.broadcast %add3A : i32 to vector<16xi32>
    %add3A_1144 = arith.addi %mul3A_1142, %add3A_1143 : vector<16xi32>
    %swap3A_1145 = arith.constant 800 : index
    %swap3A_1146 = tpu.vector_load %arg11[%swap3A_1145] {strides = array<i32>} : memref<1024xi32, #tpu.memory_space<vmem>>, vector<16xi32>,
    tpu.vector_store %arg11[%swap3A_1145], %add3A_1144 {strides = array<i32>} : memref<1024xi32, #tpu.memory_space<vmem>>, vector<16xi32>,
    %get3A_1147 = arith.constant 816 : index
    %get3A_1148 = tpu.vector_load %arg9[%get3A_1147] {strides = array<i32>} : memref<1024xi32, #tpu.memory_space<vmem>>, vector<16xi32>,
    %mul3A_1149 = arith.constant 1024 : i32
    %mul3A_1150 = arith.muli %add3A, %mul3A_1149 : i32
    %add3A_1151 = vector.broadcast %mul3A_1150 : i32 to vector<16xi32>
    %add3A_1152 = arith.addi %get3A_1148, %add3A_1151 : vector<16xi32>
    %swap3A_1153 = arith.constant 816 : index
    %swap3A_1154 = tpu.vector_load %arg10[%swap3A_1153] {strides = array<i32>} : memref<1024xi32, #tpu.memory_space<vmem>>, vector<16xi32>,
    tpu.vector_store %arg10[%swap3A_1153], %add3A_1152 {strides = array<i32>} : memref<1024xi32, #tpu.memory_space<vmem>>, vector<16xi32>,
    %mul3A_1155 = arith.constant 32 : i32
    %mul3A_1156 = vector.broadcast %mul3A_1155 : i32 to vector<16xi32>
    %mul3A_1157 = arith.muli %get3A_1148, %mul3A_1156 : vector<16xi32>
    %add3A_1158 = vector.broadcast %add3A : i32 to vector<16xi32>
    %add3A_1159 = arith.addi %mul3A_1157, %add3A_1158 : vector<16xi32>
    %swap3A_1160 = arith.constant 816 : index
    %swap3A_1161 = tpu.vector_load %arg11[%swap3A_1160] {strides = array<i32>} : memref<1024xi32, #tpu.memory_space<vmem>>, vector<16xi32>,
    tpu.vector_store %arg11[%swap3A_1160], %add3A_1159 {strides = array<i32>} : memref<1024xi32, #tpu.memory_space<vmem>>, vector<16xi32>,
    %get3A_1162 = arith.constant 832 : index
    %get3A_1163 = tpu.vector_load %arg9[%get3A_1162] {strides = array<i32>} : memref<1024xi32, #tpu.memory_space<vmem>>, vector<16xi32>,
    %mul3A_1164 = arith.constant 1024 : i32
    %mul3A_1165 = arith.muli %add3A, %mul3A_1164 : i32
    %add3A_1166 = vector.broadcast %mul3A_1165 : i32 to vector<16xi32>
    %add3A_1167 = arith.addi %get3A_1163, %add3A_1166 : vector<16xi32>
    %swap3A_1168 = arith.constant 832 : index
    %swap3A_1169 = tpu.vector_load %arg10[%swap3A_1168] {strides = array<i32>} : memref<1024xi32, #tpu.memory_space<vmem>>, vector<16xi32>,
    tpu.vector_store %arg10[%swap3A_1168], %add3A_1167 {strides = array<i32>} : memref<1024xi32, #tpu.memory_space<vmem>>, vector<16xi32>,
    %mul3A_1170 = arith.constant 32 : i32
    %mul3A_1171 = vector.broadcast %mul3A_1170 : i32 to vector<16xi32>
    %mul3A_1172 = arith.muli %get3A_1163, %mul3A_1171 : vector<16xi32>
    %add3A_1173 = vector.broadcast %add3A : i32 to vector<16xi32>
    %add3A_1174 = arith.addi %mul3A_1172, %add3A_1173 : vector<16xi32>
    %swap3A_1175 = arith.constant 832 : index
    %swap3A_1176 = tpu.vector_load %arg11[%swap3A_1175] {strides = array<i32>} : memref<1024xi32, #tpu.memory_space<vmem>>, vector<16xi32>,
    tpu.vector_store %arg11[%swap3A_1175], %add3A_1174 {strides = array<i32>} : memref<1024xi32, #tpu.memory_space<vmem>>, vector<16xi32>,
    %get3A_1177 = arith.constant 848 : index
    %get3A_1178 = tpu.vector_load %arg9[%get3A_1177] {strides = array<i32>} : memref<1024xi32, #tpu.memory_space<vmem>>, vector<16xi32>,
    %mul3A_1179 = arith.constant 1024 : i32
    %mul3A_1180 = arith.muli %add3A, %mul3A_1179 : i32
    %add3A_1181 = vector.broadcast %mul3A_1180 : i32 to vector<16xi32>
    %add3A_1182 = arith.addi %get3A_1178, %add3A_1181 : vector<16xi32>
    %swap3A_1183 = arith.constant 848 : index
    %swap3A_1184 = tpu.vector_load %arg10[%swap3A_1183] {strides = array<i32>} : memref<1024xi32, #tpu.memory_space<vmem>>, vector<16xi32>,
    tpu.vector_store %arg10[%swap3A_1183], %add3A_1182 {strides = array<i32>} : memref<1024xi32, #tpu.memory_space<vmem>>, vector<16xi32>,
    %mul3A_1185 = arith.constant 32 : i32
    %mul3A_1186 = vector.broadcast %mul3A_1185 : i32 to vector<16xi32>
    %mul3A_1187 = arith.muli %get3A_1178, %mul3A_1186 : vector<16xi32>
    %add3A_1188 = vector.broadcast %add3A : i32 to vector<16xi32>
    %add3A_1189 = arith.addi %mul3A_1187, %add3A_1188 : vector<16xi32>
    %swap3A_1190 = arith.constant 848 : index
    %swap3A_1191 = tpu.vector_load %arg11[%swap3A_1190] {strides = array<i32>} : memref<1024xi32, #tpu.memory_space<vmem>>, vector<16xi32>,
    tpu.vector_store %arg11[%swap3A_1190], %add3A_1189 {strides = array<i32>} : memref<1024xi32, #tpu.memory_space<vmem>>, vector<16xi32>,
    %get3A_1192 = arith.constant 864 : index
    %get3A_1193 = tpu.vector_load %arg9[%get3A_1192] {strides = array<i32>} : memref<1024xi32, #tpu.memory_space<vmem>>, vector<16xi32>,
    %mul3A_1194 = arith.constant 1024 : i32
    %mul3A_1195 = arith.muli %add3A, %mul3A_1194 : i32
    %add3A_1196 = vector.broadcast %mul3A_1195 : i32 to vector<16xi32>
    %add3A_1197 = arith.addi %get3A_1193, %add3A_1196 : vector<16xi32>
    %swap3A_1198 = arith.constant 864 : index
    %swap3A_1199 = tpu.vector_load %arg10[%swap3A_1198] {strides = array<i32>} : memref<1024xi32, #tpu.memory_space<vmem>>, vector<16xi32>,
    tpu.vector_store %arg10[%swap3A_1198], %add3A_1197 {strides = array<i32>} : memref<1024xi32, #tpu.memory_space<vmem>>, vector<16xi32>,
    %mul3A_1200 = arith.constant 32 : i32
    %mul3A_1201 = vector.broadcast %mul3A_1200 : i32 to vector<16xi32>
    %mul3A_1202 = arith.muli %get3A_1193, %mul3A_1201 : vector<16xi32>
    %add3A_1203 = vector.broadcast %add3A : i32 to vector<16xi32>
    %add3A_1204 = arith.addi %mul3A_1202, %add3A_1203 : vector<16xi32>
    %swap3A_1205 = arith.constant 864 : index
    %swap3A_1206 = tpu.vector_load %arg11[%swap3A_1205] {strides = array<i32>} : memref<1024xi32, #tpu.memory_space<vmem>>, vector<16xi32>,
    tpu.vector_store %arg11[%swap3A_1205], %add3A_1204 {strides = array<i32>} : memref<1024xi32, #tpu.memory_space<vmem>>, vector<16xi32>,
    %get3A_1207 = arith.constant 880 : index
    %get3A_1208 = tpu.vector_load %arg9[%get3A_1207] {strides = array<i32>} : memref<1024xi32, #tpu.memory_space<vmem>>, vector<16xi32>,
    %mul3A_1209 = arith.constant 1024 : i32
    %mul3A_1210 = arith.muli %add3A, %mul3A_1209 : i32
    %add3A_1211 = vector.broadcast %mul3A_1210 : i32 to vector<16xi32>
    %add3A_1212 = arith.addi %get3A_1208, %add3A_1211 : vector<16xi32>
    %swap3A_1213 = arith.constant 880 : index
    %swap3A_1214 = tpu.vector_load %arg10[%swap3A_1213] {strides = array<i32>} : memref<1024xi32, #tpu.memory_space<vmem>>, vector<16xi32>,
    tpu.vector_store %arg10[%swap3A_1213], %add3A_1212 {strides = array<i32>} : memref<1024xi32, #tpu.memory_space<vmem>>, vector<16xi32>,
    %mul3A_1215 = arith.constant 32 : i32
    %mul3A_1216 = vector.broadcast %mul3A_1215 : i32 to vector<16xi32>
    %mul3A_1217 = arith.muli %get3A_1208, %mul3A_1216 : vector<16xi32>
    %add3A_1218 = vector.broadcast %add3A : i32 to vector<16xi32>
    %add3A_1219 = arith.addi %mul3A_1217, %add3A_1218 : vector<16xi32>
    %swap3A_1220 = arith.constant 880 : index
    %swap3A_1221 = tpu.vector_load %arg11[%swap3A_1220] {strides = array<i32>} : memref<1024xi32, #tpu.memory_space<vmem>>, vector<16xi32>,
    tpu.vector_store %arg11[%swap3A_1220], %add3A_1219 {strides = array<i32>} : memref<1024xi32, #tpu.memory_space<vmem>>, vector<16xi32>,
    %get3A_1222 = arith.constant 896 : index
    %get3A_1223 = tpu.vector_load %arg9[%get3A_1222] {strides = array<i32>} : memref<1024xi32, #tpu.memory_space<vmem>>, vector<16xi32>,
    %mul3A_1224 = arith.constant 1024 : i32
    %mul3A_1225 = arith.muli %add3A, %mul3A_1224 : i32
    %add3A_1226 = vector.broadcast %mul3A_1225 : i32 to vector<16xi32>
    %add3A_1227 = arith.addi %get3A_1223, %add3A_1226 : vector<16xi32>
    %swap3A_1228 = arith.constant 896 : index
    %swap3A_1229 = tpu.vector_load %arg10[%swap3A_1228] {strides = array<i32>} : memref<1024xi32, #tpu.memory_space<vmem>>, vector<16xi32>,
    tpu.vector_store %arg10[%swap3A_1228], %add3A_1227 {strides = array<i32>} : memref<1024xi32, #tpu.memory_space<vmem>>, vector<16xi32>,
    %mul3A_1230 = arith.constant 32 : i32
    %mul3A_1231 = vector.broadcast %mul3A_1230 : i32 to vector<16xi32>
    %mul3A_1232 = arith.muli %get3A_1223, %mul3A_1231 : vector<16xi32>
    %add3A_1233 = vector.broadcast %add3A : i32 to vector<16xi32>
    %add3A_1234 = arith.addi %mul3A_1232, %add3A_1233 : vector<16xi32>
    %swap3A_1235 = arith.constant 896 : index
    %swap3A_1236 = tpu.vector_load %arg11[%swap3A_1235] {strides = array<i32>} : memref<1024xi32, #tpu.memory_space<vmem>>, vector<16xi32>,
    tpu.vector_store %arg11[%swap3A_1235], %add3A_1234 {strides = array<i32>} : memref<1024xi32, #tpu.memory_space<vmem>>, vector<16xi32>,
    %get3A_1237 = arith.constant 912 : index
    %get3A_1238 = tpu.vector_load %arg9[%get3A_1237] {strides = array<i32>} : memref<1024xi32, #tpu.memory_space<vmem>>, vector<16xi32>,
    %mul3A_1239 = arith.constant 1024 : i32
    %mul3A_1240 = arith.muli %add3A, %mul3A_1239 : i32
    %add3A_1241 = vector.broadcast %mul3A_1240 : i32 to vector<16xi32>
    %add3A_1242 = arith.addi %get3A_1238, %add3A_1241 : vector<16xi32>
    %swap3A_1243 = arith.constant 912 : index
    %swap3A_1244 = tpu.vector_load %arg10[%swap3A_1243] {strides = array<i32>} : memref<1024xi32, #tpu.memory_space<vmem>>, vector<16xi32>,
    tpu.vector_store %arg10[%swap3A_1243], %add3A_1242 {strides = array<i32>} : memref<1024xi32, #tpu.memory_space<vmem>>, vector<16xi32>,
    %mul3A_1245 = arith.constant 32 : i32
    %mul3A_1246 = vector.broadcast %mul3A_1245 : i32 to vector<16xi32>
    %mul3A_1247 = arith.muli %get3A_1238, %mul3A_1246 : vector<16xi32>
    %add3A_1248 = vector.broadcast %add3A : i32 to vector<16xi32>
    %add3A_1249 = arith.addi %mul3A_1247, %add3A_1248 : vector<16xi32>
    %swap3A_1250 = arith.constant 912 : index
    %swap3A_1251 = tpu.vector_load %arg11[%swap3A_1250] {strides = array<i32>} : memref<1024xi32, #tpu.memory_space<vmem>>, vector<16xi32>,
    tpu.vector_store %arg11[%swap3A_1250], %add3A_1249 {strides = array<i32>} : memref<1024xi32, #tpu.memory_space<vmem>>, vector<16xi32>,
    %get3A_1252 = arith.constant 928 : index
    %get3A_1253 = tpu.vector_load %arg9[%get3A_1252] {strides = array<i32>} : memref<1024xi32, #tpu.memory_space<vmem>>, vector<16xi32>,
    %mul3A_1254 = arith.constant 1024 : i32
    %mul3A_1255 = arith.muli %add3A, %mul3A_1254 : i32
    %add3A_1256 = vector.broadcast %mul3A_1255 : i32 to vector<16xi32>
    %add3A_1257 = arith.addi %get3A_1253, %add3A_1256 : vector<16xi32>
    %swap3A_1258 = arith.constant 928 : index
    %swap3A_1259 = tpu.vector_load %arg10[%swap3A_1258] {strides = array<i32>} : memref<1024xi32, #tpu.memory_space<vmem>>, vector<16xi32>,
    tpu.vector_store %arg10[%swap3A_1258], %add3A_1257 {strides = array<i32>} : memref<1024xi32, #tpu.memory_space<vmem>>, vector<16xi32>,
    %mul3A_1260 = arith.constant 32 : i32
    %mul3A_1261 = vector.broadcast %mul3A_1260 : i32 to vector<16xi32>
    %mul3A_1262 = arith.muli %get3A_1253, %mul3A_1261 : vector<16xi32>
    %add3A_1263 = vector.broadcast %add3A : i32 to vector<16xi32>
    %add3A_1264 = arith.addi %mul3A_1262, %add3A_1263 : vector<16xi32>
    %swap3A_1265 = arith.constant 928 : index
    %swap3A_1266 = tpu.vector_load %arg11[%swap3A_1265] {strides = array<i32>} : memref<1024xi32, #tpu.memory_space<vmem>>, vector<16xi32>,
    tpu.vector_store %arg11[%swap3A_1265], %add3A_1264 {strides = array<i32>} : memref<1024xi32, #tpu.memory_space<vmem>>, vector<16xi32>,
    %get3A_1267 = arith.constant 944 : index
    %get3A_1268 = tpu.vector_load %arg9[%get3A_1267] {strides = array<i32>} : memref<1024xi32, #tpu.memory_space<vmem>>, vector<16xi32>,
    %mul3A_1269 = arith.constant 1024 : i32
    %mul3A_1270 = arith.muli %add3A, %mul3A_1269 : i32
    %add3A_1271 = vector.broadcast %mul3A_1270 : i32 to vector<16xi32>
    %add3A_1272 = arith.addi %get3A_1268, %add3A_1271 : vector<16xi32>
    %swap3A_1273 = arith.constant 944 : index
    %swap3A_1274 = tpu.vector_load %arg10[%swap3A_1273] {strides = array<i32>} : memref<1024xi32, #tpu.memory_space<vmem>>, vector<16xi32>,
    tpu.vector_store %arg10[%swap3A_1273], %add3A_1272 {strides = array<i32>} : memref<1024xi32, #tpu.memory_space<vmem>>, vector<16xi32>,
    %mul3A_1275 = arith.constant 32 : i32
    %mul3A_1276 = vector.broadcast %mul3A_1275 : i32 to vector<16xi32>
    %mul3A_1277 = arith.muli %get3A_1268, %mul3A_1276 : vector<16xi32>
    %add3A_1278 = vector.broadcast %add3A : i32 to vector<16xi32>
    %add3A_1279 = arith.addi %mul3A_1277, %add3A_1278 : vector<16xi32>
    %swap3A_1280 = arith.constant 944 : index
    %swap3A_1281 = tpu.vector_load %arg11[%swap3A_1280] {strides = array<i32>} : memref<1024xi32, #tpu.memory_space<vmem>>, vector<16xi32>,
    tpu.vector_store %arg11[%swap3A_1280], %add3A_1279 {strides = array<i32>} : memref<1024xi32, #tpu.memory_space<vmem>>, vector<16xi32>,
    %get3A_1282 = arith.constant 960 : index
    %get3A_1283 = tpu.vector_load %arg9[%get3A_1282] {strides = array<i32>} : memref<1024xi32, #tpu.memory_space<vmem>>, vector<16xi32>,
    %mul3A_1284 = arith.constant 1024 : i32
    %mul3A_1285 = arith.muli %add3A, %mul3A_1284 : i32
    %add3A_1286 = vector.broadcast %mul3A_1285 : i32 to vector<16xi32>
    %add3A_1287 = arith.addi %get3A_1283, %add3A_1286 : vector<16xi32>
    %swap3A_1288 = arith.constant 960 : index
    %swap3A_1289 = tpu.vector_load %arg10[%swap3A_1288] {strides = array<i32>} : memref<1024xi32, #tpu.memory_space<vmem>>, vector<16xi32>,
    tpu.vector_store %arg10[%swap3A_1288], %add3A_1287 {strides = array<i32>} : memref<1024xi32, #tpu.memory_space<vmem>>, vector<16xi32>,
    %mul3A_1290 = arith.constant 32 : i32
    %mul3A_1291 = vector.broadcast %mul3A_1290 : i32 to vector<16xi32>
    %mul3A_1292 = arith.muli %get3A_1283, %mul3A_1291 : vector<16xi32>
    %add3A_1293 = vector.broadcast %add3A : i32 to vector<16xi32>
    %add3A_1294 = arith.addi %mul3A_1292, %add3A_1293 : vector<16xi32>
    %swap3A_1295 = arith.constant 960 : index
    %swap3A_1296 = tpu.vector_load %arg11[%swap3A_1295] {strides = array<i32>} : memref<1024xi32, #tpu.memory_space<vmem>>, vector<16xi32>,
    tpu.vector_store %arg11[%swap3A_1295], %add3A_1294 {strides = array<i32>} : memref<1024xi32, #tpu.memory_space<vmem>>, vector<16xi32>,
    %get3A_1297 = arith.constant 976 : index
    %get3A_1298 = tpu.vector_load %arg9[%get3A_1297] {strides = array<i32>} : memref<1024xi32, #tpu.memory_space<vmem>>, vector<16xi32>,
    %mul3A_1299 = arith.constant 1024 : i32
    %mul3A_1300 = arith.muli %add3A, %mul3A_1299 : i32
    %add3A_1301 = vector.broadcast %mul3A_1300 : i32 to vector<16xi32>
    %add3A_1302 = arith.addi %get3A_1298, %add3A_1301 : vector<16xi32>
    %swap3A_1303 = arith.constant 976 : index
    %swap3A_1304 = tpu.vector_load %arg10[%swap3A_1303] {strides = array<i32>} : memref<1024xi32, #tpu.memory_space<vmem>>, vector<16xi32>,
    tpu.vector_store %arg10[%swap3A_1303], %add3A_1302 {strides = array<i32>} : memref<1024xi32, #tpu.memory_space<vmem>>, vector<16xi32>,
    %mul3A_1305 = arith.constant 32 : i32
    %mul3A_1306 = vector.broadcast %mul3A_1305 : i32 to vector<16xi32>
    %mul3A_1307 = arith.muli %get3A_1298, %mul3A_1306 : vector<16xi32>
    %add3A_1308 = vector.broadcast %add3A : i32 to vector<16xi32>
    %add3A_1309 = arith.addi %mul3A_1307, %add3A_1308 : vector<16xi32>
    %swap3A_1310 = arith.constant 976 : index
    %swap3A_1311 = tpu.vector_load %arg11[%swap3A_1310] {strides = array<i32>} : memref<1024xi32, #tpu.memory_space<vmem>>, vector<16xi32>,
    tpu.vector_store %arg11[%swap3A_1310], %add3A_1309 {strides = array<i32>} : memref<1024xi32, #tpu.memory_space<vmem>>, vector<16xi32>,
    %get3A_1312 = arith.constant 992 : index
    %get3A_1313 = tpu.vector_load %arg9[%get3A_1312] {strides = array<i32>} : memref<1024xi32, #tpu.memory_space<vmem>>, vector<16xi32>,
    %mul3A_1314 = arith.constant 1024 : i32
    %mul3A_1315 = arith.muli %add3A, %mul3A_1314 : i32
    %add3A_1316 = vector.broadcast %mul3A_1315 : i32 to vector<16xi32>
    %add3A_1317 = arith.addi %get3A_1313, %add3A_1316 : vector<16xi32>
    %swap3A_1318 = arith.constant 992 : index
    %swap3A_1319 = tpu.vector_load %arg10[%swap3A_1318] {strides = array<i32>} : memref<1024xi32, #tpu.memory_space<vmem>>, vector<16xi32>,
    tpu.vector_store %arg10[%swap3A_1318], %add3A_1317 {strides = array<i32>} : memref<1024xi32, #tpu.memory_space<vmem>>, vector<16xi32>,
    %mul3A_1320 = arith.constant 32 : i32
    %mul3A_1321 = vector.broadcast %mul3A_1320 : i32 to vector<16xi32>
    %mul3A_1322 = arith.muli %get3A_1313, %mul3A_1321 : vector<16xi32>
    %add3A_1323 = vector.broadcast %add3A : i32 to vector<16xi32>
    %add3A_1324 = arith.addi %mul3A_1322, %add3A_1323 : vector<16xi32>
    %swap3A_1325 = arith.constant 992 : index
    %swap3A_1326 = tpu.vector_load %arg11[%swap3A_1325] {strides = array<i32>} : memref<1024xi32, #tpu.memory_space<vmem>>, vector<16xi32>,
    tpu.vector_store %arg11[%swap3A_1325], %add3A_1324 {strides = array<i32>} : memref<1024xi32, #tpu.memory_space<vmem>>, vector<16xi32>,
    %get3A_1327 = arith.constant 1008 : index
    %get3A_1328 = tpu.vector_load %arg9[%get3A_1327] {strides = array<i32>} : memref<1024xi32, #tpu.memory_space<vmem>>, vector<16xi32>,
    %mul3A_1329 = arith.constant 1024 : i32
    %mul3A_1330 = arith.muli %add3A, %mul3A_1329 : i32
    %add3A_1331 = vector.broadcast %mul3A_1330 : i32 to vector<16xi32>
    %add3A_1332 = arith.addi %get3A_1328, %add3A_1331 : vector<16xi32>
    %swap3A_1333 = arith.constant 1008 : index
    %swap3A_1334 = tpu.vector_load %arg10[%swap3A_1333] {strides = array<i32>} : memref<1024xi32, #tpu.memory_space<vmem>>, vector<16xi32>,
    tpu.vector_store %arg10[%swap3A_1333], %add3A_1332 {strides = array<i32>} : memref<1024xi32, #tpu.memory_space<vmem>>, vector<16xi32>,
    %mul3A_1335 = arith.constant 32 : i32
    %mul3A_1336 = vector.broadcast %mul3A_1335 : i32 to vector<16xi32>
    %mul3A_1337 = arith.muli %get3A_1328, %mul3A_1336 : vector<16xi32>
    %add3A_1338 = vector.broadcast %add3A : i32 to vector<16xi32>
    %add3A_1339 = arith.addi %mul3A_1337, %add3A_1338 : vector<16xi32>
    %swap3A_1340 = arith.constant 1008 : index
    %swap3A_1341 = tpu.vector_load %arg11[%swap3A_1340] {strides = array<i32>} : memref<1024xi32, #tpu.memory_space<vmem>>, vector<16xi32>,
    tpu.vector_store %arg11[%swap3A_1340], %add3A_1339 {strides = array<i32>} : memref<1024xi32, #tpu.memory_space<vmem>>, vector<16xi32>,
    %dma_start3A = arith.constant 0 : i32
    %dma_start3A_1342 = tpu.memref_slice %arg10[%dma_start3A] : memref<1024xi32, #tpu.memory_space<vmem>> -> memref<256xi32, #tpu.memory_space<vmem>>
    %dma_start3A_1343 = arith.constant 0 : i32
    %dma_start3A_1344 = arith.constant 0 : i32
    %dma_start3A_1345 = tpu.memref_slice %arg2[%dma_start3A_1343, %dma_start3A_1344] : memref<32768x384xf32, #tpu.memory_space<hbm>> -> memref<32768x384xf32, #tpu.memory_space<hbm>>
    tpu.enqueue_indirect_dma source(%dma_start3A_1345 : memref<32768x384xf32, #tpu.memory_space<hbm>>) target(%arg12 : memref<256x384xf32, #tpu.memory_space<vmem>>) offsets(%dma_start3A_1342 : memref<256xi32, #tpu.memory_space<vmem>>) semaphore(%arg14 : memref<!tpu.dma_semaphore, #tpu.memory_space<semaphore_mem>>)
    %dma_wait3A = arith.constant 0 : i32
    %dma_wait3A_1346 = tpu.memref_slice %arg10[%dma_wait3A] : memref<1024xi32, #tpu.memory_space<vmem>> -> memref<256xi32, #tpu.memory_space<vmem>>
    %dma_wait3A_1347 = arith.constant 0 : i32
    %dma_wait3A_1348 = arith.constant 0 : i32
    %dma_wait3A_1349 = tpu.memref_slice %arg2[%dma_wait3A_1347, %dma_wait3A_1348] : memref<32768x384xf32, #tpu.memory_space<hbm>> -> memref<32768x384xf32, #tpu.memory_space<hbm>>
    tpu.wait_indirect_dma semaphore(%arg14 : memref<!tpu.dma_semaphore, #tpu.memory_space<semaphore_mem>>) src(%dma_wait3A_1349 : memref<32768x384xf32, #tpu.memory_space<hbm>>) dst(%arg12 : memref<256x384xf32, #tpu.memory_space<vmem>>)
    "tpu.region"() ({
      %run_scoped3A = tpu.sem_alloc : memref<!tpu.dma_semaphore, #tpu.memory_space<semaphore_mem>>
      %dma_start3A_1384 = arith.constant 0 : i32
      %dma_start3A_1385 = arith.constant 0 : i32
      %dma_start3A_1386 = tpu.memref_slice %arg5[%dma_start3A_1384, %add3A, %dma_start3A_1385] : memref<1024x32x384xf32, #tpu.memory_space<hbm>> -> memref<256x1x384xf32, #tpu.memory_space<hbm>>
      %dma_start3A_1387 = tpu.memref_squeeze %dma_start3A_1386 : memref<256x1x384xf32, #tpu.memory_space<hbm>> -> memref<256x384xf32, #tpu.memory_space<hbm>>
      %dma_start3A_1388 = arith.constant 0 : i32
      %dma_start3A_1389 = arith.constant 0 : i32
      %dma_start3A_1390 = tpu.memref_slice %arg5[%dma_start3A_1388, %add3A, %dma_start3A_1389] : memref<1024x32x384xf32, #tpu.memory_space<hbm>> -> memref<256x1x384xf32, #tpu.memory_space<hbm>>
      %dma_start3A_1391 = tpu.memref_squeeze %dma_start3A_1390 : memref<256x1x384xf32, #tpu.memory_space<hbm>> -> memref<256x384xf32, #tpu.memory_space<hbm>>
      tpu.enqueue_dma source(%arg12 : memref<256x384xf32, #tpu.memory_space<vmem>>) target(%dma_start3A_1391 : memref<256x384xf32, #tpu.memory_space<hbm>>) target_semaphore(%run_scoped3A : memref<!tpu.dma_semaphore, #tpu.memory_space<semaphore_mem>>)
      %dma_wait3A_1392 = arith.constant 0 : i32
      %dma_wait3A_1393 = arith.constant 0 : i32
      %dma_wait3A_1394 = tpu.memref_slice %arg5[%dma_wait3A_1392, %add3A, %dma_wait3A_1393] : memref<1024x32x384xf32, #tpu.memory_space<hbm>> -> memref<256x1x384xf32, #tpu.memory_space<hbm>>
      %dma_wait3A_1395 = tpu.memref_squeeze %dma_wait3A_1394 : memref<256x1x384xf32, #tpu.memory_space<hbm>> -> memref<256x384xf32, #tpu.memory_space<hbm>>
      %dma_wait3A_1396 = arith.constant 0 : i32
      %dma_wait3A_1397 = arith.constant 0 : i32
      %dma_wait3A_1398 = tpu.memref_slice %arg5[%dma_wait3A_1396, %add3A, %dma_wait3A_1397] : memref<1024x32x384xf32, #tpu.memory_space<hbm>> -> memref<256x1x384xf32, #tpu.memory_space<hbm>>
      %dma_wait3A_1399 = tpu.memref_squeeze %dma_wait3A_1398 : memref<256x1x384xf32, #tpu.memory_space<hbm>> -> memref<256x384xf32, #tpu.memory_space<hbm>>
      tpu.wait_dma2 semaphore(%run_scoped3A : memref<!tpu.dma_semaphore, #tpu.memory_space<semaphore_mem>>) src(%arg12 : memref<256x384xf32, #tpu.memory_space<vmem>>) dst(%dma_wait3A_1399 : memref<256x384xf32, #tpu.memory_space<hbm>>)
      tpu.yield
    }) : () -> ()
    %dma_start3A_1350 = arith.constant 256 : i32
    %dma_start3A_1351 = tpu.memref_slice %arg10[%dma_start3A_1350] : memref<1024xi32, #tpu.memory_space<vmem>> -> memref<256xi32, #tpu.memory_space<vmem>>
    %dma_start3A_1352 = arith.constant 0 : i32
    %dma_start3A_1353 = arith.constant 0 : i32
    %dma_start3A_1354 = tpu.memref_slice %arg2[%dma_start3A_1352, %dma_start3A_1353] : memref<32768x384xf32, #tpu.memory_space<hbm>> -> memref<32768x384xf32, #tpu.memory_space<hbm>>
    tpu.enqueue_indirect_dma source(%dma_start3A_1354 : memref<32768x384xf32, #tpu.memory_space<hbm>>) target(%arg12 : memref<256x384xf32, #tpu.memory_space<vmem>>) offsets(%dma_start3A_1351 : memref<256xi32, #tpu.memory_space<vmem>>) semaphore(%arg14 : memref<!tpu.dma_semaphore, #tpu.memory_space<semaphore_mem>>)
    %dma_wait3A_1355 = arith.constant 256 : i32
    %dma_wait3A_1356 = tpu.memref_slice %arg10[%dma_wait3A_1355] : memref<1024xi32, #tpu.memory_space<vmem>> -> memref<256xi32, #tpu.memory_space<vmem>>
    %dma_wait3A_1357 = arith.constant 0 : i32
    %dma_wait3A_1358 = arith.constant 0 : i32
    %dma_wait3A_1359 = tpu.memref_slice %arg2[%dma_wait3A_1357, %dma_wait3A_1358] : memref<32768x384xf32, #tpu.memory_space<hbm>> -> memref<32768x384xf32, #tpu.memory_space<hbm>>
    tpu.wait_indirect_dma semaphore(%arg14 : memref<!tpu.dma_semaphore, #tpu.memory_space<semaphore_mem>>) src(%dma_wait3A_1359 : memref<32768x384xf32, #tpu.memory_space<hbm>>) dst(%arg12 : memref<256x384xf32, #tpu.memory_space<vmem>>)
    "tpu.region"() ({
      %run_scoped3A = tpu.sem_alloc : memref<!tpu.dma_semaphore, #tpu.memory_space<semaphore_mem>>
      %dma_start3A_1384 = arith.constant 256 : i32
      %dma_start3A_1385 = arith.constant 0 : i32
      %dma_start3A_1386 = tpu.memref_slice %arg5[%dma_start3A_1384, %add3A, %dma_start3A_1385] : memref<1024x32x384xf32, #tpu.memory_space<hbm>> -> memref<256x1x384xf32, #tpu.memory_space<hbm>>
      %dma_start3A_1387 = tpu.memref_squeeze %dma_start3A_1386 : memref<256x1x384xf32, #tpu.memory_space<hbm>> -> memref<256x384xf32, #tpu.memory_space<hbm>>
      %dma_start3A_1388 = arith.constant 256 : i32
      %dma_start3A_1389 = arith.constant 0 : i32
      %dma_start3A_1390 = tpu.memref_slice %arg5[%dma_start3A_1388, %add3A, %dma_start3A_1389] : memref<1024x32x384xf32, #tpu.memory_space<hbm>> -> memref<256x1x384xf32, #tpu.memory_space<hbm>>
      %dma_start3A_1391 = tpu.memref_squeeze %dma_start3A_1390 : memref<256x1x384xf32, #tpu.memory_space<hbm>> -> memref<256x384xf32, #tpu.memory_space<hbm>>
      tpu.enqueue_dma source(%arg12 : memref<256x384xf32, #tpu.memory_space<vmem>>) target(%dma_start3A_1391 : memref<256x384xf32, #tpu.memory_space<hbm>>) target_semaphore(%run_scoped3A : memref<!tpu.dma_semaphore, #tpu.memory_space<semaphore_mem>>)
      %dma_wait3A_1392 = arith.constant 256 : i32
      %dma_wait3A_1393 = arith.constant 0 : i32
      %dma_wait3A_1394 = tpu.memref_slice %arg5[%dma_wait3A_1392, %add3A, %dma_wait3A_1393] : memref<1024x32x384xf32, #tpu.memory_space<hbm>> -> memref<256x1x384xf32, #tpu.memory_space<hbm>>
      %dma_wait3A_1395 = tpu.memref_squeeze %dma_wait3A_1394 : memref<256x1x384xf32, #tpu.memory_space<hbm>> -> memref<256x384xf32, #tpu.memory_space<hbm>>
      %dma_wait3A_1396 = arith.constant 256 : i32
      %dma_wait3A_1397 = arith.constant 0 : i32
      %dma_wait3A_1398 = tpu.memref_slice %arg5[%dma_wait3A_1396, %add3A, %dma_wait3A_1397] : memref<1024x32x384xf32, #tpu.memory_space<hbm>> -> memref<256x1x384xf32, #tpu.memory_space<hbm>>
      %dma_wait3A_1399 = tpu.memref_squeeze %dma_wait3A_1398 : memref<256x1x384xf32, #tpu.memory_space<hbm>> -> memref<256x384xf32, #tpu.memory_space<hbm>>
      tpu.wait_dma2 semaphore(%run_scoped3A : memref<!tpu.dma_semaphore, #tpu.memory_space<semaphore_mem>>) src(%arg12 : memref<256x384xf32, #tpu.memory_space<vmem>>) dst(%dma_wait3A_1399 : memref<256x384xf32, #tpu.memory_space<hbm>>)
      tpu.yield
    }) : () -> ()
    %dma_start3A_1360 = arith.constant 512 : i32
    %dma_start3A_1361 = tpu.memref_slice %arg10[%dma_start3A_1360] : memref<1024xi32, #tpu.memory_space<vmem>> -> memref<256xi32, #tpu.memory_space<vmem>>
    %dma_start3A_1362 = arith.constant 0 : i32
    %dma_start3A_1363 = arith.constant 0 : i32
    %dma_start3A_1364 = tpu.memref_slice %arg2[%dma_start3A_1362, %dma_start3A_1363] : memref<32768x384xf32, #tpu.memory_space<hbm>> -> memref<32768x384xf32, #tpu.memory_space<hbm>>
    tpu.enqueue_indirect_dma source(%dma_start3A_1364 : memref<32768x384xf32, #tpu.memory_space<hbm>>) target(%arg12 : memref<256x384xf32, #tpu.memory_space<vmem>>) offsets(%dma_start3A_1361 : memref<256xi32, #tpu.memory_space<vmem>>) semaphore(%arg14 : memref<!tpu.dma_semaphore, #tpu.memory_space<semaphore_mem>>)
    %dma_wait3A_1365 = arith.constant 512 : i32
    %dma_wait3A_1366 = tpu.memref_slice %arg10[%dma_wait3A_1365] : memref<1024xi32, #tpu.memory_space<vmem>> -> memref<256xi32, #tpu.memory_space<vmem>>
    %dma_wait3A_1367 = arith.constant 0 : i32
    %dma_wait3A_1368 = arith.constant 0 : i32
    %dma_wait3A_1369 = tpu.memref_slice %arg2[%dma_wait3A_1367, %dma_wait3A_1368] : memref<32768x384xf32, #tpu.memory_space<hbm>> -> memref<32768x384xf32, #tpu.memory_space<hbm>>
    tpu.wait_indirect_dma semaphore(%arg14 : memref<!tpu.dma_semaphore, #tpu.memory_space<semaphore_mem>>) src(%dma_wait3A_1369 : memref<32768x384xf32, #tpu.memory_space<hbm>>) dst(%arg12 : memref<256x384xf32, #tpu.memory_space<vmem>>)
    "tpu.region"() ({
      %run_scoped3A = tpu.sem_alloc : memref<!tpu.dma_semaphore, #tpu.memory_space<semaphore_mem>>
      %dma_start3A_1384 = arith.constant 512 : i32
      %dma_start3A_1385 = arith.constant 0 : i32
      %dma_start3A_1386 = tpu.memref_slice %arg5[%dma_start3A_1384, %add3A, %dma_start3A_1385] : memref<1024x32x384xf32, #tpu.memory_space<hbm>> -> memref<256x1x384xf32, #tpu.memory_space<hbm>>
      %dma_start3A_1387 = tpu.memref_squeeze %dma_start3A_1386 : memref<256x1x384xf32, #tpu.memory_space<hbm>> -> memref<256x384xf32, #tpu.memory_space<hbm>>
      %dma_start3A_1388 = arith.constant 512 : i32
      %dma_start3A_1389 = arith.constant 0 : i32
      %dma_start3A_1390 = tpu.memref_slice %arg5[%dma_start3A_1388, %add3A, %dma_start3A_1389] : memref<1024x32x384xf32, #tpu.memory_space<hbm>> -> memref<256x1x384xf32, #tpu.memory_space<hbm>>
      %dma_start3A_1391 = tpu.memref_squeeze %dma_start3A_1390 : memref<256x1x384xf32, #tpu.memory_space<hbm>> -> memref<256x384xf32, #tpu.memory_space<hbm>>
      tpu.enqueue_dma source(%arg12 : memref<256x384xf32, #tpu.memory_space<vmem>>) target(%dma_start3A_1391 : memref<256x384xf32, #tpu.memory_space<hbm>>) target_semaphore(%run_scoped3A : memref<!tpu.dma_semaphore, #tpu.memory_space<semaphore_mem>>)
      %dma_wait3A_1392 = arith.constant 512 : i32
      %dma_wait3A_1393 = arith.constant 0 : i32
      %dma_wait3A_1394 = tpu.memref_slice %arg5[%dma_wait3A_1392, %add3A, %dma_wait3A_1393] : memref<1024x32x384xf32, #tpu.memory_space<hbm>> -> memref<256x1x384xf32, #tpu.memory_space<hbm>>
      %dma_wait3A_1395 = tpu.memref_squeeze %dma_wait3A_1394 : memref<256x1x384xf32, #tpu.memory_space<hbm>> -> memref<256x384xf32, #tpu.memory_space<hbm>>
      %dma_wait3A_1396 = arith.constant 512 : i32
      %dma_wait3A_1397 = arith.constant 0 : i32
      %dma_wait3A_1398 = tpu.memref_slice %arg5[%dma_wait3A_1396, %add3A, %dma_wait3A_1397] : memref<1024x32x384xf32, #tpu.memory_space<hbm>> -> memref<256x1x384xf32, #tpu.memory_space<hbm>>
      %dma_wait3A_1399 = tpu.memref_squeeze %dma_wait3A_1398 : memref<256x1x384xf32, #tpu.memory_space<hbm>> -> memref<256x384xf32, #tpu.memory_space<hbm>>
      tpu.wait_dma2 semaphore(%run_scoped3A : memref<!tpu.dma_semaphore, #tpu.memory_space<semaphore_mem>>) src(%arg12 : memref<256x384xf32, #tpu.memory_space<vmem>>) dst(%dma_wait3A_1399 : memref<256x384xf32, #tpu.memory_space<hbm>>)
      tpu.yield
    }) : () -> ()
    %dma_start3A_1370 = arith.constant 768 : i32
    %dma_start3A_1371 = tpu.memref_slice %arg10[%dma_start3A_1370] : memref<1024xi32, #tpu.memory_space<vmem>> -> memref<256xi32, #tpu.memory_space<vmem>>
    %dma_start3A_1372 = arith.constant 0 : i32
    %dma_start3A_1373 = arith.constant 0 : i32
    %dma_start3A_1374 = tpu.memref_slice %arg2[%dma_start3A_1372, %dma_start3A_1373] : memref<32768x384xf32, #tpu.memory_space<hbm>> -> memref<32768x384xf32, #tpu.memory_space<hbm>>
    tpu.enqueue_indirect_dma source(%dma_start3A_1374 : memref<32768x384xf32, #tpu.memory_space<hbm>>) target(%arg12 : memref<256x384xf32, #tpu.memory_space<vmem>>) offsets(%dma_start3A_1371 : memref<256xi32, #tpu.memory_space<vmem>>) semaphore(%arg14 : memref<!tpu.dma_semaphore, #tpu.memory_space<semaphore_mem>>)
    %dma_wait3A_1375 = arith.constant 768 : i32
    %dma_wait3A_1376 = tpu.memref_slice %arg10[%dma_wait3A_1375] : memref<1024xi32, #tpu.memory_space<vmem>> -> memref<256xi32, #tpu.memory_space<vmem>>
    %dma_wait3A_1377 = arith.constant 0 : i32
    %dma_wait3A_1378 = arith.constant 0 : i32
    %dma_wait3A_1379 = tpu.memref_slice %arg2[%dma_wait3A_1377, %dma_wait3A_1378] : memref<32768x384xf32, #tpu.memory_space<hbm>> -> memref<32768x384xf32, #tpu.memory_space<hbm>>
    tpu.wait_indirect_dma semaphore(%arg14 : memref<!tpu.dma_semaphore, #tpu.memory_space<semaphore_mem>>) src(%dma_wait3A_1379 : memref<32768x384xf32, #tpu.memory_space<hbm>>) dst(%arg12 : memref<256x384xf32, #tpu.memory_space<vmem>>)
    "tpu.region"() ({
      %run_scoped3A = tpu.sem_alloc : memref<!tpu.dma_semaphore, #tpu.memory_space<semaphore_mem>>
      %dma_start3A_1384 = arith.constant 768 : i32
      %dma_start3A_1385 = arith.constant 0 : i32
      %dma_start3A_1386 = tpu.memref_slice %arg5[%dma_start3A_1384, %add3A, %dma_start3A_1385] : memref<1024x32x384xf32, #tpu.memory_space<hbm>> -> memref<256x1x384xf32, #tpu.memory_space<hbm>>
      %dma_start3A_1387 = tpu.memref_squeeze %dma_start3A_1386 : memref<256x1x384xf32, #tpu.memory_space<hbm>> -> memref<256x384xf32, #tpu.memory_space<hbm>>
      %dma_start3A_1388 = arith.constant 768 : i32
      %dma_start3A_1389 = arith.constant 0 : i32
      %dma_start3A_1390 = tpu.memref_slice %arg5[%dma_start3A_1388, %add3A, %dma_start3A_1389] : memref<1024x32x384xf32, #tpu.memory_space<hbm>> -> memref<256x1x384xf32, #tpu.memory_space<hbm>>
      %dma_start3A_1391 = tpu.memref_squeeze %dma_start3A_1390 : memref<256x1x384xf32, #tpu.memory_space<hbm>> -> memref<256x384xf32, #tpu.memory_space<hbm>>
      tpu.enqueue_dma source(%arg12 : memref<256x384xf32, #tpu.memory_space<vmem>>) target(%dma_start3A_1391 : memref<256x384xf32, #tpu.memory_space<hbm>>) target_semaphore(%run_scoped3A : memref<!tpu.dma_semaphore, #tpu.memory_space<semaphore_mem>>)
      %dma_wait3A_1392 = arith.constant 768 : i32
      %dma_wait3A_1393 = arith.constant 0 : i32
      %dma_wait3A_1394 = tpu.memref_slice %arg5[%dma_wait3A_1392, %add3A, %dma_wait3A_1393] : memref<1024x32x384xf32, #tpu.memory_space<hbm>> -> memref<256x1x384xf32, #tpu.memory_space<hbm>>
      %dma_wait3A_1395 = tpu.memref_squeeze %dma_wait3A_1394 : memref<256x1x384xf32, #tpu.memory_space<hbm>> -> memref<256x384xf32, #tpu.memory_space<hbm>>
      %dma_wait3A_1396 = arith.constant 768 : i32
      %dma_wait3A_1397 = arith.constant 0 : i32
      %dma_wait3A_1398 = tpu.memref_slice %arg5[%dma_wait3A_1396, %add3A, %dma_wait3A_1397] : memref<1024x32x384xf32, #tpu.memory_space<hbm>> -> memref<256x1x384xf32, #tpu.memory_space<hbm>>
      %dma_wait3A_1399 = tpu.memref_squeeze %dma_wait3A_1398 : memref<256x1x384xf32, #tpu.memory_space<hbm>> -> memref<256x384xf32, #tpu.memory_space<hbm>>
      tpu.wait_dma2 semaphore(%run_scoped3A : memref<!tpu.dma_semaphore, #tpu.memory_space<semaphore_mem>>) src(%arg12 : memref<256x384xf32, #tpu.memory_space<vmem>>) dst(%dma_wait3A_1399 : memref<256x384xf32, #tpu.memory_space<hbm>>)
      tpu.yield
    }) : () -> ()
    %dma_start3A_1380 = arith.constant 0 : i32
    %dma_start3A_1381 = tpu.memref_slice %arg4[%dma_start3A_1380] : memref<32768xf32, #tpu.memory_space<hbm>> -> memref<32768xf32, #tpu.memory_space<hbm>>
    tpu.enqueue_indirect_dma source(%dma_start3A_1381 : memref<32768xf32, #tpu.memory_space<hbm>>) target(%arg13 : memref<1024xf32, #tpu.memory_space<vmem>>) offsets(%arg11 : memref<1024xi32, #tpu.memory_space<vmem>>) semaphore(%arg14 : memref<!tpu.dma_semaphore, #tpu.memory_space<semaphore_mem>>)
    %dma_wait3A_1382 = arith.constant 0 : i32
    %dma_wait3A_1383 = tpu.memref_slice %arg4[%dma_wait3A_1382] : memref<32768xf32, #tpu.memory_space<hbm>> -> memref<32768xf32, #tpu.memory_space<hbm>>
    tpu.wait_indirect_dma semaphore(%arg14 : memref<!tpu.dma_semaphore, #tpu.memory_space<semaphore_mem>>) src(%dma_wait3A_1383 : memref<32768xf32, #tpu.memory_space<hbm>>) dst(%arg13 : memref<1024xf32, #tpu.memory_space<vmem>>)
    "tpu.region"() ({
      %run_scoped3A = tpu.sem_alloc : memref<!tpu.dma_semaphore, #tpu.memory_space<semaphore_mem>>
      %dma_start3A_1384 = arith.constant 0 : i32
      %dma_start3A_1385 = tpu.memref_slice %arg6[%add3A, %dma_start3A_1384] : memref<32x1024xf32, #tpu.memory_space<hbm>> -> memref<1x1024xf32, #tpu.memory_space<hbm>>
      %dma_start3A_1386 = tpu.memref_squeeze %dma_start3A_1385 : memref<1x1024xf32, #tpu.memory_space<hbm>> -> memref<1024xf32, #tpu.memory_space<hbm>>
      %dma_start3A_1387 = arith.constant 0 : i32
      %dma_start3A_1388 = tpu.memref_slice %arg6[%add3A, %dma_start3A_1387] : memref<32x1024xf32, #tpu.memory_space<hbm>> -> memref<1x1024xf32, #tpu.memory_space<hbm>>
      %dma_start3A_1389 = tpu.memref_squeeze %dma_start3A_1388 : memref<1x1024xf32, #tpu.memory_space<hbm>> -> memref<1024xf32, #tpu.memory_space<hbm>>
      tpu.enqueue_dma source(%arg13 : memref<1024xf32, #tpu.memory_space<vmem>>) target(%dma_start3A_1389 : memref<1024xf32, #tpu.memory_space<hbm>>) target_semaphore(%run_scoped3A : memref<!tpu.dma_semaphore, #tpu.memory_space<semaphore_mem>>)
      %dma_wait3A_1390 = arith.constant 0 : i32
      %dma_wait3A_1391 = tpu.memref_slice %arg6[%add3A, %dma_wait3A_1390] : memref<32x1024xf32, #tpu.memory_space<hbm>> -> memref<1x1024xf32, #tpu.memory_space<hbm>>
      %dma_wait3A_1392 = tpu.memref_squeeze %dma_wait3A_1391 : memref<1x1024xf32, #tpu.memory_space<hbm>> -> memref<1024xf32, #tpu.memory_space<hbm>>
      %dma_wait3A_1393 = arith.constant 0 : i32
      %dma_wait3A_1394 = tpu.memref_slice %arg6[%add3A, %dma_wait3A_1393] : memref<32x1024xf32, #tpu.memory_space<hbm>> -> memref<1x1024xf32, #tpu.memory_space<hbm>>
      %dma_wait3A_1395 = tpu.memref_squeeze %dma_wait3A_1394 : memref<1x1024xf32, #tpu.memory_space<hbm>> -> memref<1024xf32, #tpu.memory_space<hbm>>
      tpu.wait_dma2 semaphore(%run_scoped3A : memref<!tpu.dma_semaphore, #tpu.memory_space<semaphore_mem>>) src(%arg13 : memref<1024xf32, #tpu.memory_space<vmem>>) dst(%dma_wait3A_1395 : memref<1024xf32, #tpu.memory_space<hbm>>)
      tpu.yield
    }) : () -> ()
    return
  }
}

module attributes {stable_mosaic.version = 14 : i64} {
  func.func @_tc_body(%arg0: i32, %arg1: memref<1x384x1024xf32, #tpu.memory_space<vmem>>, %arg2: memref<1x1x1024xf32, #tpu.memory_space<vmem>>, %arg3: memref<384x384xf32, #tpu.memory_space<vmem>>, %arg4: memref<384x1xf32, #tpu.memory_space<vmem>>, %arg5: memref<1x384xf32, #tpu.memory_space<vmem>>, %arg6: memref<1024x1024xf32, #tpu.memory_space<vmem>>, %arg7: memref<1x1xf32, #tpu.memory_space<smem>>, %arg8: memref<1x1xf32, #tpu.memory_space<smem>>, %arg9: memref<1x1024x384xf32, #tpu.memory_space<vmem>>, %arg10: memref<1x1x1024xi32, #tpu.memory_space<vmem>>, %arg11: memref<1x1xf32, #tpu.memory_space<smem>>) attributes {dimension_semantics = [#tpu.dimension_semantics<arbitrary>], iteration_bounds = array<i64: 32>, scalar_prefetch = 0 : i64, scratch_operands = 0 : i64, tpu.core_type = #tpu.core_type<tc>, window_params = [{transform_indices = @transform_0, window_bounds = array<i64: 1, 384, 1024>}, {transform_indices = @transform_1, window_bounds = array<i64: 1, 1, 1024>}, {pipeline_mode = #tpu.pipeline_mode<synchronous>, transform_indices = @transform_2, window_bounds = array<i64: 384, 384>}, {pipeline_mode = #tpu.pipeline_mode<synchronous>, transform_indices = @transform_3, window_bounds = array<i64: 384, 1>}, {pipeline_mode = #tpu.pipeline_mode<synchronous>, transform_indices = @transform_4, window_bounds = array<i64: 1, 384>}, {pipeline_mode = #tpu.pipeline_mode<synchronous>, transform_indices = @transform_5, window_bounds = array<i64: 1024, 1024>}, {transform_indices = @transform_6, window_bounds = array<i64: 1, 1>}, {transform_indices = @transform_7, window_bounds = array<i64: 1, 1>}, {transform_indices = @transform_8, window_bounds = array<i64: 1, 1024, 384>}, {transform_indices = @transform_9, window_bounds = array<i64: 1, 1, 1024>}, {transform_indices = @transform_10, window_bounds = array<i64: 1, 1>}]} {
    %get3A = arith.constant 0 : index
    %get3A_0 = arith.constant 0 : index
    %get3A_1 = arith.constant 0 : index
    %get3A_2 = vector.load %arg1[%get3A, %get3A_0, %get3A_1] : memref<1x384x1024xf32, #tpu.memory_space<vmem>>, vector<1x384x1024xf32>
    %get3A_3 = vector.shape_cast %get3A_2 : vector<1x384x1024xf32> to vector<384x1024xf32>
    %get3A_4 = arith.constant 0 : index
    %get3A_5 = arith.constant 0 : index
    %get3A_6 = arith.constant 0 : index
    %get3A_7 = vector.load %arg2[%get3A_4, %get3A_5, %get3A_6] : memref<1x1x1024xf32, #tpu.memory_space<vmem>>, vector<1x1x1024xf32>
    %get3A_8 = vector.shape_cast %get3A_7 : vector<1x1x1024xf32> to vector<1x1024xf32>
    %mul3A = vector.broadcast %get3A_8 : vector<1x1024xf32> to vector<384x1024xf32>
    %mul3A_9 = arith.mulf %get3A_3, %mul3A : vector<384x1024xf32>
    %get3A_10 = arith.constant 0 : index
    %get3A_11 = arith.constant 0 : index
    %get3A_12 = vector.load %arg3[%get3A_10, %get3A_11] : memref<384x384xf32, #tpu.memory_space<vmem>>, vector<384x384xf32>
    %dot_general3A = arith.constant dense<0.000000e+00> : vector<384x1024xf32>
    %dot_general3A_13 = tpu.matmul %get3A_12, %mul3A_9, %dot_general3A {dimension_numbers = #tpu.dot_dimension_numbers<[1], [0], [0], [1], [0, 0, 1, 1], [], []>, transpose_lhs_hint = false} : vector<384x384xf32>, vector<384x1024xf32>, vector<384x1024xf32> -> vector<384x1024xf32>
    %get3A_14 = arith.constant 0 : index
    %get3A_15 = arith.constant 0 : index
    %get3A_16 = vector.load %arg4[%get3A_14, %get3A_15] : memref<384x1xf32, #tpu.memory_space<vmem>>, vector<384x1xf32>
    %add3A = vector.broadcast %get3A_16 : vector<384x1xf32> to vector<384x1024xf32>
    %add3A_17 = arith.addf %dot_general3A_13, %add3A : vector<384x1024xf32>
    %max3A = arith.constant 0.000000e+00 : f32
    %max3A_18 = vector.broadcast %max3A : f32 to vector<384x1024xf32>
    %max3A_19 = arith.maximumf %add3A_17, %max3A_18 : vector<384x1024xf32>
    %get3A_20 = arith.constant 0 : index
    %get3A_21 = arith.constant 0 : index
    %get3A_22 = vector.load %arg5[%get3A_20, %get3A_21] : memref<1x384xf32, #tpu.memory_space<vmem>>, vector<1x384xf32>
    %dot_general3A_23 = arith.constant dense<0.000000e+00> : vector<1x1024xf32>
    %dot_general3A_24 = tpu.matmul %get3A_22, %max3A_19, %dot_general3A_23 {dimension_numbers = #tpu.dot_dimension_numbers<[1], [0], [0], [1], [0, 0, 1, 1], [], []>, transpose_lhs_hint = false} : vector<1x384xf32>, vector<384x1024xf32>, vector<1x1024xf32> -> vector<1x1024xf32>
    %get3A_25 = arith.constant 0 : index
    %get3A_26 = arith.constant 0 : index
    %get3A_27 = memref.load %arg7[%get3A_25, %get3A_26] : memref<1x1xf32, #tpu.memory_space<smem>>
    %add3A_28 = vector.broadcast %get3A_27 : f32 to vector<1x1024xf32>
    %add3A_29 = arith.addf %dot_general3A_24, %add3A_28 : vector<1x1024xf32>
    %logistic3A = arith.negf %add3A_29 : vector<1x1024xf32>
    %logistic3A_30 = math.exp %logistic3A : vector<1x1024xf32>
    %logistic3A_31 = arith.constant 1.000000e+00 : f32
    %logistic3A_32 = vector.broadcast %logistic3A_31 : f32 to vector<1x1024xf32>
    %logistic3A_33 = arith.addf %logistic3A_32, %logistic3A_30 : vector<1x1024xf32>
    %logistic3A_34 = arith.divf %logistic3A_32, %logistic3A_33 : vector<1x1024xf32>
    %get3A_35 = arith.constant 0 : index
    %get3A_36 = arith.constant 0 : index
    %get3A_37 = memref.load %arg8[%get3A_35, %get3A_36] : memref<1x1xf32, #tpu.memory_space<smem>>
    %mul3A_38 = vector.broadcast %get3A_37 : f32 to vector<1x1024xf32>
    %mul3A_39 = arith.mulf %logistic3A_34, %mul3A_38 : vector<1x1024xf32>
    %reduce_sum3A = arith.constant dense<0.000000e+00> : vector<1024xf32>
    %reduce_sum3A_40 = vector.multi_reduction <add>, %get3A_3, %reduce_sum3A [0] : vector<384x1024xf32> to vector<1024xf32>
    %broadcast_in_dim3A = vector.shape_cast %reduce_sum3A_40 : vector<1024xf32> to vector<1x1024xf32>
    %div3A = arith.constant 3.840000e+02 : f32
    %div3A_41 = vector.broadcast %div3A : f32 to vector<1x1024xf32>
    %div3A_42 = arith.divf %broadcast_in_dim3A, %div3A_41 : vector<1x1024xf32>
    %mul3A_43 = arith.mulf %get3A_3, %get3A_3 : vector<384x1024xf32>
    %reduce_sum3A_44 = arith.constant dense<0.000000e+00> : vector<1024xf32>
    %reduce_sum3A_45 = vector.multi_reduction <add>, %mul3A_43, %reduce_sum3A_44 [0] : vector<384x1024xf32> to vector<1024xf32>
    %broadcast_in_dim3A_46 = vector.shape_cast %reduce_sum3A_45 : vector<1024xf32> to vector<1x1024xf32>
    %div3A_47 = arith.constant 3.840000e+02 : f32
    %div3A_48 = vector.broadcast %div3A_47 : f32 to vector<1x1024xf32>
    %div3A_49 = arith.divf %broadcast_in_dim3A_46, %div3A_48 : vector<1x1024xf32>
    %mul3A_50 = arith.mulf %div3A_42, %div3A_42 : vector<1x1024xf32>
    %sub3A = arith.subf %div3A_49, %mul3A_50 : vector<1x1024xf32>
    %sub3A_51 = vector.broadcast %div3A_42 : vector<1x1024xf32> to vector<384x1024xf32>
    %sub3A_52 = arith.subf %get3A_3, %sub3A_51 : vector<384x1024xf32>
    %add3A_53 = arith.constant 9.99999974E-6 : f32
    %add3A_54 = vector.broadcast %add3A_53 : f32 to vector<1x1024xf32>
    %add3A_55 = arith.addf %sub3A, %add3A_54 : vector<1x1024xf32>
    %rsqrt3A = math.rsqrt %add3A_55 : vector<1x1024xf32>
    %mul3A_56 = vector.broadcast %rsqrt3A : vector<1x1024xf32> to vector<384x1024xf32>
    %mul3A_57 = arith.mulf %sub3A_52, %mul3A_56 : vector<384x1024xf32>
    %mul3A_58 = vector.broadcast %mul3A_39 : vector<1x1024xf32> to vector<384x1024xf32>
    %mul3A_59 = arith.mulf %mul3A_57, %mul3A_58 : vector<384x1024xf32>
    %transpose3A = tpu.transpose %mul3A_59, [1, 0] : vector<384x1024xf32> -> vector<1024x384xf32>
    %swap3A = arith.constant 0 : index
    %swap3A_60 = arith.constant 0 : index
    %swap3A_61 = arith.constant 0 : index
    %swap3A_62 = vector.load %arg9[%swap3A, %swap3A_60, %swap3A_61] : memref<1x1024x384xf32, #tpu.memory_space<vmem>>, vector<1x1024x384xf32>
    %swap3A_63 = vector.shape_cast %swap3A_62 : vector<1x1024x384xf32> to vector<1024x384xf32>
    %swap3A_64 = vector.shape_cast %transpose3A : vector<1024x384xf32> to vector<1x1024x384xf32>
    tpu.vector_store %arg9[%swap3A, %swap3A_60, %swap3A_61], %swap3A_64 {strides = array<i32>} : memref<1x1024x384xf32, #tpu.memory_space<vmem>>, vector<1x1024x384xf32>,
    %transpose3A_65 = tpu.transpose %mul3A_39, [1, 0] : vector<1x1024xf32> -> vector<1024x1xf32>
    %gt3A = vector.broadcast %transpose3A_65 : vector<1024x1xf32> to vector<1024x1024xf32>
    %gt3A_66 = vector.broadcast %mul3A_39 : vector<1x1024xf32> to vector<1024x1024xf32>
    %gt3A_67 = arith.cmpf ogt, %gt3A, %gt3A_66 : vector<1024x1024xf32>
    %eq3A = vector.broadcast %transpose3A_65 : vector<1024x1xf32> to vector<1024x1024xf32>
    %eq3A_68 = vector.broadcast %mul3A_39 : vector<1x1024xf32> to vector<1024x1024xf32>
    %eq3A_69 = arith.cmpf oeq, %eq3A, %eq3A_68 : vector<1024x1024xf32>
    %get3A_70 = arith.constant 0 : index
    %get3A_71 = arith.constant 0 : index
    %get3A_72 = vector.load %arg6[%get3A_70, %get3A_71] : memref<1024x1024xf32, #tpu.memory_space<vmem>>, vector<1024x1024xf32>
    %jit3A = arith.constant 0.000000e+00 : f32
    %broadcast_in_dim3A_73 = vector.broadcast %jit3A : f32 to vector<1024x1024xf32>
    %select_n3A = arith.select %eq3A_69, %get3A_72, %broadcast_in_dim3A_73 : vector<1024x1024xi1>, vector<1024x1024xf32>
    %jit3A_74 = arith.constant 1.000000e+00 : f32
    %broadcast_in_dim3A_75 = vector.broadcast %jit3A_74 : f32 to vector<1024x1024xf32>
    %select_n3A_76 = arith.select %gt3A_67, %broadcast_in_dim3A_75, %select_n3A : vector<1024x1024xi1>, vector<1024x1024xf32>
    %broadcast_in_dim3A_77 = arith.constant 1.000000e+00 : f32
    %broadcast_in_dim3A_78 = vector.broadcast %broadcast_in_dim3A_77 : f32 to vector<1x1024xf32>
    %dot_general3A_79 = arith.constant dense<0.000000e+00> : vector<1x1024xf32>
    %dot_general3A_80 = tpu.matmul %broadcast_in_dim3A_78, %select_n3A_76, %dot_general3A_79 {dimension_numbers = #tpu.dot_dimension_numbers<[1], [0], [0], [1], [0, 0, 1, 1], [], []>, transpose_lhs_hint = false} : vector<1x1024xf32>, vector<1024x1024xf32>, vector<1x1024xf32> -> vector<1x1024xf32>
    %convert_element_type3A = arith.fptosi %dot_general3A_80 : vector<1x1024xf32> to vector<1x1024xi32>
    %swap3A_81 = arith.constant 0 : index
    %swap3A_82 = arith.constant 0 : index
    %swap3A_83 = arith.constant 0 : index
    %swap3A_84 = vector.load %arg10[%swap3A_81, %swap3A_82, %swap3A_83] : memref<1x1x1024xi32, #tpu.memory_space<vmem>>, vector<1x1x1024xi32>
    %swap3A_85 = vector.shape_cast %swap3A_84 : vector<1x1x1024xi32> to vector<1x1024xi32>
    %swap3A_86 = vector.shape_cast %convert_element_type3A : vector<1x1024xi32> to vector<1x1x1024xi32>
    tpu.vector_store %arg10[%swap3A_81, %swap3A_82, %swap3A_83], %swap3A_86 {strides = array<i32>} : memref<1x1x1024xi32, #tpu.memory_space<vmem>>, vector<1x1x1024xi32>,
    %reduce_sum3A_87 = vector.shape_cast %mul3A_39 : vector<1x1024xf32> to vector<1x1x1024xf32>
    %reduce_sum3A_88 = arith.constant dense<0.000000e+00> : vector<1xf32>
    %reduce_sum3A_89 = vector.multi_reduction <add>, %reduce_sum3A_87, %reduce_sum3A_88 [1, 2] : vector<1x1x1024xf32> to vector<1xf32>
    %reduce_sum3A_90 = vector.shape_cast %reduce_sum3A_89 : vector<1xf32> to vector<1x1x1xf32>
    %reduce_sum3A_91 = vector.extract %reduce_sum3A_90[0, 0, 0] : f32 from vector<1x1x1xf32>
    %div3A_92 = arith.constant 3.276800e+04 : f32
    %div3A_93 = arith.divf %reduce_sum3A_91, %div3A_92 : f32
    %eq3A_94 = arith.constant 0 : i32
    %eq3A_95 = arith.cmpi eq, %arg0, %eq3A_94 : i32
    %get3A_96 = arith.constant 0 : index
    %get3A_97 = arith.constant 0 : index
    %get3A_98 = memref.load %arg11[%get3A_96, %get3A_97] : memref<1x1xf32, #tpu.memory_space<smem>>
    %jit3A_99 = arith.constant 0.000000e+00 : f32
    %select_n3A_100 = arith.select %eq3A_95, %jit3A_99, %get3A_98 : f32
    %add3A_101 = arith.addf %select_n3A_100, %div3A_93 : f32
    %swap3A_102 = arith.constant 0 : index
    %swap3A_103 = arith.constant 0 : index
    %swap3A_104 = memref.load %arg11[%swap3A_102, %swap3A_103] : memref<1x1xf32, #tpu.memory_space<smem>>
    memref.store %add3A_101, %arg11[%swap3A_102, %swap3A_103] : memref<1x1xf32, #tpu.memory_space<smem>>
    return
  }
  func.func @transform_0(%arg0: i32) -> (i32, i32, i32) {
    %c0_i32 = arith.constant 0 : i32
    %c0_i32_0 = arith.constant 0 : i32
    %c0_i32_1 = arith.constant 0 : i32
    return %arg0, %c0_i32, %c0_i32_0 : i32, i32, i32
  }
  func.func @transform_1(%arg0: i32) -> (i32, i32, i32) {
    %c0_i32 = arith.constant 0 : i32
    %c0_i32_0 = arith.constant 0 : i32
    %c0_i32_1 = arith.constant 0 : i32
    return %arg0, %c0_i32, %c0_i32_0 : i32, i32, i32
  }
  func.func @transform_2(%arg0: i32) -> (i32, i32) {
    %c0_i32 = arith.constant 0 : i32
    %c0_i32_0 = arith.constant 0 : i32
    %c0_i32_1 = arith.constant 0 : i32
    return %c0_i32, %c0_i32_0 : i32, i32
  }
  func.func @transform_3(%arg0: i32) -> (i32, i32) {
    %c0_i32 = arith.constant 0 : i32
    %c0_i32_0 = arith.constant 0 : i32
    %c0_i32_1 = arith.constant 0 : i32
    return %c0_i32, %c0_i32_0 : i32, i32
  }
  func.func @transform_4(%arg0: i32) -> (i32, i32) {
    %c0_i32 = arith.constant 0 : i32
    %c0_i32_0 = arith.constant 0 : i32
    %c0_i32_1 = arith.constant 0 : i32
    return %c0_i32, %c0_i32_0 : i32, i32
  }
  func.func @transform_5(%arg0: i32) -> (i32, i32) {
    %c0_i32 = arith.constant 0 : i32
    %c0_i32_0 = arith.constant 0 : i32
    %c0_i32_1 = arith.constant 0 : i32
    return %c0_i32, %c0_i32_0 : i32, i32
  }
  func.func @transform_6(%arg0: i32) -> (i32, i32) {
    %c0_i32 = arith.constant 0 : i32
    %c0_i32_0 = arith.constant 0 : i32
    %c0_i32_1 = arith.constant 0 : i32
    return %c0_i32, %c0_i32_0 : i32, i32
  }
  func.func @transform_7(%arg0: i32) -> (i32, i32) {
    %c0_i32 = arith.constant 0 : i32
    %c0_i32_0 = arith.constant 0 : i32
    %c0_i32_1 = arith.constant 0 : i32
    return %c0_i32, %c0_i32_0 : i32, i32
  }
  func.func @transform_8(%arg0: i32) -> (i32, i32, i32) {
    %c0_i32 = arith.constant 0 : i32
    %c0_i32_0 = arith.constant 0 : i32
    %c0_i32_1 = arith.constant 0 : i32
    return %arg0, %c0_i32, %c0_i32_0 : i32, i32, i32
  }
  func.func @transform_9(%arg0: i32) -> (i32, i32, i32) {
    %c0_i32 = arith.constant 0 : i32
    %c0_i32_0 = arith.constant 0 : i32
    %c0_i32_1 = arith.constant 0 : i32
    return %arg0, %c0_i32, %c0_i32_0 : i32, i32, i32
  }
  func.func @transform_10(%arg0: i32) -> (i32, i32) {
    %c0_i32 = arith.constant 0 : i32
    %c0_i32_0 = arith.constant 0 : i32
    %c0_i32_1 = arith.constant 0 : i32
    return %c0_i32, %c0_i32_0 : i32, i32
  }
}

</mosaic_0001>

<sc_bundles>
// kernel: kernel.4.cloned.1.call-start
scs
__scs_entry_jumppad:
0x0: {  	(pc) =	sbr.rel $0x88, $3  }
0x1: {  	(tag) =	ssettag $0x0;
	lr =	simm.s32 $0x1  }
0x2: {  	[smem:$0x3F99] =	sst lr;
	_ =	strace $0xD0000000  }
0x3: {  	_ = 	snop  }
0x4: {  	_ = 	snop  }
0x5: {  	_ = 	snop  }
0x6: {  	_ = 	snop  }
0x7: {  	_ = 	snop  }
__scs_overlays_trampoline_lowered:
0x8: {  	[smem:$0x3FA8] =	sst s0  }
0x9: {  	[smem:$0x3FA9] =	sst s1  }
0xa: {  	[smem:$0x3FAA] =	sst s2  }
0xb: {  	[smem:$0x3FAB] =	sst s3  }
0xc: {  	[smem:$0x3FAC] =	sst s4  }
0xd: {  	[smem:$0x3FAD] =	sst s5  }
0xe: {  	[smem:$0x3FAE] =	sst s6  }
0xf: {  	[smem:$0x3FAF] =	sst s7  }
0x10: {  	[smem:$0x3FB0] =	sst s8  }
0x11: {  	[smem:$0x3FB1] =	sst s9;
	s0 =	simm.s32 @!p0 $0x0  }
0x12: {  	s1 =	sld [smem:$0x3F97];
	s0 =	simm.s32 @p0 $0x1  }
0x13: {  	[smem:$0x3FB2] =	sst s0;
	s0 =	simm.s32 @!p1 $0x0  }
0x14: {  	s2 =	sld [smem:$0x3F96];
	s0 =	simm.s32 @p1 $0x1  }
0x15: {  	[smem:$0x3FB3] =	sst s0;
	s0 =	simm.s32 @!p2 $0x0  }
0x16: {  	s3 =	sld [smem:$0x3FDB];
	s0 =	simm.s32 @p2 $0x1  }
0x17: {  	s4 =	simm.s32 $0x1BF5;
	[smem:$0x3FB5] =	sst s0  }
0x18: {  	s0 =	sld [smem:$0x3F98];
	_ =	swait.ge [sflag:s4], $0x0  }
0x19: {  	s7 =	sld [smem:$0x3F99]  }
0x1a: {  	s8 =	sadd.s32 $0xFFFFE003, lr  }
0x1b: {  	s9 =	sadd.s32 $0xFFFFFEF7, lr;
	s5 =	simm.s32 $0xFFFFFFFF;
	p2 =	slt.u32 s8, $0xFFFFF086  }
0x1c: {  	p1 =	slt.u32 s9, $0xF7A;
	s5 =	simm.s32 @!p2 $0x0  }
0x1d: {  	s5 =	simm.s32 @p1 $0x1;
	p0 =	seq.s32 s7, s2  }
0x1e: {  	s7 =	smul.u32 @!p0 $0xF7A, s2;
	p2 =	seq.s32 @!p0 s5, $0x0  }
0x1f: {  	s9 =	smul.u32 $0xF7A, s1;
	s8 =	simm.s32 @!p0 $0x1BF5;
	p2 =	por !p2, p0  }
0x20: {  	[sflag:s8] =	ssyncset.s32 @!p0 $0xFFFFF086;
	s6 =	sadd.s32 @!p0 s3, s7;
	s7 =	simm.s32 @!p0 $0x108  }
0x21: {  	s3 =	sadd.s32 s3, s9;
	s6 =	sadd.s32 @!p0 $0x88, s6;
	s7 =	simm.s32 @p2 $0x1082  }
0x22: {  	[simem:s7], [sflag:s8] =	dma.local @!p0 [hbm:s6], $0xF7A  }
0x23: {  	s9 =	sor.u32 $0xD0000000, s2;
	s6 =	simm.s32 $0x108;
	_ =	swait.ge @!p0 [sflag:s8], $0x0  }
0x24: {  	s3 =	sadd.s32 $0x88, s3;
	s6 =	simm.s32 @!p1 $0x1082;
	[sflag:s4] =	ssyncset.s32 $0xFFFFF086  }
0x25: {  	[simem:s6], [sflag:s4] =	dma.local [hbm:s3], $0xF7A  }
0x26: {  	[smem:$0x3F99] =	sst s1;
	(tag) =	ssettag s2;
	_ =	strace s9  }
0x27: {  	s1 =	sld [smem:$0x3FA9]  }
0x28: {  	s2 =	sld [smem:$0x3FAA]  }
0x29: {  	s4 =	sld [smem:$0x3FAC]  }
0x2a: {  	p0 =	seq.s32 s5, $0x0;
	s5 =	sld [smem:$0x3FAD]  }
0x2b: {  	s6 =	sld [smem:$0x3FAE]  }
0x2c: {  	s7 =	sld [smem:$0x3FAF]  }
0x2d: {  	s3 =	simm.s32 $0x108;
	s8 =	sld [smem:$0x3FB0]  }
0x2e: {  	s3 =	simm.s32 @!p0 $0x1082;
	s9 =	sld [smem:$0x3FB1]  }
0x2f: {  	lr =	sadd.s32 s0, s3;
	s0 =	sld [smem:$0x3FA8]  }
0x30: {  	s3 =	sld [smem:$0x3FAB]  }
0x31: {  	[smem:$0x3FB4] =	sst s10  }
0x32: {  	s10 =	sld [smem:$0x3FB2];
	_ =	sdelay $0x3  }
0x33: {  	p0 =	seq.s32 s10, $0x1;
	s10 =	sld [smem:$0x3FB4];
	_ =	sdelay $0x3  }
0x34: {  	[smem:$0x3FB4] =	sst s10  }
0x35: {  	s10 =	sld [smem:$0x3FB3];
	_ =	sdelay $0x3  }
0x36: {  	p1 =	seq.s32 s10, $0x1;
	s10 =	sld [smem:$0x3FB4];
	_ =	sdelay $0x3  }
0x37: {  	[smem:$0x3FB4] =	sst s10  }
0x38: {  	s10 =	sld [smem:$0x3FB5]  }
0x39: {  	_ = 	snop;
	(pc) =	sbr.ind lr, $3  }
0x3a: {  	_ = 	snop  }
0x3b: {  	_ = 	snop  }
0x3c: {  	p2 =	seq.s32 s10, $0x1;
	s10 =	sld [smem:$0x3FB4]  }
0x3d: {  	_ =	shalt  }
0x3e: {  	_ =	shalt  }
0x3f: {  	_ =	shalt  }
0x40: {  	_ =	shalt  }
0x41: {  	_ =	shalt  }
0x42: {  	_ =	shalt  }
0x43: {  	_ =	shalt  }
0x44: {  	_ =	shalt  }
0x45: {  	_ =	shalt  }
0x46: {  	_ =	shalt  }
0x47: {  	_ =	shalt  }
0x48: {  	_ =	shalt  }
0x49: {  	_ =	shalt  }
0x4a: {  	_ =	shalt  }
0x4b: {  	_ =	shalt  }
0x4c: {  	_ =	shalt  }
0x4d: {  	_ =	shalt  }
0x4e: {  	_ =	shalt  }
0x4f: {  	_ =	shalt  }
0x50: {  	_ =	shalt  }
0x51: {  	_ =	shalt  }
0x52: {  	_ =	shalt  }
0x53: {  	_ =	shalt  }
0x54: {  	_ =	shalt  }
0x55: {  	_ =	shalt  }
0x56: {  	_ =	shalt  }
0x57: {  	_ =	shalt  }
0x58: {  	_ =	shalt  }
0x59: {  	_ =	shalt  }
0x5a: {  	_ =	shalt  }
0x5b: {  	_ =	shalt  }
0x5c: {  	_ =	shalt  }
0x5d: {  	_ =	shalt  }
0x5e: {  	_ =	shalt  }
0x5f: {  	_ =	shalt  }
0x60: {  	_ =	shalt  }
0x61: {  	_ =	shalt  }
0x62: {  	_ =	shalt  }
0x63: {  	_ =	shalt  }
0x64: {  	_ =	shalt  }
0x65: {  	_ =	shalt  }
0x66: {  	_ =	shalt  }
0x67: {  	_ =	shalt  }
0x68: {  	_ =	shalt  }
0x69: {  	_ =	shalt  }
0x6a: {  	_ =	shalt  }
0x6b: {  	_ =	shalt  }
0x6c: {  	_ =	shalt  }
0x6d: {  	_ =	shalt  }
0x6e: {  	_ =	shalt  }
0x6f: {  	_ =	shalt  }
0x70: {  	_ =	shalt  }
0x71: {  	_ =	shalt  }
0x72: {  	_ =	shalt  }
0x73: {  	_ =	shalt  }
0x74: {  	_ =	shalt  }
0x75: {  	_ =	shalt  }
0x76: {  	_ =	shalt  }
0x77: {  	_ =	shalt  }
0x78: {  	_ =	shalt  }
0x79: {  	_ =	shalt  }
0x7a: {  	_ =	shalt  }
0x7b: {  	_ =	shalt  }
0x7c: {  	_ =	shalt  }
0x7d: {  	_ =	shalt  }
0x7e: {  	_ =	shalt  }
0x7f: {  	_ =	shalt  }
0x80: {  	_ =	shalt  }
0x81: {  	_ =	shalt  }
0x82: {  	_ =	shalt  }
0x83: {  	_ =	shalt  }
0x84: {  	_ =	shalt  }
0x85: {  	_ =	shalt  }
0x86: {  	_ =	shalt  }
0x87: {  	_ =	shalt  }
.Lfunc_end0:
.L_simem_size_0:
called_computation_lowered:
.L_overlay_start_0:
0x88: {  	s2 =	sld [smem:$0x3FD9]  }
0x89: {  	s3 =	sld [smem:$0x3FFE];
	_ =	sdelay $0x1  }
0x8a: {  	s1 =	srdreg.scid  }
0x8b: {  	s0 =	sand.u32 $0x1, s1  }
0x8c: {  	s14 =	sshll.u32 s0, $0xA;
	s2 =	sadd.s32 s3, s2  }
0x8d: {  	s2 =	sadd.s32 s2, s14  }
0x8e: {  	[smem:$0x3FC0] =	sst s2  }
0x8f: {  	_ = 	snop  }
0x90: {  	s2 =	sld [smem:$0x3FD0];
	_ =	sdelay $0x2  }
0x91: {  	s15 =	simm.s32 $0xA;
	s4 =	simm.s32 $0x10  }
0x92: {  	[smem:s4], [sflag:s15] =	dma.local [hbm:s2], $0x1  }
0x93: {  	_ =	swait.eq [sflag:s15], $0x1  }
0x94: {  	s16 =	sld [smem:$0x10];
	[sflag:s15] =	ssyncset.done $0x0  }
0x95: {  	s17 =	sld [smem:$0x12];
	[sflag:s15] =	ssyncadd.s32 $0xFFFFFFFF  }
0x96: {  	s18 =	sld [smem:$0x13];
	(tm) =	ssettm $0x1  }
0x97: {  	s5 =	sld [smem:$0x3FFB];
	_ =	sdelay $0x3  }
0x98: {  	_ =	strace s5  }
0x99: {  	s5 =	sld [smem:$0x3FFC];
	_ =	sdelay $0x3  }
0x9a: {  	_ =	strace s5  }
0x9b: {  	s5 =	sld [smem:$0x3FFD];
	_ =	sdelay $0x3  }
0x9c: {  	_ =	strace s5  }
0x9d: {  	_ =	strace $0x8FFFFFFF  }
0x9e: {  	s19 =	sld [smem:$0x3FDB];
	_ =	sdelay $0x1  }
0x9f: {  	s6 =	simm.s32 $_scs_section_size  }
0xa0: {  	s7 =	simm.s32 $_size__tile_overlayer_lowered;
	s8 =	simm.s32 $_tile_overlayer_lowered  }
0xa1: {  	s22 =	simm.s32 $0x1BFF;
	s21 =	sshll.u32 s8, $0x1;
	s5 =	sadd.s32 s6, s19  }
0xa2: {  	s9 =	simm.s32 $0x0;
	s20 =	sshll.u32 s7, $0x1;
	s7 =	sadd.s32 s21, s5  }
0xa3: {  	[timem:s9], [sflag:s22] =	dma.local [hbm:s7], s20  }
0xa4: {  	_ =	swait.ge [sflag:s22], s20  }
0xa5: {  	s6 =	ssub.s32 $0x0, s20;
	[sflag:s22] =	ssyncset.done $0x0  }
0xa6: {  	[sflag:s22] =	ssyncadd.s32 s6;
	_ =	sdelay $0x1  }
0xa7: {  	s23 =	simm.s32 $0x1B8B  }
0xa8: {  	_ =	swait.ge [sflag:s23], $0x1  }
0xa9: {  	[sflag:s23] =	ssyncset.done $0x0  }
0xaa: {  	s25 =	simm.s32 $0x1B8E;
	s24 =	sld [smem:$0x3FFE];
	[sflag:s23] =	ssyncadd.s32 $0xFFFFFFFF  }
0xab: {  	s26 =	simm.s32 $execute0_lowered;
	[smem:$0x3FD2] =	sst s25  }
0xac: {  	s7 =	sshll.u32 s26, $0x1;
	_ =	strace $0x80000046;
	[dreg:$0x1] =	wrdreg $0xFFFFFFFF  }
0xad: {  	s28 =	simm.s32 $_size_execute0_lowered;
	s5 =	sadd.s32 s5, s7;
	[dreg:$0x0] =	wrdreg $0x0  }
0xae: {  	s7 =	sshll.u32 s28, $0x1;
	[dreg:$0x2] =	wrdreg s5  }
0xaf: {  	[dreg:$0x3] =	wrdreg s7  }
0xb0: {  	[dreg:$0x4] =	wrdreg $0xC0  }
0xb1: {  	_ =	task [dreg:s9], $0x5FFFF  }
0xb2: {  	[dreg:$0x1] =	wrdreg $0xFFFFFFFF  }
0xb3: {  	[dreg:$0x0] =	wrdreg $0x60  }
0xb4: {  	[dreg:$0x2] =	wrdreg s24  }
0xb5: {  	[dreg:$0x3] =	wrdreg s18  }
0xb6: {  	[dreg:$0x4] =	wrdreg s16  }
0xb7: {  	[dreg:$0x5] =	wrdreg s17  }
0xb8: {  	[dreg:$0x6] =	wrdreg $0x9  }
0xb9: {  	_ =	task.clear_ibuf [dreg:s9], $0x7FFFF;
	_ =	strace $0x90000046  }
0xba: {  	s29 =	simm.s32 $0x9;
	_ =	strace $0x80000048  }
0xbb: {  	_ =	swait.ge [sflag:s29], $0x1  }
0xbc: {  	[sflag:s29] =	ssyncadd.s32 $0xFFFFFFFF  }
0xbd: {  	_ =	strace $0x90000048  }
0xbe: {  	_ =	sfence  }
0xbf: {  	s30 =	sld [smem:$0x0];
	_ =	sdelay $0x2  }
0xc0: {  	s31 =	sshll.u32 s1, $0xD;
	s1 =	sshrl.u32 s1, $0x2  }
0xc1: {  	s3 =	sand.u32 $0x4000, s31;
	s1 =	sadd.s32 s1, s30  }
0xc2: {  	s0 =	sor.u32 s3, s0;
	s1 =	sshll.u32 s1, $0x11  }
0xc3: {  	s0 =	sor.u32 s1, s0  }
0xc4: {  	s0 =	sadd.s32 $0x8F2B, s0  }
0xc5: {  	[sflag:s0] =	ssyncadd.remote.s32 $0x1  }
0xc6: {  	_ =	sfence.sel $0xFFFF  }
0xc7: {  	[dreg:$0x0] =	wrdreg $0xFFFFFFFF;
	(pc) =	sbr.abs _section_cstart, $3  }
0xc8: {  	[dreg:$0x1] =	wrdreg $0xFFFFFFFF  }
0xc9: {  	_ =	task.clear_ibuf [dreg:s9], $0x2FFFF;
	_ =	strace $0x9FFFFFFF  }
0xca: {  	(tm) =	ssettm $0x7FFFFFFF  }
0xcb: {  	_ =	shalt  }
tec
execute0_lowered:
.L_overlay_start_1:
0x0: {  	(tag) =	ssettag $0x1  }
0x1: {  	s0 =	rddreg [dreg:$0x0];
	v2 =	vlaneseq.u32  }
0x2: {  	s1 =	rddreg [dreg:$0x1];
	vm0 =	vmmov $0xffff;
	v3 =	vor.u32 $0x10, v2  }
0x3: {  	s4 =	rddreg [dreg:$0x2];
	v12 =	vor.u32 $0xA0, v2;
	v13 =	vor.u32 $0xB0, v2;
	v14 =	vor.u32 $0xC0, v2  }
0x4: {  	s5 =	rddreg [dreg:$0x3];
	v15 =	vor.u32 $0xD0, v2;
	v16 =	vor.u32 $0xE0, v2;
	v17 =	vor.u32 $0xF0, v2  }
0x5: {  	s2 =	simm.s32 $0x0;
	s3 =	srdreg.scid;
	s7 =	stileid.u32;
	v18 =	vor.u32 $0x100, v2;
	v19 =	vor.u32 $0x110, v2;
	v21 =	vor.u32 $0x130, v2  }
0x6: {  	s14 =	simm.s32 $0x80;
	s15 =	simm.s32 $0x400;
	s16 =	simm.s32 $0x2;
	v22 =	vor.u32 $0x140, v2;
	v23 =	vor.u32 $0x150, v2;
	v24 =	vor.u32 $0x160, v2  }
0x7: {  	s29 =	simm.s32 $0x14400;
	s30 =	simm.s32 $0x14800;
	s31 =	simm.s32 $0x15000;
	v25 =	vor.u32 $0x170, v2;
	v26 =	vor.u32 $0x180, v2;
	v27 =	vor.u32 $0x190, v2  }
0x8: {  	s17 =	simm.s32 $0x18000;
	s18 =	simm.s32 $0x18400;
	s19 =	simm.s32 $0x18C00;
	v28 =	vor.u32 $0x1A0, v2;
	v29 =	vor.u32 $0x1B0, v2;
	v30 =	vor.u32 $0x1C0, v2  }
0x9: {  	s20 =	simm.s32 $0x1;
	s21 =	simm.s32 $0x0;
	[smem:$0x7FF] =	sst s2;
	v31 =	vor.u32 $0x1D0, v2;
	v32 =	vor.u32 $0x1E0, v2;
	v33 =	vor.u32 $0x1F0, v2  }
0xa: {  	s6 =	sand.u32 $0x1, s3;
	s22 =	sshll.u32 s7, $0x1;
	s10 =	sadd.s32 $0x180E00, s0;
	v34 =	vor.u32 $0x200, v2;
	v35 =	vor.u32 $0x210, v2;
	v36 =	vor.u32 $0x220, v2  }
0xb: {  	s3 =	sadd.s32 $0xE00, s0;
	s7 =	sshrl.u32 s7, $0x2;
	v37 =	vor.u32 $0x230, v2;
	v38 =	vor.u32 $0x240, v2;
	v39 =	vor.u32 $0x250, v2;
	_ =	strace $0x80000047  }
0xc: {  	v40 =	vor.u32 $0x260, v2;
	v41 =	vor.u32 $0x270, v2;
	v42 =	vor.u32 $0x280, v2;
	s12 =	sor.u32 s6, s22;
	s9 =	sshll.u32 s7, $0xD;
	s7 =	smul.u32 $0xC00, s7  }
0xd: {  	v43 =	vor.u32 $0x290, v2;
	v44 =	vor.u32 $0x2A0, v2;
	v45 =	vor.u32 $0x2B0, v2;
	[dreg:$0x5] =	wrdreg s10;
	s6 =	ssub.s32 $0x2, s6;
	s22 =	simm.s32 $0x3000  }
0xe: {  	v46 =	vor.u32 $0x2C0, v2;
	v47 =	vor.u32 $0x2D0, v2;
	v48 =	vor.u32 $0x2E0, v2;
	s8 =	sshll.u32 s12, $0x7;
	s23 =	sshrl.u32 s6, $0x1;
	s25 =	sshll.u32 s12, $0xA  }
0xf: {  	v49 =	vor.u32 $0x2F0, v2;
	[tilespmem:$0x1FF70] =	vst v3;
	v3 =	vor.u32 $0x20, v2;
	v1 =	vmov s12;
	s12 =	simm.s32 $0x17400;
	s8 =	sand.u32 $0x380, s8;
	s6 =	ssub.s32 s6, s23  }
0x10: {  	v50 =	vor.u32 $0x300, v2;
	v51 =	vor.u32 $0x310, v2;
	[tilespmem:$0x1FF80] =	vst v3;
	v3 =	vor.u32 $0x30, v2;
	s9 =	sor.u32 s9, s8;
	s7 =	sor.u32 s7, s8;
	s8 =	sadd.s32 $0xF00, s0  }
0x11: {  	v52 =	vor.u32 $0x320, v2;
	v53 =	vor.u32 $0x330, v2;
	[tilespmem:$0x1FF90] =	vst v3;
	v3 =	vor.u32 $0x40, v2;
	s28 =	smax.u32 s6, $0x1;
	s6 =	simm.s32 $0x16C00;
	s9 =	sshrl.u32 s9, $0x3  }
0x12: {  	v54 =	vor.u32 $0x340, v2;
	v55 =	vor.u32 $0x350, v2;
	[tilespmem:$0x1FFA0] =	vst v3;
	v3 =	vor.u32 $0x50, v2;
	s7 =	sshrl.u32 s7, $0x3;
	[dreg:$0x9] =	wrdreg s28;
	s13 =	sadd.s32 s9, s0  }
0x13: {  	v56 =	vor.u32 $0x360, v2;
	v57 =	vor.u32 $0x370, v2;
	[tilespmem:$0x1FFB0] =	vst v3;
	v3 =	vor.u32 $0x60, v2;
	s1 =	sadd.s32 s1, s9;
	s24 =	sadd.s32 s5, s9;
	s7 =	sadd.s32 s4, s7  }
0x14: {  	v58 =	vor.u32 $0x380, v2;
	v59 =	vor.u32 $0x390, v2;
	[tilespmem:$0x1FFC0] =	vst v3;
	v3 =	vor.u32 $0x70, v2;
	s0 =	simm.s32 $0x15400;
	s4 =	simm.s32 $0x16000;
	[dreg:$0x6] =	wrdreg s1  }
0x15: {  	v60 =	vor.u32 $0x3A0, v2;
	v61 =	vor.u32 $0x3B0, v2;
	s5 =	simm.s32 $0x16800;
	[dreg:$0x7] =	wrdreg s24;
	s9 =	sadd.s32 $0x60000, s7;
	[tilespmem:$0x1FFD0] =	vst v3;
	v3 =	vor.u32 $0x80, v2  }
0x16: {  	vm1 =	vmmov $0xff;
	v20 =	vor.u32 $0x120, v2;
	s10 =	sadd.s32 $0xC0000, s7;
	s11 =	sadd.s32 $0x120000, s7;
	s26 =	sadd.s32 $0x181E00, s13;
	[tilespmem:$0x1FFE0] =	vst v3;
	v3 =	vor.u32 $0x90, v2  }
0x17: {  	v62 =	vor.u32 $0x3C0, v2;
	v63 =	vor.u32 $0x3D0, v2;
	v0 =	vmov s25;
	s1 =	simm.s32 $0x15C00;
	s13 =	simm.s32 $0x17800;
	[dreg:$0x8] =	wrdreg s26;
	[tilespmem:$0x1FFF0] =	vst v3  }
.LBB2_1:
0x18: {  	s23 =	rddreg [dreg:$0x6]  }
0x19: {  	[tilespmem:s2], [sflag:$0x2] =	stream.strided.gather [hbm4b:s23+s14], $0x400, s15, s14, $0x38;
	[tilespmem:$0x19400] =	vst v63  }
0x1a: {  	_ =	swait.ge [sflag:s16], $0x400  }
0x1b: {  	[sflag:s16] =	ssyncset.done $0x0  }
0x1c: {  	[sflag:s16] =	ssyncadd.s32 $0xFFFFFC00  }
0x1d: {  	v3 =	vld [tilespmem:$0x0];
	_ =	sdelay $0x7  }
0x1e: {  	[tilespmem:v3+s15+$0x0] =	vst.idx.msk $0xffff, v2  }
0x1f: {  	v3 =	vld [tilespmem:$0x10];
	_ =	sdelay $0x2  }
0x20: {  	v4 =	vld [tilespmem:$0x1FF70];
	_ =	sdelay $0x4  }
0x21: {  	[tilespmem:v3+s15+$0x0] =	vst.idx.msk $0xffff, v4  }
0x22: {  	v3 =	vld [tilespmem:$0x20];
	_ =	sdelay $0x2  }
0x23: {  	v4 =	vld [tilespmem:$0x1FF80];
	_ =	sdelay $0x4  }
0x24: {  	[tilespmem:v3+s15+$0x0] =	vst.idx.msk $0xffff, v4  }
0x25: {  	v3 =	vld [tilespmem:$0x30];
	_ =	sdelay $0x2  }
0x26: {  	v4 =	vld [tilespmem:$0x1FF90];
	_ =	sdelay $0x4  }
0x27: {  	[tilespmem:v3+s15+$0x0] =	vst.idx.msk $0xffff, v4  }
0x28: {  	v3 =	vld [tilespmem:$0x40];
	_ =	sdelay $0x2  }
0x29: {  	v4 =	vld [tilespmem:$0x1FFA0];
	_ =	sdelay $0x4  }
0x2a: {  	[tilespmem:v3+s15+$0x0] =	vst.idx.msk $0xffff, v4  }
0x2b: {  	v3 =	vld [tilespmem:$0x50];
	_ =	sdelay $0x2  }
0x2c: {  	v4 =	vld [tilespmem:$0x1FFB0];
	_ =	sdelay $0x4  }
0x2d: {  	[tilespmem:v3+s15+$0x0] =	vst.idx.msk $0xffff, v4  }
0x2e: {  	v3 =	vld [tilespmem:$0x60];
	_ =	sdelay $0x2  }
0x2f: {  	v4 =	vld [tilespmem:$0x1FFC0];
	_ =	sdelay $0x4  }
0x30: {  	[tilespmem:v3+s15+$0x0] =	vst.idx.msk $0xffff, v4  }
0x31: {  	v3 =	vld [tilespmem:$0x70];
	_ =	sdelay $0x2  }
0x32: {  	v4 =	vld [tilespmem:$0x1FFD0];
	_ =	sdelay $0x4  }
0x33: {  	[tilespmem:v3+s15+$0x0] =	vst.idx.msk $0xffff, v4  }
0x34: {  	v3 =	vld [tilespmem:$0x80];
	_ =	sdelay $0x2  }
0x35: {  	v4 =	vld [tilespmem:$0x1FFE0];
	_ =	sdelay $0x4  }
0x36: {  	[tilespmem:v3+s15+$0x0] =	vst.idx.msk $0xffff, v4  }
0x37: {  	v3 =	vld [tilespmem:$0x90];
	_ =	sdelay $0x2  }
0x38: {  	v4 =	vld [tilespmem:$0x1FFF0];
	_ =	sdelay $0x4  }
0x39: {  	[tilespmem:v3+s15+$0x0] =	vst.idx.msk $0xffff, v4  }
0x3a: {  	v3 =	vld [tilespmem:$0xA0];
	_ =	sdelay $0x7  }
0x3b: {  	[tilespmem:v3+s15+$0x0] =	vst.idx.msk $0xffff, v12  }
0x3c: {  	v3 =	vld [tilespmem:$0xB0];
	_ =	sdelay $0x7  }
0x3d: {  	[tilespmem:v3+s15+$0x0] =	vst.idx.msk $0xffff, v13  }
0x3e: {  	v3 =	vld [tilespmem:$0xC0];
	_ =	sdelay $0x7  }
0x3f: {  	[tilespmem:v3+s15+$0x0] =	vst.idx.msk $0xffff, v14  }
0x40: {  	v3 =	vld [tilespmem:$0xD0];
	_ =	sdelay $0x7  }
0x41: {  	[tilespmem:v3+s15+$0x0] =	vst.idx.msk $0xffff, v15  }
0x42: {  	v3 =	vld [tilespmem:$0xE0];
	_ =	sdelay $0x7  }
0x43: {  	[tilespmem:v3+s15+$0x0] =	vst.idx.msk $0xffff, v16  }
0x44: {  	v3 =	vld [tilespmem:$0xF0];
	_ =	sdelay $0x7  }
0x45: {  	[tilespmem:v3+s15+$0x0] =	vst.idx.msk $0xffff, v17  }
0x46: {  	v3 =	vld [tilespmem:$0x100];
	_ =	sdelay $0x7  }
0x47: {  	[tilespmem:v3+s15+$0x0] =	vst.idx.msk $0xffff, v18  }
0x48: {  	v3 =	vld [tilespmem:$0x110];
	_ =	sdelay $0x7  }
0x49: {  	[tilespmem:v3+s15+$0x0] =	vst.idx.msk $0xffff, v19  }
0x4a: {  	v3 =	vld [tilespmem:$0x120];
	_ =	sdelay $0x7  }
0x4b: {  	[tilespmem:v3+s15+$0x0] =	vst.idx.msk $0xffff, v20  }
0x4c: {  	v3 =	vld [tilespmem:$0x130];
	_ =	sdelay $0x7  }
0x4d: {  	[tilespmem:v3+s15+$0x0] =	vst.idx.msk $0xffff, v21  }
0x4e: {  	v3 =	vld [tilespmem:$0x140];
	_ =	sdelay $0x7  }
0x4f: {  	[tilespmem:v3+s15+$0x0] =	vst.idx.msk $0xffff, v22  }
0x50: {  	v3 =	vld [tilespmem:$0x150];
	_ =	sdelay $0x7  }
0x51: {  	[tilespmem:v3+s15+$0x0] =	vst.idx.msk $0xffff, v23  }
0x52: {  	v3 =	vld [tilespmem:$0x160];
	_ =	sdelay $0x7  }
0x53: {  	[tilespmem:v3+s15+$0x0] =	vst.idx.msk $0xffff, v24  }
0x54: {  	v3 =	vld [tilespmem:$0x170];
	_ =	sdelay $0x7  }
0x55: {  	[tilespmem:v3+s15+$0x0] =	vst.idx.msk $0xffff, v25  }
0x56: {  	v3 =	vld [tilespmem:$0x180];
	_ =	sdelay $0x7  }
0x57: {  	[tilespmem:v3+s15+$0x0] =	vst.idx.msk $0xffff, v26  }
0x58: {  	v3 =	vld [tilespmem:$0x190];
	_ =	sdelay $0x7  }
0x59: {  	[tilespmem:v3+s15+$0x0] =	vst.idx.msk $0xffff, v27  }
0x5a: {  	v3 =	vld [tilespmem:$0x1A0];
	_ =	sdelay $0x7  }
0x5b: {  	[tilespmem:v3+s15+$0x0] =	vst.idx.msk $0xffff, v28  }
0x5c: {  	v3 =	vld [tilespmem:$0x1B0];
	_ =	sdelay $0x7  }
0x5d: {  	[tilespmem:v3+s15+$0x0] =	vst.idx.msk $0xffff, v29  }
0x5e: {  	v3 =	vld [tilespmem:$0x1C0];
	_ =	sdelay $0x7  }
0x5f: {  	[tilespmem:v3+s15+$0x0] =	vst.idx.msk $0xffff, v30  }
0x60: {  	v3 =	vld [tilespmem:$0x1D0];
	_ =	sdelay $0x7  }
0x61: {  	[tilespmem:v3+s15+$0x0] =	vst.idx.msk $0xffff, v31  }
0x62: {  	v3 =	vld [tilespmem:$0x1E0];
	_ =	sdelay $0x7  }
0x63: {  	[tilespmem:v3+s15+$0x0] =	vst.idx.msk $0xffff, v32  }
0x64: {  	v3 =	vld [tilespmem:$0x1F0];
	_ =	sdelay $0x7  }
0x65: {  	[tilespmem:v3+s15+$0x0] =	vst.idx.msk $0xffff, v33  }
0x66: {  	v3 =	vld [tilespmem:$0x200];
	_ =	sdelay $0x7  }
0x67: {  	[tilespmem:v3+s15+$0x0] =	vst.idx.msk $0xffff, v34  }
0x68: {  	v3 =	vld [tilespmem:$0x210];
	_ =	sdelay $0x7  }
0x69: {  	[tilespmem:v3+s15+$0x0] =	vst.idx.msk $0xffff, v35  }
0x6a: {  	v3 =	vld [tilespmem:$0x220];
	_ =	sdelay $0x7  }
0x6b: {  	[tilespmem:v3+s15+$0x0] =	vst.idx.msk $0xffff, v36  }
0x6c: {  	v3 =	vld [tilespmem:$0x230];
	_ =	sdelay $0x7  }
0x6d: {  	[tilespmem:v3+s15+$0x0] =	vst.idx.msk $0xffff, v37  }
0x6e: {  	v3 =	vld [tilespmem:$0x240];
	_ =	sdelay $0x7  }
0x6f: {  	[tilespmem:v3+s15+$0x0] =	vst.idx.msk $0xffff, v38  }
0x70: {  	v3 =	vld [tilespmem:$0x250];
	_ =	sdelay $0x7  }
0x71: {  	[tilespmem:v3+s15+$0x0] =	vst.idx.msk $0xffff, v39  }
0x72: {  	v3 =	vld [tilespmem:$0x260];
	_ =	sdelay $0x7  }
0x73: {  	[tilespmem:v3+s15+$0x0] =	vst.idx.msk $0xffff, v40  }
0x74: {  	v3 =	vld [tilespmem:$0x270];
	_ =	sdelay $0x7  }
0x75: {  	[tilespmem:v3+s15+$0x0] =	vst.idx.msk $0xffff, v41  }
0x76: {  	v3 =	vld [tilespmem:$0x280];
	_ =	sdelay $0x7  }
0x77: {  	[tilespmem:v3+s15+$0x0] =	vst.idx.msk $0xffff, v42  }
0x78: {  	v3 =	vld [tilespmem:$0x290];
	_ =	sdelay $0x7  }
0x79: {  	[tilespmem:v3+s15+$0x0] =	vst.idx.msk $0xffff, v43  }
0x7a: {  	v3 =	vld [tilespmem:$0x2A0];
	_ =	sdelay $0x7  }
0x7b: {  	[tilespmem:v3+s15+$0x0] =	vst.idx.msk $0xffff, v44  }
0x7c: {  	v3 =	vld [tilespmem:$0x2B0];
	_ =	sdelay $0x7  }
0x7d: {  	[tilespmem:v3+s15+$0x0] =	vst.idx.msk $0xffff, v45  }
0x7e: {  	v3 =	vld [tilespmem:$0x2C0];
	_ =	sdelay $0x7  }
0x7f: {  	[tilespmem:v3+s15+$0x0] =	vst.idx.msk $0xffff, v46  }
0x80: {  	v3 =	vld [tilespmem:$0x2D0];
	_ =	sdelay $0x7  }
0x81: {  	[tilespmem:v3+s15+$0x0] =	vst.idx.msk $0xffff, v47  }
0x82: {  	v3 =	vld [tilespmem:$0x2E0];
	_ =	sdelay $0x7  }
0x83: {  	[tilespmem:v3+s15+$0x0] =	vst.idx.msk $0xffff, v48  }
0x84: {  	v3 =	vld [tilespmem:$0x2F0];
	_ =	sdelay $0x7  }
0x85: {  	[tilespmem:v3+s15+$0x0] =	vst.idx.msk $0xffff, v49  }
0x86: {  	v3 =	vld [tilespmem:$0x300];
	_ =	sdelay $0x7  }
0x87: {  	[tilespmem:v3+s15+$0x0] =	vst.idx.msk $0xffff, v50  }
0x88: {  	v3 =	vld [tilespmem:$0x310];
	_ =	sdelay $0x7  }
0x89: {  	[tilespmem:v3+s15+$0x0] =	vst.idx.msk $0xffff, v51  }
0x8a: {  	v3 =	vld [tilespmem:$0x320];
	_ =	sdelay $0x7  }
0x8b: {  	[tilespmem:v3+s15+$0x0] =	vst.idx.msk $0xffff, v52  }
0x8c: {  	v3 =	vld [tilespmem:$0x330];
	_ =	sdelay $0x7  }
0x8d: {  	[tilespmem:v3+s15+$0x0] =	vst.idx.msk $0xffff, v53  }
0x8e: {  	v3 =	vld [tilespmem:$0x340];
	_ =	sdelay $0x7  }
0x8f: {  	[tilespmem:v3+s15+$0x0] =	vst.idx.msk $0xffff, v54  }
0x90: {  	v3 =	vld [tilespmem:$0x350];
	_ =	sdelay $0x7  }
0x91: {  	[tilespmem:v3+s15+$0x0] =	vst.idx.msk $0xffff, v55  }
0x92: {  	v3 =	vld [tilespmem:$0x360];
	_ =	sdelay $0x7  }
0x93: {  	[tilespmem:v3+s15+$0x0] =	vst.idx.msk $0xffff, v56  }
0x94: {  	v3 =	vld [tilespmem:$0x370];
	_ =	sdelay $0x7  }
0x95: {  	[tilespmem:v3+s15+$0x0] =	vst.idx.msk $0xffff, v57  }
0x96: {  	v3 =	vld [tilespmem:$0x380];
	_ =	sdelay $0x7  }
0x97: {  	[tilespmem:v3+s15+$0x0] =	vst.idx.msk $0xffff, v58  }
0x98: {  	v3 =	vld [tilespmem:$0x390];
	_ =	sdelay $0x7  }
0x99: {  	[tilespmem:v3+s15+$0x0] =	vst.idx.msk $0xffff, v59  }
0x9a: {  	v3 =	vld [tilespmem:$0x3A0];
	_ =	sdelay $0x7  }
0x9b: {  	[tilespmem:v3+s15+$0x0] =	vst.idx.msk $0xffff, v60  }
0x9c: {  	v3 =	vld [tilespmem:$0x3B0];
	_ =	sdelay $0x7  }
0x9d: {  	[tilespmem:v3+s15+$0x0] =	vst.idx.msk $0xffff, v61  }
0x9e: {  	v3 =	vld [tilespmem:$0x3C0];
	_ =	sdelay $0x7  }
0x9f: {  	[tilespmem:v3+s15+$0x0] =	vst.idx.msk $0xffff, v62  }
0xa0: {  	v3 =	vld [tilespmem:$0x3D0];
	_ =	sdelay $0x7  }
0xa1: {  	[tilespmem:v3+s15+$0x0] =	vst.idx.msk $0xffff, v63  }
0xa2: {  	v3 =	vld [tilespmem:$0x3E0];
	_ =	sdelay $0x6  }
0xa3: {  	v4 =	vor.u32 $0x3E0, v2  }
0xa4: {  	[tilespmem:v3+s15+$0x0] =	vst.idx.msk $0xffff, v4  }
0xa5: {  	v3 =	vld [tilespmem:$0x3F0];
	_ =	sdelay $0x6  }
0xa6: {  	v4 =	vor.u32 $0x3F0, v2  }
0xa7: {  	s25 =	rddreg [dreg:$0x7];
	[tilespmem:v3+s15+$0x0] =	vst.idx.msk $0xffff, v4  }
0xa8: {  	[hbm4b:s25+s14] =	stream.strided.scatter [tilespmem:s15], [sflag:$0x2], $0x400, s15, s14, $0x38;
	[tilespmem:$0x19400] =	vst v63  }
0xa9: {  	_ =	swait.ge [sflag:s16], $0x400  }
0xaa: {  	[sflag:s16] =	ssyncset.done $0x0  }
0xab: {  	[sflag:s16] =	ssyncadd.s32 $0xFFFFFC00  }
0xac: {  	v3 =	vld [tilespmem:$0x400];
	_ =	sdelay $0x1  }
0xad: {  	v4 =	vld [tilespmem:$0x410];
	_ =	sdelay $0x1  }
0xae: {  	v5 =	vld [tilespmem:$0x420]  }
0xaf: {  	v6 =	vadd.s32 v0, v3;
	v3 =	vshll.u32 v3, $0x5  }
0xb0: {  	[tilespmem:$0x800] =	vst v6;
	v3 =	vor.u32 v1, v3;
	v6 =	vld [tilespmem:$0x430]  }
0xb1: {  	[tilespmem:$0xC00] =	vst v3;
	v3 =	vadd.s32 v0, v4;
	v4 =	vshll.u32 v4, $0x5  }
0xb2: {  	[tilespmem:$0x810] =	vst v3;
	v3 =	vor.u32 v1, v4;
	v4 =	vld [tilespmem:$0x440]  }
0xb3: {  	[tilespmem:$0xC10] =	vst v3;
	v3 =	vadd.s32 v0, v5;
	v5 =	vshll.u32 v5, $0x5  }
0xb4: {  	[tilespmem:$0x820] =	vst v3;
	v3 =	vor.u32 v1, v5;
	v5 =	vld [tilespmem:$0x450]  }
0xb5: {  	[tilespmem:$0xC20] =	vst v3;
	v3 =	vadd.s32 v0, v6;
	v6 =	vshll.u32 v6, $0x5  }
0xb6: {  	[tilespmem:$0x830] =	vst v3;
	v3 =	vor.u32 v1, v6;
	v6 =	vld [tilespmem:$0x460]  }
0xb7: {  	[tilespmem:$0xC30] =	vst v3;
	v3 =	vadd.s32 v0, v4;
	v4 =	vshll.u32 v4, $0x5  }
0xb8: {  	[tilespmem:$0x840] =	vst v3;
	v3 =	vor.u32 v1, v4;
	v4 =	vld [tilespmem:$0x470]  }
0xb9: {  	[tilespmem:$0xC40] =	vst v3;
	v3 =	vadd.s32 v0, v5;
	v5 =	vshll.u32 v5, $0x5  }
0xba: {  	[tilespmem:$0x850] =	vst v3;
	v3 =	vor.u32 v1, v5;
	v5 =	vld [tilespmem:$0x480]  }
0xbb: {  	[tilespmem:$0xC50] =	vst v3;
	v3 =	vadd.s32 v0, v6;
	v6 =	vshll.u32 v6, $0x5  }
0xbc: {  	[tilespmem:$0x860] =	vst v3;
	v3 =	vor.u32 v1, v6;
	v6 =	vld [tilespmem:$0x490]  }
0xbd: {  	[tilespmem:$0xC60] =	vst v3;
	v3 =	vadd.s32 v0, v4;
	v4 =	vshll.u32 v4, $0x5  }
0xbe: {  	[tilespmem:$0x870] =	vst v3;
	v3 =	vor.u32 v1, v4;
	v4 =	vld [tilespmem:$0x4A0]  }
0xbf: {  	[tilespmem:$0xC70] =	vst v3;
	v3 =	vadd.s32 v0, v5;
	v5 =	vshll.u32 v5, $0x5  }
0xc0: {  	[tilespmem:$0x880] =	vst v3;
	v3 =	vor.u32 v1, v5;
	v5 =	vld [tilespmem:$0x4B0]  }
0xc1: {  	[tilespmem:$0xC80] =	vst v3;
	v3 =	vadd.s32 v0, v6;
	v6 =	vshll.u32 v6, $0x5  }
0xc2: {  	[tilespmem:$0x890] =	vst v3;
	v3 =	vor.u32 v1, v6;
	v6 =	vld [tilespmem:$0x4C0]  }
0xc3: {  	[tilespmem:$0xC90] =	vst v3;
	v3 =	vadd.s32 v0, v4;
	v4 =	vshll.u32 v4, $0x5  }
0xc4: {  	[tilespmem:$0x8A0] =	vst v3;
	v3 =	vor.u32 v1, v4;
	v4 =	vld [tilespmem:$0x4D0]  }
0xc5: {  	[tilespmem:$0xCA0] =	vst v3;
	v3 =	vadd.s32 v0, v5;
	v5 =	vshll.u32 v5, $0x5  }
0xc6: {  	[tilespmem:$0x8B0] =	vst v3;
	v3 =	vor.u32 v1, v5;
	v5 =	vld [tilespmem:$0x4E0]  }
0xc7: {  	[tilespmem:$0xCB0] =	vst v3;
	v3 =	vadd.s32 v0, v6;
	v6 =	vshll.u32 v6, $0x5  }
0xc8: {  	[tilespmem:$0x8C0] =	vst v3;
	v3 =	vor.u32 v1, v6;
	v6 =	vld [tilespmem:$0x4F0]  }
0xc9: {  	[tilespmem:$0xCC0] =	vst v3;
	v3 =	vadd.s32 v0, v4;
	v4 =	vshll.u32 v4, $0x5  }
0xca: {  	[tilespmem:$0x8D0] =	vst v3;
	v3 =	vor.u32 v1, v4;
	v4 =	vld [tilespmem:$0x500]  }
0xcb: {  	[tilespmem:$0xCD0] =	vst v3;
	v3 =	vadd.s32 v0, v5;
	v5 =	vshll.u32 v5, $0x5  }
0xcc: {  	[tilespmem:$0x8E0] =	vst v3;
	v3 =	vor.u32 v1, v5;
	v5 =	vld [tilespmem:$0x510]  }
0xcd: {  	[tilespmem:$0xCE0] =	vst v3;
	v3 =	vadd.s32 v0, v6;
	v6 =	vshll.u32 v6, $0x5  }
0xce: {  	[tilespmem:$0x8F0] =	vst v3;
	v3 =	vor.u32 v1, v6;
	v6 =	vld [tilespmem:$0x520]  }
0xcf: {  	[tilespmem:$0xCF0] =	vst v3;
	v3 =	vadd.s32 v0, v4;
	v4 =	vshll.u32 v4, $0x5  }
0xd0: {  	[tilespmem:$0x900] =	vst v3;
	v3 =	vor.u32 v1, v4;
	v4 =	vld [tilespmem:$0x530]  }
0xd1: {  	[tilespmem:$0xD00] =	vst v3;
	v3 =	vadd.s32 v0, v5;
	v5 =	vshll.u32 v5, $0x5  }
0xd2: {  	[tilespmem:$0x910] =	vst v3;
	v3 =	vor.u32 v1, v5;
	v5 =	vld [tilespmem:$0x540]  }
0xd3: {  	[tilespmem:$0xD10] =	vst v3;
	v3 =	vadd.s32 v0, v6;
	v6 =	vshll.u32 v6, $0x5  }
0xd4: {  	[tilespmem:$0x920] =	vst v3;
	v3 =	vor.u32 v1, v6;
	v6 =	vld [tilespmem:$0x550]  }
0xd5: {  	[tilespmem:$0xD20] =	vst v3;
	v3 =	vadd.s32 v0, v4;
	v4 =	vshll.u32 v4, $0x5  }
0xd6: {  	[tilespmem:$0x930] =	vst v3;
	v3 =	vor.u32 v1, v4;
	v4 =	vld [tilespmem:$0x560]  }
0xd7: {  	[tilespmem:$0xD30] =	vst v3;
	v3 =	vadd.s32 v0, v5;
	v5 =	vshll.u32 v5, $0x5  }
0xd8: {  	[tilespmem:$0x940] =	vst v3;
	v3 =	vor.u32 v1, v5;
	v5 =	vld [tilespmem:$0x570]  }
0xd9: {  	[tilespmem:$0xD40] =	vst v3;
	v3 =	vadd.s32 v0, v6;
	v6 =	vshll.u32 v6, $0x5  }
0xda: {  	[tilespmem:$0x950] =	vst v3;
	v3 =	vor.u32 v1, v6;
	v6 =	vld [tilespmem:$0x580]  }
0xdb: {  	[tilespmem:$0xD50] =	vst v3;
	v3 =	vadd.s32 v0, v4;
	v4 =	vshll.u32 v4, $0x5  }
0xdc: {  	[tilespmem:$0x960] =	vst v3;
	v3 =	vor.u32 v1, v4;
	v4 =	vld [tilespmem:$0x590]  }
0xdd: {  	[tilespmem:$0xD60] =	vst v3;
	v3 =	vadd.s32 v0, v5;
	v5 =	vshll.u32 v5, $0x5  }
0xde: {  	[tilespmem:$0x970] =	vst v3;
	v3 =	vor.u32 v1, v5;
	v5 =	vld [tilespmem:$0x5A0]  }
0xdf: {  	[tilespmem:$0xD70] =	vst v3;
	v3 =	vadd.s32 v0, v6;
	v6 =	vshll.u32 v6, $0x5  }
0xe0: {  	[tilespmem:$0x980] =	vst v3;
	v3 =	vor.u32 v1, v6;
	v6 =	vld [tilespmem:$0x5B0]  }
0xe1: {  	[tilespmem:$0xD80] =	vst v3;
	v3 =	vadd.s32 v0, v4;
	v4 =	vshll.u32 v4, $0x5  }
0xe2: {  	[tilespmem:$0x990] =	vst v3;
	v3 =	vor.u32 v1, v4;
	v4 =	vld [tilespmem:$0x5C0]  }
0xe3: {  	[tilespmem:$0xD90] =	vst v3;
	v3 =	vadd.s32 v0, v5;
	v5 =	vshll.u32 v5, $0x5  }
0xe4: {  	[tilespmem:$0x9A0] =	vst v3;
	v3 =	vor.u32 v1, v5;
	v5 =	vld [tilespmem:$0x5D0]  }
0xe5: {  	[tilespmem:$0xDA0] =	vst v3;
	v3 =	vadd.s32 v0, v6;
	v6 =	vshll.u32 v6, $0x5  }
0xe6: {  	[tilespmem:$0x9B0] =	vst v3;
	v3 =	vor.u32 v1, v6;
	v6 =	vld [tilespmem:$0x5E0]  }
0xe7: {  	[tilespmem:$0xDB0] =	vst v3;
	v3 =	vadd.s32 v0, v4;
	v4 =	vshll.u32 v4, $0x5  }
0xe8: {  	[tilespmem:$0x9C0] =	vst v3;
	v3 =	vor.u32 v1, v4;
	v4 =	vld [tilespmem:$0x5F0]  }
0xe9: {  	[tilespmem:$0xDC0] =	vst v3;
	v3 =	vadd.s32 v0, v5;
	v5 =	vshll.u32 v5, $0x5  }
0xea: {  	[tilespmem:$0x9D0] =	vst v3;
	v3 =	vor.u32 v1, v5;
	v5 =	vld [tilespmem:$0x600]  }
0xeb: {  	[tilespmem:$0xDD0] =	vst v3;
	v3 =	vadd.s32 v0, v6;
	v6 =	vshll.u32 v6, $0x5  }
0xec: {  	[tilespmem:$0x9E0] =	vst v3;
	v3 =	vor.u32 v1, v6;
	v6 =	vld [tilespmem:$0x610]  }
0xed: {  	[tilespmem:$0xDE0] =	vst v3;
	v3 =	vadd.s32 v0, v4;
	v4 =	vshll.u32 v4, $0x5  }
0xee: {  	[tilespmem:$0x9F0] =	vst v3;
	v3 =	vor.u32 v1, v4;
	v4 =	vld [tilespmem:$0x620]  }
0xef: {  	[tilespmem:$0xDF0] =	vst v3;
	v3 =	vadd.s32 v0, v5;
	v5 =	vshll.u32 v5, $0x5  }
0xf0: {  	[tilespmem:$0xA00] =	vst v3;
	v3 =	vor.u32 v1, v5;
	v5 =	vld [tilespmem:$0x630]  }
0xf1: {  	[tilespmem:$0xE00] =	vst v3;
	v3 =	vadd.s32 v0, v6;
	v6 =	vshll.u32 v6, $0x5  }
0xf2: {  	[tilespmem:$0xA10] =	vst v3;
	v3 =	vor.u32 v1, v6;
	v6 =	vld [tilespmem:$0x640]  }
0xf3: {  	[tilespmem:$0xE10] =	vst v3;
	v3 =	vadd.s32 v0, v4;
	v4 =	vshll.u32 v4, $0x5  }
0xf4: {  	[tilespmem:$0xA20] =	vst v3;
	v3 =	vor.u32 v1, v4;
	v4 =	vld [tilespmem:$0x650]  }
0xf5: {  	[tilespmem:$0xE20] =	vst v3;
	v3 =	vadd.s32 v0, v5;
	v5 =	vshll.u32 v5, $0x5  }
0xf6: {  	[tilespmem:$0xA30] =	vst v3;
	v3 =	vor.u32 v1, v5;
	v5 =	vld [tilespmem:$0x660]  }
0xf7: {  	[tilespmem:$0xE30] =	vst v3;
	v3 =	vadd.s32 v0, v6;
	v6 =	vshll.u32 v6, $0x5  }
0xf8: {  	[tilespmem:$0xA40] =	vst v3;
	v3 =	vor.u32 v1, v6;
	v6 =	vld [tilespmem:$0x670]  }
0xf9: {  	[tilespmem:$0xE40] =	vst v3;
	v3 =	vadd.s32 v0, v4;
	v4 =	vshll.u32 v4, $0x5  }
0xfa: {  	[tilespmem:$0xA50] =	vst v3;
	v3 =	vor.u32 v1, v4;
	v4 =	vld [tilespmem:$0x680]  }
0xfb: {  	[tilespmem:$0xE50] =	vst v3;
	v3 =	vadd.s32 v0, v5;
	v5 =	vshll.u32 v5, $0x5  }
0xfc: {  	[tilespmem:$0xA60] =	vst v3;
	v3 =	vor.u32 v1, v5;
	v5 =	vld [tilespmem:$0x690]  }
0xfd: {  	[tilespmem:$0xE60] =	vst v3;
	v3 =	vadd.s32 v0, v6;
	v6 =	vshll.u32 v6, $0x5  }
0xfe: {  	[tilespmem:$0xA70] =	vst v3;
	v3 =	vor.u32 v1, v6;
	v6 =	vld [tilespmem:$0x6A0]  }
0xff: {  	[tilespmem:$0xE70] =	vst v3;
	v3 =	vadd.s32 v0, v4;
	v4 =	vshll.u32 v4, $0x5  }
0x100: {  	[tilespmem:$0xA80] =	vst v3;
	v3 =	vor.u32 v1, v4;
	v4 =	vld [tilespmem:$0x6B0]  }
0x101: {  	[tilespmem:$0xE80] =	vst v3;
	v3 =	vadd.s32 v0, v5;
	v5 =	vshll.u32 v5, $0x5  }
0x102: {  	[tilespmem:$0xA90] =	vst v3;
	v3 =	vor.u32 v1, v5;
	v5 =	vld [tilespmem:$0x6C0]  }
0x103: {  	[tilespmem:$0xE90] =	vst v3;
	v3 =	vadd.s32 v0, v6;
	v6 =	vshll.u32 v6, $0x5  }
0x104: {  	[tilespmem:$0xAA0] =	vst v3;
	v3 =	vor.u32 v1, v6;
	v6 =	vld [tilespmem:$0x6D0]  }
0x105: {  	[tilespmem:$0xEA0] =	vst v3;
	v3 =	vadd.s32 v0, v4;
	v4 =	vshll.u32 v4, $0x5  }
0x106: {  	[tilespmem:$0xAB0] =	vst v3;
	v3 =	vor.u32 v1, v4;
	v4 =	vld [tilespmem:$0x6E0]  }
0x107: {  	[tilespmem:$0xEB0] =	vst v3;
	v3 =	vadd.s32 v0, v5;
	v5 =	vshll.u32 v5, $0x5  }
0x108: {  	[tilespmem:$0xAC0] =	vst v3;
	v3 =	vor.u32 v1, v5;
	v5 =	vld [tilespmem:$0x6F0]  }
0x109: {  	[tilespmem:$0xEC0] =	vst v3;
	v3 =	vadd.s32 v0, v6;
	v6 =	vshll.u32 v6, $0x5  }
0x10a: {  	[tilespmem:$0xAD0] =	vst v3;
	v3 =	vor.u32 v1, v6;
	v6 =	vld [tilespmem:$0x700]  }
0x10b: {  	[tilespmem:$0xED0] =	vst v3;
	v3 =	vadd.s32 v0, v4;
	v4 =	vshll.u32 v4, $0x5  }
0x10c: {  	[tilespmem:$0xAE0] =	vst v3;
	v3 =	vor.u32 v1, v4;
	v4 =	vld [tilespmem:$0x710]  }
0x10d: {  	[tilespmem:$0xEE0] =	vst v3;
	v3 =	vadd.s32 v0, v5;
	v5 =	vshll.u32 v5, $0x5  }
0x10e: {  	[tilespmem:$0xAF0] =	vst v3;
	v3 =	vor.u32 v1, v5;
	v5 =	vld [tilespmem:$0x720]  }
0x10f: {  	[tilespmem:$0xEF0] =	vst v3;
	v3 =	vadd.s32 v0, v6;
	v6 =	vshll.u32 v6, $0x5  }
0x110: {  	[tilespmem:$0xB00] =	vst v3;
	v3 =	vor.u32 v1, v6;
	v6 =	vld [tilespmem:$0x730]  }
0x111: {  	[tilespmem:$0xF00] =	vst v3;
	v3 =	vadd.s32 v0, v4;
	v4 =	vshll.u32 v4, $0x5  }
0x112: {  	[tilespmem:$0xB10] =	vst v3;
	v3 =	vor.u32 v1, v4;
	v4 =	vld [tilespmem:$0x740]  }
0x113: {  	[tilespmem:$0xF10] =	vst v3;
	v3 =	vadd.s32 v0, v5;
	v5 =	vshll.u32 v5, $0x5  }
0x114: {  	[tilespmem:$0xB20] =	vst v3;
	v3 =	vor.u32 v1, v5;
	v5 =	vld [tilespmem:$0x750]  }
0x115: {  	[tilespmem:$0xF20] =	vst v3;
	v3 =	vadd.s32 v0, v6;
	v6 =	vshll.u32 v6, $0x5  }
0x116: {  	[tilespmem:$0xB30] =	vst v3;
	v3 =	vor.u32 v1, v6;
	v6 =	vld [tilespmem:$0x760]  }
0x117: {  	[tilespmem:$0xF30] =	vst v3;
	v3 =	vadd.s32 v0, v4;
	v4 =	vshll.u32 v4, $0x5  }
0x118: {  	[tilespmem:$0xB40] =	vst v3;
	v3 =	vor.u32 v1, v4;
	v4 =	vld [tilespmem:$0x770]  }
0x119: {  	[tilespmem:$0xF40] =	vst v3;
	v3 =	vadd.s32 v0, v5;
	v5 =	vshll.u32 v5, $0x5  }
0x11a: {  	[tilespmem:$0xB50] =	vst v3;
	v3 =	vor.u32 v1, v5;
	v5 =	vld [tilespmem:$0x780]  }
0x11b: {  	[tilespmem:$0xF50] =	vst v3;
	v3 =	vadd.s32 v0, v6;
	v6 =	vshll.u32 v6, $0x5  }
0x11c: {  	[tilespmem:$0xB60] =	vst v3;
	v3 =	vor.u32 v1, v6;
	v6 =	vld [tilespmem:$0x790]  }
0x11d: {  	[tilespmem:$0xF60] =	vst v3;
	v3 =	vadd.s32 v0, v4;
	v4 =	vshll.u32 v4, $0x5  }
0x11e: {  	[tilespmem:$0xB70] =	vst v3;
	v3 =	vor.u32 v1, v4;
	v4 =	vld [tilespmem:$0x7A0]  }
0x11f: {  	v7 =	vld [tilespmem:$0x7B0];
	[tilespmem:$0xF70] =	vst v3;
	v3 =	vadd.s32 v0, v5;
	v5 =	vshll.u32 v5, $0x5  }
0x120: {  	[tilespmem:$0xB80] =	vst v3;
	v3 =	vor.u32 v1, v5;
	v5 =	vld [tilespmem:$0x800]  }
0x121: {  	v8 =	vld [tilespmem:$0x7C0];
	[tilespmem:$0xF80] =	vst v3;
	v3 =	vadd.s32 v0, v6;
	v6 =	vshll.u32 v6, $0x5  }
0x122: {  	[tilespmem:$0xB90] =	vst v3;
	v3 =	vor.u32 v1, v6;
	v6 =	vld [tilespmem:$0x7D0]  }
0x123: {  	[tilespmem:$0xF90] =	vst v3;
	v3 =	vadd.s32 v0, v4;
	v4 =	vshll.u32 v4, $0x5  }
0x124: {  	[tilespmem:$0xBA0] =	vst v3;
	v3 =	vor.u32 v1, v4;
	v4 =	vshll.u32 v7, $0x5  }
0x125: {  	[tilespmem:$0xFA0] =	vst v3;
	v3 =	vadd.s32 v0, v7;
	v4 =	vor.u32 v1, v4;
	v7 =	vshrl.u32 v5, $0x3  }
0x126: {  	v9 =	vld [tilespmem:$0x7E0];
	[tilespmem:$0xBB0] =	vst v3;
	v3 =	vadd.s32 v0, v8;
	v8 =	vshll.u32 v8, $0x5;
	v7 =	vmul.u32 $0x18, v7  }
0x127: {  	v5 =	vand.u32 $0x7, v5;
	[tilespmem:$0xFB0] =	vst v4;
	v4 =	vor.u32 v1, v8;
	v8 =	vadd.s32 v0, v6  }
0x128: {  	v10 =	vld [tilespmem:$0x7F0];
	[tilespmem:$0xBC0] =	vst v3;
	v3 =	vand.u32 $0x7, v2;
	v7 =	vor.u32 v5, v7;
	v5 =	vshrl.u32 v2, $0x3  }
0x129: {  	v6 =	vshll.u32 v6, $0x5;
	[tilespmem:$0xFC0] =	vst v4;
	v11 =	vperm.xlane v7, v3;
	v4 =	vmul.u32 $0x8, v5  }
0x12a: {  	[tilespmem:$0xBD0] =	vst v8;
	v5 =	vor.u32 v1, v6  }
0x12b: {  	v6 =	vshll.u32 v9, $0x5;
	[tilespmem:$0xFD0] =	vst v5;
	v5 =	vadd.s32 v0, v9;
	v8 =	vadd.s32 v4, v11  }
0x12c: {  	v6 =	vor.u32 v1, v6;
	[tilespmem:$0xBE0] =	vst v5;
	v5 =	vor.u32 $0x8, v2  }
0x12d: {  	v9 =	vshll.u32 v10, $0x5;
	[tilespmem:$0xFE0] =	vst v6;
	v6 =	vadd.s32 v0, v10;
	v7 =	vperm.xlane v7, v5  }
0x12e: {  	[tilespmem:$0xBF0] =	vst v6;
	v6 =	vor.u32 v1, v9  }
0x12f: {  	s26 =	simm.s32 $0x1000;
	[tilespmem:$0xFF0] =	vst v6;
	v6 =	vadd.s32 v4, v7  }
0x130: {  	[tilespmem:s26], [sflag:$0x1] =	stream.indirect_vreg.gather [hbm4b:s3+s2], $0x80, v8, vm0, $0xb8;
	[tilespmem:$0x19400] =	vst v63  }
0x131: {  	s28 =	simm.s32 $0x1800  }
0x132: {  	[tilespmem:s28], [sflag:$0x1] =	stream.indirect_vreg.gather [hbm4b:s8+s2], $0x80, v8, vm1, $0xb8;
	[tilespmem:$0x19400] =	vst v63  }
0x133: {  	s24 =	simm.s32 $0x1C00  }
0x134: {  	[tilespmem:s24], [sflag:$0x1] =	stream.indirect_vreg.gather [hbm4b:s3+s2], $0x80, v6, vm0, $0xb8;
	[tilespmem:$0x19400] =	vst v63  }
0x135: {  	s25 =	simm.s32 $0x2400  }
0x136: {  	[tilespmem:s25], [sflag:$0x1] =	stream.indirect_vreg.gather [hbm4b:s8+s2], $0x80, v6, vm1, $0xb8;
	[tilespmem:$0x19400] =	vst v63  }
0x137: {  	v6 =	vld [tilespmem:$0x810];
	_ =	sdelay $0x4  }
0x138: {  	v7 =	vshrl.u32 v6, $0x3  }
0x139: {  	v7 =	vmul.u32 $0x18, v7  }
0x13a: {  	v6 =	vand.u32 $0x7, v6  }
0x13b: {  	v6 =	vor.u32 v6, v7  }
0x13c: {  	v7 =	vperm.xlane v6, v3;
	_ =	sdelay $0x1  }
0x13d: {  	v7 =	vadd.s32 v4, v7;
	_ =	sdelay $0x1  }
0x13e: {  	v6 =	vperm.xlane v6, v5;
	_ =	sdelay $0x1  }
0x13f: {  	s26 =	simm.s32 $0x2800;
	v6 =	vadd.s32 v4, v6  }
0x140: {  	[tilespmem:s26], [sflag:$0x1] =	stream.indirect_vreg.gather [hbm4b:s3+s2], $0x80, v7, vm0, $0xb8;
	[tilespmem:$0x19400] =	vst v63  }
0x141: {  	_ = 	snop  }
0x142: {  	[tilespmem:s22], [sflag:$0x1] =	stream.indirect_vreg.gather [hbm4b:s8+s2], $0x80, v7, vm1, $0xb8;
	[tilespmem:$0x19400] =	vst v63  }
0x143: {  	s28 =	simm.s32 $0x3400  }
0x144: {  	[tilespmem:s28], [sflag:$0x1] =	stream.indirect_vreg.gather [hbm4b:s3+s2], $0x80, v6, vm0, $0xb8;
	[tilespmem:$0x19400] =	vst v63  }
0x145: {  	s24 =	simm.s32 $0x3C00  }
0x146: {  	[tilespmem:s24], [sflag:$0x1] =	stream.indirect_vreg.gather [hbm4b:s8+s2], $0x80, v6, vm1, $0xb8;
	[tilespmem:$0x19400] =	vst v63  }
0x147: {  	v6 =	vld [tilespmem:$0x820];
	_ =	sdelay $0x4  }
0x148: {  	v7 =	vshrl.u32 v6, $0x3  }
0x149: {  	v7 =	vmul.u32 $0x18, v7  }
0x14a: {  	v6 =	vand.u32 $0x7, v6  }
0x14b: {  	v6 =	vor.u32 v6, v7  }
0x14c: {  	v7 =	vperm.xlane v6, v3;
	_ =	sdelay $0x1  }
0x14d: {  	v7 =	vadd.s32 v4, v7;
	_ =	sdelay $0x1  }
0x14e: {  	v6 =	vperm.xlane v6, v5;
	_ =	sdelay $0x1  }
0x14f: {  	s25 =	simm.s32 $0x4000;
	v6 =	vadd.s32 v4, v6  }
0x150: {  	[tilespmem:s25], [sflag:$0x1] =	stream.indirect_vreg.gather [hbm4b:s3+s2], $0x80, v7, vm0, $0xb8;
	[tilespmem:$0x19400] =	vst v63  }
0x151: {  	s26 =	simm.s32 $0x4800  }
0x152: {  	[tilespmem:s26], [sflag:$0x1] =	stream.indirect_vreg.gather [hbm4b:s8+s2], $0x80, v7, vm1, $0xb8;
	[tilespmem:$0x19400] =	vst v63  }
0x153: {  	s28 =	simm.s32 $0x4C00  }
0x154: {  	[tilespmem:s28], [sflag:$0x1] =	stream.indirect_vreg.gather [hbm4b:s3+s2], $0x80, v6, vm0, $0xb8;
	[tilespmem:$0x19400] =	vst v63  }
0x155: {  	s24 =	simm.s32 $0x5400  }
0x156: {  	[tilespmem:s24], [sflag:$0x1] =	stream.indirect_vreg.gather [hbm4b:s8+s2], $0x80, v6, vm1, $0xb8;
	[tilespmem:$0x19400] =	vst v63  }
0x157: {  	v6 =	vld [tilespmem:$0x830];
	_ =	sdelay $0x4  }
0x158: {  	v7 =	vshrl.u32 v6, $0x3  }
0x159: {  	v7 =	vmul.u32 $0x18, v7  }
0x15a: {  	v6 =	vand.u32 $0x7, v6  }
0x15b: {  	v6 =	vor.u32 v6, v7  }
0x15c: {  	v7 =	vperm.xlane v6, v3;
	_ =	sdelay $0x1  }
0x15d: {  	v7 =	vadd.s32 v4, v7;
	_ =	sdelay $0x1  }
0x15e: {  	v6 =	vperm.xlane v6, v5;
	_ =	sdelay $0x1  }
0x15f: {  	s25 =	simm.s32 $0x5800;
	v6 =	vadd.s32 v4, v6  }
0x160: {  	[tilespmem:s25], [sflag:$0x1] =	stream.indirect_vreg.gather [hbm4b:s3+s2], $0x80, v7, vm0, $0xb8;
	[tilespmem:$0x19400] =	vst v63  }
0x161: {  	s26 =	simm.s32 $0x6000  }
0x162: {  	[tilespmem:s26], [sflag:$0x1] =	stream.indirect_vreg.gather [hbm4b:s8+s2], $0x80, v7, vm1, $0xb8;
	[tilespmem:$0x19400] =	vst v63  }
0x163: {  	s28 =	simm.s32 $0x6400  }
0x164: {  	[tilespmem:s28], [sflag:$0x1] =	stream.indirect_vreg.gather [hbm4b:s3+s2], $0x80, v6, vm0, $0xb8;
	[tilespmem:$0x19400] =	vst v63  }
0x165: {  	s24 =	simm.s32 $0x6C00  }
0x166: {  	[tilespmem:s24], [sflag:$0x1] =	stream.indirect_vreg.gather [hbm4b:s8+s2], $0x80, v6, vm1, $0xb8;
	[tilespmem:$0x19400] =	vst v63  }
0x167: {  	v6 =	vld [tilespmem:$0x840];
	_ =	sdelay $0x4  }
0x168: {  	v7 =	vshrl.u32 v6, $0x3  }
0x169: {  	v7 =	vmul.u32 $0x18, v7  }
0x16a: {  	v6 =	vand.u32 $0x7, v6  }
0x16b: {  	v6 =	vor.u32 v6, v7  }
0x16c: {  	v7 =	vperm.xlane v6, v3;
	_ =	sdelay $0x1  }
0x16d: {  	v7 =	vadd.s32 v4, v7;
	_ =	sdelay $0x1  }
0x16e: {  	v6 =	vperm.xlane v6, v5;
	_ =	sdelay $0x1  }
0x16f: {  	s25 =	simm.s32 $0x7000;
	v6 =	vadd.s32 v4, v6  }
0x170: {  	[tilespmem:s25], [sflag:$0x1] =	stream.indirect_vreg.gather [hbm4b:s3+s2], $0x80, v7, vm0, $0xb8;
	[tilespmem:$0x19400] =	vst v63  }
0x171: {  	s26 =	simm.s32 $0x7800  }
0x172: {  	[tilespmem:s26], [sflag:$0x1] =	stream.indirect_vreg.gather [hbm4b:s8+s2], $0x80, v7, vm1, $0xb8;
	[tilespmem:$0x19400] =	vst v63  }
0x173: {  	s28 =	simm.s32 $0x7C00  }
0x174: {  	[tilespmem:s28], [sflag:$0x1] =	stream.indirect_vreg.gather [hbm4b:s3+s2], $0x80, v6, vm0, $0xb8;
	[tilespmem:$0x19400] =	vst v63  }
0x175: {  	s24 =	simm.s32 $0x8400  }
0x176: {  	[tilespmem:s24], [sflag:$0x1] =	stream.indirect_vreg.gather [hbm4b:s8+s2], $0x80, v6, vm1, $0xb8;
	[tilespmem:$0x19400] =	vst v63  }
0x177: {  	v6 =	vld [tilespmem:$0x850];
	_ =	sdelay $0x4  }
0x178: {  	v7 =	vshrl.u32 v6, $0x3  }
0x179: {  	v7 =	vmul.u32 $0x18, v7  }
0x17a: {  	v6 =	vand.u32 $0x7, v6  }
0x17b: {  	v6 =	vor.u32 v6, v7  }
0x17c: {  	v7 =	vperm.xlane v6, v3;
	_ =	sdelay $0x1  }
0x17d: {  	v7 =	vadd.s32 v4, v7;
	_ =	sdelay $0x1  }
0x17e: {  	v6 =	vperm.xlane v6, v5;
	_ =	sdelay $0x1  }
0x17f: {  	s25 =	simm.s32 $0x8800;
	v6 =	vadd.s32 v4, v6  }
0x180: {  	[tilespmem:s25], [sflag:$0x1] =	stream.indirect_vreg.gather [hbm4b:s3+s2], $0x80, v7, vm0, $0xb8;
	[tilespmem:$0x19400] =	vst v63  }
0x181: {  	s26 =	simm.s32 $0x9000  }
0x182: {  	[tilespmem:s26], [sflag:$0x1] =	stream.indirect_vreg.gather [hbm4b:s8+s2], $0x80, v7, vm1, $0xb8;
	[tilespmem:$0x19400] =	vst v63  }
0x183: {  	s28 =	simm.s32 $0x9400  }
0x184: {  	[tilespmem:s28], [sflag:$0x1] =	stream.indirect_vreg.gather [hbm4b:s3+s2], $0x80, v6, vm0, $0xb8;
	[tilespmem:$0x19400] =	vst v63  }
0x185: {  	s24 =	simm.s32 $0x9C00  }
0x186: {  	[tilespmem:s24], [sflag:$0x1] =	stream.indirect_vreg.gather [hbm4b:s8+s2], $0x80, v6, vm1, $0xb8;
	[tilespmem:$0x19400] =	vst v63  }
0x187: {  	v6 =	vld [tilespmem:$0x860];
	_ =	sdelay $0x4  }
0x188: {  	v7 =	vshrl.u32 v6, $0x3  }
0x189: {  	v7 =	vmul.u32 $0x18, v7  }
0x18a: {  	v6 =	vand.u32 $0x7, v6  }
0x18b: {  	v6 =	vor.u32 v6, v7  }
0x18c: {  	v7 =	vperm.xlane v6, v3;
	_ =	sdelay $0x1  }
0x18d: {  	v7 =	vadd.s32 v4, v7;
	_ =	sdelay $0x1  }
0x18e: {  	v6 =	vperm.xlane v6, v5;
	_ =	sdelay $0x1  }
0x18f: {  	s25 =	simm.s32 $0xA000;
	v6 =	vadd.s32 v4, v6  }
0x190: {  	[tilespmem:s25], [sflag:$0x1] =	stream.indirect_vreg.gather [hbm4b:s3+s2], $0x80, v7, vm0, $0xb8;
	[tilespmem:$0x19400] =	vst v63  }
0x191: {  	s26 =	simm.s32 $0xA800  }
0x192: {  	[tilespmem:s26], [sflag:$0x1] =	stream.indirect_vreg.gather [hbm4b:s8+s2], $0x80, v7, vm1, $0xb8;
	[tilespmem:$0x19400] =	vst v63  }
0x193: {  	s28 =	simm.s32 $0xAC00  }
0x194: {  	[tilespmem:s28], [sflag:$0x1] =	stream.indirect_vreg.gather [hbm4b:s3+s2], $0x80, v6, vm0, $0xb8;
	[tilespmem:$0x19400] =	vst v63  }
0x195: {  	s24 =	simm.s32 $0xB400  }
0x196: {  	[tilespmem:s24], [sflag:$0x1] =	stream.indirect_vreg.gather [hbm4b:s8+s2], $0x80, v6, vm1, $0xb8;
	[tilespmem:$0x19400] =	vst v63  }
0x197: {  	v6 =	vld [tilespmem:$0x870];
	_ =	sdelay $0x4  }
0x198: {  	v7 =	vshrl.u32 v6, $0x3  }
0x199: {  	v7 =	vmul.u32 $0x18, v7  }
0x19a: {  	v6 =	vand.u32 $0x7, v6  }
0x19b: {  	v6 =	vor.u32 v6, v7  }
0x19c: {  	v7 =	vperm.xlane v6, v3;
	_ =	sdelay $0x1  }
0x19d: {  	v7 =	vadd.s32 v4, v7;
	_ =	sdelay $0x1  }
0x19e: {  	v6 =	vperm.xlane v6, v5;
	_ =	sdelay $0x1  }
0x19f: {  	s25 =	simm.s32 $0xB800;
	v6 =	vadd.s32 v4, v6  }
0x1a0: {  	[tilespmem:s25], [sflag:$0x1] =	stream.indirect_vreg.gather [hbm4b:s3+s2], $0x80, v7, vm0, $0xb8;
	[tilespmem:$0x19400] =	vst v63  }
0x1a1: {  	s26 =	simm.s32 $0xC000  }
0x1a2: {  	[tilespmem:s26], [sflag:$0x1] =	stream.indirect_vreg.gather [hbm4b:s8+s2], $0x80, v7, vm1, $0xb8;
	[tilespmem:$0x19400] =	vst v63  }
0x1a3: {  	s28 =	simm.s32 $0xC400  }
0x1a4: {  	[tilespmem:s28], [sflag:$0x1] =	stream.indirect_vreg.gather [hbm4b:s3+s2], $0x80, v6, vm0, $0xb8;
	[tilespmem:$0x19400] =	vst v63  }
0x1a5: {  	s24 =	simm.s32 $0xCC00  }
0x1a6: {  	[tilespmem:s24], [sflag:$0x1] =	stream.indirect_vreg.gather [hbm4b:s8+s2], $0x80, v6, vm1, $0xb8;
	[tilespmem:$0x19400] =	vst v63  }
0x1a7: {  	v6 =	vld [tilespmem:$0x880];
	_ =	sdelay $0x4  }
0x1a8: {  	v7 =	vshrl.u32 v6, $0x3  }
0x1a9: {  	v7 =	vmul.u32 $0x18, v7  }
0x1aa: {  	v6 =	vand.u32 $0x7, v6  }
0x1ab: {  	v6 =	vor.u32 v6, v7  }
0x1ac: {  	v7 =	vperm.xlane v6, v3;
	_ =	sdelay $0x1  }
0x1ad: {  	v7 =	vadd.s32 v4, v7;
	_ =	sdelay $0x1  }
0x1ae: {  	v6 =	vperm.xlane v6, v5;
	_ =	sdelay $0x1  }
0x1af: {  	s25 =	simm.s32 $0xD000;
	v6 =	vadd.s32 v4, v6  }
0x1b0: {  	[tilespmem:s25], [sflag:$0x1] =	stream.indirect_vreg.gather [hbm4b:s3+s2], $0x80, v7, vm0, $0xb8;
	[tilespmem:$0x19400] =	vst v63  }
0x1b1: {  	s26 =	simm.s32 $0xD800  }
0x1b2: {  	[tilespmem:s26], [sflag:$0x1] =	stream.indirect_vreg.gather [hbm4b:s8+s2], $0x80, v7, vm1, $0xb8;
	[tilespmem:$0x19400] =	vst v63  }
0x1b3: {  	s28 =	simm.s32 $0xDC00  }
0x1b4: {  	[tilespmem:s28], [sflag:$0x1] =	stream.indirect_vreg.gather [hbm4b:s3+s2], $0x80, v6, vm0, $0xb8;
	[tilespmem:$0x19400] =	vst v63  }
0x1b5: {  	s24 =	simm.s32 $0xE400  }
0x1b6: {  	[tilespmem:s24], [sflag:$0x1] =	stream.indirect_vreg.gather [hbm4b:s8+s2], $0x80, v6, vm1, $0xb8;
	[tilespmem:$0x19400] =	vst v63  }
0x1b7: {  	v6 =	vld [tilespmem:$0x890];
	_ =	sdelay $0x4  }
0x1b8: {  	v7 =	vshrl.u32 v6, $0x3  }
0x1b9: {  	v7 =	vmul.u32 $0x18, v7  }
0x1ba: {  	v6 =	vand.u32 $0x7, v6  }
0x1bb: {  	v6 =	vor.u32 v6, v7  }
0x1bc: {  	v7 =	vperm.xlane v6, v3;
	_ =	sdelay $0x1  }
0x1bd: {  	v7 =	vadd.s32 v4, v7;
	_ =	sdelay $0x1  }
0x1be: {  	v6 =	vperm.xlane v6, v5;
	_ =	sdelay $0x1  }
0x1bf: {  	s25 =	simm.s32 $0xE800;
	v6 =	vadd.s32 v4, v6  }
0x1c0: {  	[tilespmem:s25], [sflag:$0x1] =	stream.indirect_vreg.gather [hbm4b:s3+s2], $0x80, v7, vm0, $0xb8;
	[tilespmem:$0x19400] =	vst v63  }
0x1c1: {  	s26 =	simm.s32 $0xF000  }
0x1c2: {  	[tilespmem:s26], [sflag:$0x1] =	stream.indirect_vreg.gather [hbm4b:s8+s2], $0x80, v7, vm1, $0xb8;
	[tilespmem:$0x19400] =	vst v63  }
0x1c3: {  	s28 =	simm.s32 $0xF400  }
0x1c4: {  	[tilespmem:s28], [sflag:$0x1] =	stream.indirect_vreg.gather [hbm4b:s3+s2], $0x80, v6, vm0, $0xb8;
	[tilespmem:$0x19400] =	vst v63  }
0x1c5: {  	s24 =	simm.s32 $0xFC00  }
0x1c6: {  	[tilespmem:s24], [sflag:$0x1] =	stream.indirect_vreg.gather [hbm4b:s8+s2], $0x80, v6, vm1, $0xb8;
	[tilespmem:$0x19400] =	vst v63  }
0x1c7: {  	v6 =	vld [tilespmem:$0x8A0];
	_ =	sdelay $0x4  }
0x1c8: {  	v7 =	vshrl.u32 v6, $0x3  }
0x1c9: {  	v7 =	vmul.u32 $0x18, v7  }
0x1ca: {  	v6 =	vand.u32 $0x7, v6  }
0x1cb: {  	v6 =	vor.u32 v6, v7  }
0x1cc: {  	v7 =	vperm.xlane v6, v3;
	_ =	sdelay $0x1  }
0x1cd: {  	v7 =	vadd.s32 v4, v7;
	_ =	sdelay $0x1  }
0x1ce: {  	v6 =	vperm.xlane v6, v5;
	_ =	sdelay $0x1  }
0x1cf: {  	s25 =	simm.s32 $0x10000;
	v6 =	vadd.s32 v4, v6  }
0x1d0: {  	[tilespmem:s25], [sflag:$0x1] =	stream.indirect_vreg.gather [hbm4b:s3+s2], $0x80, v7, vm0, $0xb8;
	[tilespmem:$0x19400] =	vst v63  }
0x1d1: {  	s26 =	simm.s32 $0x10800  }
0x1d2: {  	[tilespmem:s26], [sflag:$0x1] =	stream.indirect_vreg.gather [hbm4b:s8+s2], $0x80, v7, vm1, $0xb8;
	[tilespmem:$0x19400] =	vst v63  }
0x1d3: {  	s28 =	simm.s32 $0x10C00  }
0x1d4: {  	[tilespmem:s28], [sflag:$0x1] =	stream.indirect_vreg.gather [hbm4b:s3+s2], $0x80, v6, vm0, $0xb8;
	[tilespmem:$0x19400] =	vst v63  }
0x1d5: {  	s24 =	simm.s32 $0x11400  }
0x1d6: {  	[tilespmem:s24], [sflag:$0x1] =	stream.indirect_vreg.gather [hbm4b:s8+s2], $0x80, v6, vm1, $0xb8;
	[tilespmem:$0x19400] =	vst v63  }
0x1d7: {  	v6 =	vld [tilespmem:$0x8B0];
	_ =	sdelay $0x4  }
0x1d8: {  	v7 =	vshrl.u32 v6, $0x3  }
0x1d9: {  	v7 =	vmul.u32 $0x18, v7  }
0x1da: {  	v6 =	vand.u32 $0x7, v6  }
0x1db: {  	v6 =	vor.u32 v6, v7  }
0x1dc: {  	v7 =	vperm.xlane v6, v3;
	_ =	sdelay $0x1  }
0x1dd: {  	v7 =	vadd.s32 v4, v7;
	_ =	sdelay $0x1  }
0x1de: {  	v6 =	vperm.xlane v6, v5;
	_ =	sdelay $0x1  }
0x1df: {  	s25 =	simm.s32 $0x11800;
	v6 =	vadd.s32 v4, v6  }
0x1e0: {  	[tilespmem:s25], [sflag:$0x1] =	stream.indirect_vreg.gather [hbm4b:s3+s2], $0x80, v7, vm0, $0xb8;
	[tilespmem:$0x19400] =	vst v63  }
0x1e1: {  	s26 =	simm.s32 $0x12000  }
0x1e2: {  	[tilespmem:s26], [sflag:$0x1] =	stream.indirect_vreg.gather [hbm4b:s8+s2], $0x80, v7, vm1, $0xb8;
	[tilespmem:$0x19400] =	vst v63  }
0x1e3: {  	s28 =	simm.s32 $0x12400  }
0x1e4: {  	[tilespmem:s28], [sflag:$0x1] =	stream.indirect_vreg.gather [hbm4b:s3+s2], $0x80, v6, vm0, $0xb8;
	[tilespmem:$0x19400] =	vst v63  }
0x1e5: {  	s24 =	simm.s32 $0x12C00  }
0x1e6: {  	[tilespmem:s24], [sflag:$0x1] =	stream.indirect_vreg.gather [hbm4b:s8+s2], $0x80, v6, vm1, $0xb8;
	[tilespmem:$0x19400] =	vst v63  }
0x1e7: {  	v6 =	vld [tilespmem:$0x8C0];
	_ =	sdelay $0x4  }
0x1e8: {  	v7 =	vshrl.u32 v6, $0x3  }
0x1e9: {  	v7 =	vmul.u32 $0x18, v7  }
0x1ea: {  	v6 =	vand.u32 $0x7, v6  }
0x1eb: {  	v6 =	vor.u32 v6, v7  }
0x1ec: {  	v7 =	vperm.xlane v6, v3;
	_ =	sdelay $0x1  }
0x1ed: {  	v7 =	vadd.s32 v4, v7;
	_ =	sdelay $0x1  }
0x1ee: {  	v6 =	vperm.xlane v6, v5;
	_ =	sdelay $0x1  }
0x1ef: {  	s25 =	simm.s32 $0x13000;
	v6 =	vadd.s32 v4, v6  }
0x1f0: {  	[tilespmem:s25], [sflag:$0x1] =	stream.indirect_vreg.gather [hbm4b:s3+s2], $0x80, v7, vm0, $0xb8;
	[tilespmem:$0x19400] =	vst v63  }
0x1f1: {  	s26 =	simm.s32 $0x13800  }
0x1f2: {  	[tilespmem:s26], [sflag:$0x1] =	stream.indirect_vreg.gather [hbm4b:s8+s2], $0x80, v7, vm1, $0xb8;
	[tilespmem:$0x19400] =	vst v63  }
0x1f3: {  	s28 =	simm.s32 $0x13C00  }
0x1f4: {  	[tilespmem:s28], [sflag:$0x1] =	stream.indirect_vreg.gather [hbm4b:s3+s2], $0x80, v6, vm0, $0xb8;
	[tilespmem:$0x19400] =	vst v63  }
0x1f5: {  	_ = 	snop  }
0x1f6: {  	[tilespmem:s29], [sflag:$0x1] =	stream.indirect_vreg.gather [hbm4b:s8+s2], $0x80, v6, vm1, $0xb8;
	[tilespmem:$0x19400] =	vst v63  }
0x1f7: {  	v6 =	vld [tilespmem:$0x8D0];
	_ =	sdelay $0x4  }
0x1f8: {  	v7 =	vshrl.u32 v6, $0x3  }
0x1f9: {  	v7 =	vmul.u32 $0x18, v7  }
0x1fa: {  	v6 =	vand.u32 $0x7, v6  }
0x1fb: {  	v6 =	vor.u32 v6, v7  }
0x1fc: {  	v7 =	vperm.xlane v6, v3;
	_ =	sdelay $0x1  }
0x1fd: {  	v7 =	vadd.s32 v4, v7;
	_ =	sdelay $0x1  }
0x1fe: {  	v6 =	vperm.xlane v6, v5;
	_ =	sdelay $0x1  }
0x1ff: {  	v6 =	vadd.s32 v4, v6  }
0x200: {  	[tilespmem:s30], [sflag:$0x1] =	stream.indirect_vreg.gather [hbm4b:s3+s2], $0x80, v7, vm0, $0xb8;
	[tilespmem:$0x19400] =	vst v63  }
0x201: {  	_ = 	snop  }
0x202: {  	[tilespmem:s31], [sflag:$0x1] =	stream.indirect_vreg.gather [hbm4b:s8+s2], $0x80, v7, vm1, $0xb8;
	[tilespmem:$0x19400] =	vst v63  }
0x203: {  	_ = 	snop  }
0x204: {  	[tilespmem:s0], [sflag:$0x1] =	stream.indirect_vreg.gather [hbm4b:s3+s2], $0x80, v6, vm0, $0xb8;
	[tilespmem:$0x19400] =	vst v63  }
0x205: {  	_ = 	snop  }
0x206: {  	[tilespmem:s1], [sflag:$0x1] =	stream.indirect_vreg.gather [hbm4b:s8+s2], $0x80, v6, vm1, $0xb8;
	[tilespmem:$0x19400] =	vst v63  }
0x207: {  	v6 =	vld [tilespmem:$0x8E0];
	_ =	sdelay $0x4  }
0x208: {  	v7 =	vshrl.u32 v6, $0x3  }
0x209: {  	v7 =	vmul.u32 $0x18, v7  }
0x20a: {  	v6 =	vand.u32 $0x7, v6  }
0x20b: {  	v6 =	vor.u32 v6, v7  }
0x20c: {  	v7 =	vperm.xlane v6, v3;
	_ =	sdelay $0x1  }
0x20d: {  	v7 =	vadd.s32 v4, v7;
	_ =	sdelay $0x1  }
0x20e: {  	v6 =	vperm.xlane v6, v5;
	_ =	sdelay $0x1  }
0x20f: {  	v6 =	vadd.s32 v4, v6  }
0x210: {  	[tilespmem:s4], [sflag:$0x1] =	stream.indirect_vreg.gather [hbm4b:s3+s2], $0x80, v7, vm0, $0xb8;
	[tilespmem:$0x19400] =	vst v63  }
0x211: {  	_ = 	snop  }
0x212: {  	[tilespmem:s5], [sflag:$0x1] =	stream.indirect_vreg.gather [hbm4b:s8+s2], $0x80, v7, vm1, $0xb8;
	[tilespmem:$0x19400] =	vst v63  }
0x213: {  	_ = 	snop  }
0x214: {  	[tilespmem:s6], [sflag:$0x1] =	stream.indirect_vreg.gather [hbm4b:s3+s2], $0x80, v6, vm0, $0xb8;
	[tilespmem:$0x19400] =	vst v63  }
0x215: {  	_ = 	snop  }
0x216: {  	[tilespmem:s12], [sflag:$0x1] =	stream.indirect_vreg.gather [hbm4b:s8+s2], $0x80, v6, vm1, $0xb8;
	[tilespmem:$0x19400] =	vst v63  }
0x217: {  	v6 =	vld [tilespmem:$0x8F0];
	_ =	sdelay $0x4  }
0x218: {  	v7 =	vshrl.u32 v6, $0x3  }
0x219: {  	v7 =	vmul.u32 $0x18, v7  }
0x21a: {  	v6 =	vand.u32 $0x7, v6  }
0x21b: {  	v6 =	vor.u32 v6, v7  }
0x21c: {  	v7 =	vperm.xlane v6, v3;
	_ =	sdelay $0x1  }
0x21d: {  	v7 =	vadd.s32 v4, v7;
	_ =	sdelay $0x1  }
0x21e: {  	v6 =	vperm.xlane v6, v5;
	_ =	sdelay $0x1  }
0x21f: {  	v6 =	vadd.s32 v4, v6  }
0x220: {  	[tilespmem:s13], [sflag:$0x1] =	stream.indirect_vreg.gather [hbm4b:s3+s2], $0x80, v7, vm0, $0xb8;
	[tilespmem:$0x19400] =	vst v63  }
0x221: {  	_ = 	snop  }
0x222: {  	[tilespmem:s17], [sflag:$0x1] =	stream.indirect_vreg.gather [hbm4b:s8+s2], $0x80, v7, vm1, $0xb8;
	[tilespmem:$0x19400] =	vst v63  }
0x223: {  	_ = 	snop  }
0x224: {  	[tilespmem:s18], [sflag:$0x1] =	stream.indirect_vreg.gather [hbm4b:s3+s2], $0x80, v6, vm0, $0xb8;
	[tilespmem:$0x19400] =	vst v63  }
0x225: {  	_ = 	snop  }
0x226: {  	[tilespmem:s19], [sflag:$0x1] =	stream.indirect_vreg.gather [hbm4b:s8+s2], $0x80, v6, vm1, $0xb8;
	[tilespmem:$0x19400] =	vst v63  }
0x227: {  	_ =	swait.ge [sflag:s20], $0x18000  }
0x228: {  	s23 =	simm.s32 $0x0;
	[sflag:s20] =	ssyncset.done $0x0  }
0x229: {  	s24 =	simm.s32 $0x3000;
	s25 =	simm.s32 $0x0;
	[sflag:s20] =	ssyncadd.s32 $0xFFFE8000  }
.LBB2_2:
0x22a: {  	p0 =	sne.s32 s24, $0x5D000;
	s26 =	sadd.s32 $0x1000, s23;
	s25 =	sadd.s32 s25, s7  }
0x22b: {  	[hbm4b:s25+s14] =	stream.strided.scatter [tilespmem:s26], [sflag:$0x2], $0x400, s22, s14, $0x38;
	[tilespmem:$0x19400] =	vst v63  }
.Ltmp0:
0x22c: {  	s26 =	sadd.s32 $0x1400, s23;
	s28 =	sadd.s32 $0x80, s25;
	(pc) =	sbr.rel @p0 .LBB2_2-.Ltmp0, $4  }
0x22d: {  	[hbm4b:s28+s14] =	stream.strided.scatter [tilespmem:s26], [sflag:$0x2], $0x400, s22, s14, $0x38;
	[tilespmem:$0x19400] =	vst v63  }
0x22e: {  	s23 =	sadd.s32 $0x1800, s23;
	s26 =	sadd.s32 $0x100, s25;
	s25 =	smov.u32 s24  }
0x22f: {  	[hbm4b:s26+s14] =	stream.strided.scatter [tilespmem:s23], [sflag:$0x2], $0x400, s22, s14, $0x38;
	[tilespmem:$0x19400] =	vst v63  }
0x230: {  	s24 =	sadd.s32 $0x3000, s24;
	s23 =	sshra.s32 s25, $0x2  }
0x231: {  	s24 =	sadd.s32 $0x1000, s23;
	s25 =	sadd.s32 s25, s7  }
0x232: {  	[hbm4b:s25+s14] =	stream.strided.scatter [tilespmem:s24], [sflag:$0x2], $0x400, s22, s14, $0x38;
	[tilespmem:$0x19400] =	vst v63  }
0x233: {  	s28 =	sadd.s32 $0x1400, s23;
	s26 =	sadd.s32 $0x80, s25  }
0x234: {  	[hbm4b:s26+s14] =	stream.strided.scatter [tilespmem:s28], [sflag:$0x2], $0x400, s22, s14, $0x38;
	[tilespmem:$0x19400] =	vst v63  }
0x235: {  	s24 =	sadd.s32 $0x1800, s23;
	s25 =	sadd.s32 $0x100, s25  }
0x236: {  	[hbm4b:s25+s14] =	stream.strided.scatter [tilespmem:s24], [sflag:$0x2], $0x400, s22, s14, $0x38;
	[tilespmem:$0x19400] =	vst v63  }
0x237: {  	_ =	swait.ge [sflag:s16], $0x18000  }
0x238: {  	[sflag:s16] =	ssyncset.done $0x0  }
0x239: {  	[sflag:s16] =	ssyncadd.s32 $0xFFFE8000  }
0x23a: {  	v6 =	vld [tilespmem:$0x900];
	_ =	sdelay $0x4  }
0x23b: {  	v7 =	vshrl.u32 v6, $0x3  }
0x23c: {  	v7 =	vmul.u32 $0x18, v7  }
0x23d: {  	v6 =	vand.u32 $0x7, v6  }
0x23e: {  	v6 =	vor.u32 v6, v7  }
0x23f: {  	v7 =	vperm.xlane v6, v3;
	_ =	sdelay $0x1  }
0x240: {  	v7 =	vadd.s32 v4, v7;
	_ =	sdelay $0x1  }
0x241: {  	v6 =	vperm.xlane v6, v5;
	_ =	sdelay $0x1  }
0x242: {  	s23 =	simm.s32 $0x0;
	s26 =	simm.s32 $0x1000;
	v6 =	vadd.s32 v4, v6  }
0x243: {  	[tilespmem:s26], [sflag:$0x1] =	stream.indirect_vreg.gather [hbm4b:s3+s23], $0x80, v7, vm0, $0xb8;
	[tilespmem:$0x19400] =	vst v63  }
0x244: {  	s28 =	simm.s32 $0x1800  }
0x245: {  	[tilespmem:s28], [sflag:$0x1] =	stream.indirect_vreg.gather [hbm4b:s8+s23], $0x80, v7, vm1, $0xb8;
	[tilespmem:$0x19400] =	vst v63  }
0x246: {  	s25 =	simm.s32 $0x1C00  }
0x247: {  	[tilespmem:s25], [sflag:$0x1] =	stream.indirect_vreg.gather [hbm4b:s3+s23], $0x80, v6, vm0, $0xb8;
	[tilespmem:$0x19400] =	vst v63  }
0x248: {  	s26 =	simm.s32 $0x2400  }
0x249: {  	[tilespmem:s26], [sflag:$0x1] =	stream.indirect_vreg.gather [hbm4b:s8+s23], $0x80, v6, vm1, $0xb8;
	[tilespmem:$0x19400] =	vst v63  }
0x24a: {  	v6 =	vld [tilespmem:$0x910];
	_ =	sdelay $0x4  }
0x24b: {  	v7 =	vshrl.u32 v6, $0x3  }
0x24c: {  	v7 =	vmul.u32 $0x18, v7  }
0x24d: {  	v6 =	vand.u32 $0x7, v6  }
0x24e: {  	v6 =	vor.u32 v6, v7  }
0x24f: {  	v7 =	vperm.xlane v6, v3;
	_ =	sdelay $0x1  }
0x250: {  	v7 =	vadd.s32 v4, v7;
	_ =	sdelay $0x1  }
0x251: {  	v6 =	vperm.xlane v6, v5;
	_ =	sdelay $0x1  }
0x252: {  	s28 =	simm.s32 $0x2800;
	v6 =	vadd.s32 v4, v6  }
0x253: {  	[tilespmem:s28], [sflag:$0x1] =	stream.indirect_vreg.gather [hbm4b:s3+s23], $0x80, v7, vm0, $0xb8;
	[tilespmem:$0x19400] =	vst v63  }
0x254: {  	_ = 	snop  }
0x255: {  	[tilespmem:s22], [sflag:$0x1] =	stream.indirect_vreg.gather [hbm4b:s8+s23], $0x80, v7, vm1, $0xb8;
	[tilespmem:$0x19400] =	vst v63  }
0x256: {  	s25 =	simm.s32 $0x3400  }
0x257: {  	[tilespmem:s25], [sflag:$0x1] =	stream.indirect_vreg.gather [hbm4b:s3+s23], $0x80, v6, vm0, $0xb8;
	[tilespmem:$0x19400] =	vst v63  }
0x258: {  	s26 =	simm.s32 $0x3C00  }
0x259: {  	[tilespmem:s26], [sflag:$0x1] =	stream.indirect_vreg.gather [hbm4b:s8+s23], $0x80, v6, vm1, $0xb8;
	[tilespmem:$0x19400] =	vst v63  }
0x25a: {  	v6 =	vld [tilespmem:$0x920];
	_ =	sdelay $0x4  }
0x25b: {  	v7 =	vshrl.u32 v6, $0x3  }
0x25c: {  	v7 =	vmul.u32 $0x18, v7  }
0x25d: {  	v6 =	vand.u32 $0x7, v6  }
0x25e: {  	v6 =	vor.u32 v6, v7  }
0x25f: {  	v7 =	vperm.xlane v6, v3;
	_ =	sdelay $0x1  }
0x260: {  	v7 =	vadd.s32 v4, v7;
	_ =	sdelay $0x1  }
0x261: {  	v6 =	vperm.xlane v6, v5;
	_ =	sdelay $0x1  }
0x262: {  	s28 =	simm.s32 $0x4000;
	v6 =	vadd.s32 v4, v6  }
0x263: {  	[tilespmem:s28], [sflag:$0x1] =	stream.indirect_vreg.gather [hbm4b:s3+s23], $0x80, v7, vm0, $0xb8;
	[tilespmem:$0x19400] =	vst v63  }
0x264: {  	s25 =	simm.s32 $0x4800  }
0x265: {  	[tilespmem:s25], [sflag:$0x1] =	stream.indirect_vreg.gather [hbm4b:s8+s23], $0x80, v7, vm1, $0xb8;
	[tilespmem:$0x19400] =	vst v63  }
0x266: {  	s26 =	simm.s32 $0x4C00  }
0x267: {  	[tilespmem:s26], [sflag:$0x1] =	stream.indirect_vreg.gather [hbm4b:s3+s23], $0x80, v6, vm0, $0xb8;
	[tilespmem:$0x19400] =	vst v63  }
0x268: {  	s28 =	simm.s32 $0x5400  }
0x269: {  	[tilespmem:s28], [sflag:$0x1] =	stream.indirect_vreg.gather [hbm4b:s8+s23], $0x80, v6, vm1, $0xb8;
	[tilespmem:$0x19400] =	vst v63  }
0x26a: {  	v6 =	vld [tilespmem:$0x930];
	_ =	sdelay $0x4  }
0x26b: {  	v7 =	vshrl.u32 v6, $0x3  }
0x26c: {  	v7 =	vmul.u32 $0x18, v7  }
0x26d: {  	v6 =	vand.u32 $0x7, v6  }
0x26e: {  	v6 =	vor.u32 v6, v7  }
0x26f: {  	v7 =	vperm.xlane v6, v3;
	_ =	sdelay $0x1  }
0x270: {  	v7 =	vadd.s32 v4, v7;
	_ =	sdelay $0x1  }
0x271: {  	v6 =	vperm.xlane v6, v5;
	_ =	sdelay $0x1  }
0x272: {  	s25 =	simm.s32 $0x5800;
	v6 =	vadd.s32 v4, v6  }
0x273: {  	[tilespmem:s25], [sflag:$0x1] =	stream.indirect_vreg.gather [hbm4b:s3+s23], $0x80, v7, vm0, $0xb8;
	[tilespmem:$0x19400] =	vst v63  }
0x274: {  	s26 =	simm.s32 $0x6000  }
0x275: {  	[tilespmem:s26], [sflag:$0x1] =	stream.indirect_vreg.gather [hbm4b:s8+s23], $0x80, v7, vm1, $0xb8;
	[tilespmem:$0x19400] =	vst v63  }
0x276: {  	s28 =	simm.s32 $0x6400  }
0x277: {  	[tilespmem:s28], [sflag:$0x1] =	stream.indirect_vreg.gather [hbm4b:s3+s23], $0x80, v6, vm0, $0xb8;
	[tilespmem:$0x19400] =	vst v63  }
0x278: {  	s25 =	simm.s32 $0x6C00  }
0x279: {  	[tilespmem:s25], [sflag:$0x1] =	stream.indirect_vreg.gather [hbm4b:s8+s23], $0x80, v6, vm1, $0xb8;
	[tilespmem:$0x19400] =	vst v63  }
0x27a: {  	v6 =	vld [tilespmem:$0x940];
	_ =	sdelay $0x4  }
0x27b: {  	v7 =	vshrl.u32 v6, $0x3  }
0x27c: {  	v7 =	vmul.u32 $0x18, v7  }
0x27d: {  	v6 =	vand.u32 $0x7, v6  }
0x27e: {  	v6 =	vor.u32 v6, v7  }
0x27f: {  	v7 =	vperm.xlane v6, v3;
	_ =	sdelay $0x1  }
0x280: {  	v7 =	vadd.s32 v4, v7;
	_ =	sdelay $0x1  }
0x281: {  	v6 =	vperm.xlane v6, v5;
	_ =	sdelay $0x1  }
0x282: {  	s26 =	simm.s32 $0x7000;
	v6 =	vadd.s32 v4, v6  }
0x283: {  	[tilespmem:s26], [sflag:$0x1] =	stream.indirect_vreg.gather [hbm4b:s3+s23], $0x80, v7, vm0, $0xb8;
	[tilespmem:$0x19400] =	vst v63  }
0x284: {  	s28 =	simm.s32 $0x7800  }
0x285: {  	[tilespmem:s28], [sflag:$0x1] =	stream.indirect_vreg.gather [hbm4b:s8+s23], $0x80, v7, vm1, $0xb8;
	[tilespmem:$0x19400] =	vst v63  }
0x286: {  	s25 =	simm.s32 $0x7C00  }
0x287: {  	[tilespmem:s25], [sflag:$0x1] =	stream.indirect_vreg.gather [hbm4b:s3+s23], $0x80, v6, vm0, $0xb8;
	[tilespmem:$0x19400] =	vst v63  }
0x288: {  	s26 =	simm.s32 $0x8400  }
0x289: {  	[tilespmem:s26], [sflag:$0x1] =	stream.indirect_vreg.gather [hbm4b:s8+s23], $0x80, v6, vm1, $0xb8;
	[tilespmem:$0x19400] =	vst v63  }
0x28a: {  	v6 =	vld [tilespmem:$0x950];
	_ =	sdelay $0x4  }
0x28b: {  	v7 =	vshrl.u32 v6, $0x3  }
0x28c: {  	v7 =	vmul.u32 $0x18, v7  }
0x28d: {  	v6 =	vand.u32 $0x7, v6  }
0x28e: {  	v6 =	vor.u32 v6, v7  }
0x28f: {  	v7 =	vperm.xlane v6, v3;
	_ =	sdelay $0x1  }
0x290: {  	v7 =	vadd.s32 v4, v7;
	_ =	sdelay $0x1  }
0x291: {  	v6 =	vperm.xlane v6, v5;
	_ =	sdelay $0x1  }
0x292: {  	s28 =	simm.s32 $0x8800;
	v6 =	vadd.s32 v4, v6  }
0x293: {  	[tilespmem:s28], [sflag:$0x1] =	stream.indirect_vreg.gather [hbm4b:s3+s23], $0x80, v7, vm0, $0xb8;
	[tilespmem:$0x19400] =	vst v63  }
0x294: {  	s25 =	simm.s32 $0x9000  }
0x295: {  	[tilespmem:s25], [sflag:$0x1] =	stream.indirect_vreg.gather [hbm4b:s8+s23], $0x80, v7, vm1, $0xb8;
	[tilespmem:$0x19400] =	vst v63  }
0x296: {  	s26 =	simm.s32 $0x9400  }
0x297: {  	[tilespmem:s26], [sflag:$0x1] =	stream.indirect_vreg.gather [hbm4b:s3+s23], $0x80, v6, vm0, $0xb8;
	[tilespmem:$0x19400] =	vst v63  }
0x298: {  	s28 =	simm.s32 $0x9C00  }
0x299: {  	[tilespmem:s28], [sflag:$0x1] =	stream.indirect_vreg.gather [hbm4b:s8+s23], $0x80, v6, vm1, $0xb8;
	[tilespmem:$0x19400] =	vst v63  }
0x29a: {  	v6 =	vld [tilespmem:$0x960];
	_ =	sdelay $0x4  }
0x29b: {  	v7 =	vshrl.u32 v6, $0x3  }
0x29c: {  	v7 =	vmul.u32 $0x18, v7  }
0x29d: {  	v6 =	vand.u32 $0x7, v6  }
0x29e: {  	v6 =	vor.u32 v6, v7  }
0x29f: {  	v7 =	vperm.xlane v6, v3;
	_ =	sdelay $0x1  }
0x2a0: {  	v7 =	vadd.s32 v4, v7;
	_ =	sdelay $0x1  }
0x2a1: {  	v6 =	vperm.xlane v6, v5;
	_ =	sdelay $0x1  }
0x2a2: {  	s25 =	simm.s32 $0xA000;
	v6 =	vadd.s32 v4, v6  }
0x2a3: {  	[tilespmem:s25], [sflag:$0x1] =	stream.indirect_vreg.gather [hbm4b:s3+s23], $0x80, v7, vm0, $0xb8;
	[tilespmem:$0x19400] =	vst v63  }
0x2a4: {  	s26 =	simm.s32 $0xA800  }
0x2a5: {  	[tilespmem:s26], [sflag:$0x1] =	stream.indirect_vreg.gather [hbm4b:s8+s23], $0x80, v7, vm1, $0xb8;
	[tilespmem:$0x19400] =	vst v63  }
0x2a6: {  	s28 =	simm.s32 $0xAC00  }
0x2a7: {  	[tilespmem:s28], [sflag:$0x1] =	stream.indirect_vreg.gather [hbm4b:s3+s23], $0x80, v6, vm0, $0xb8;
	[tilespmem:$0x19400] =	vst v63  }
0x2a8: {  	s25 =	simm.s32 $0xB400  }
0x2a9: {  	[tilespmem:s25], [sflag:$0x1] =	stream.indirect_vreg.gather [hbm4b:s8+s23], $0x80, v6, vm1, $0xb8;
	[tilespmem:$0x19400] =	vst v63  }
0x2aa: {  	v6 =	vld [tilespmem:$0x970];
	_ =	sdelay $0x4  }
0x2ab: {  	v7 =	vshrl.u32 v6, $0x3  }
0x2ac: {  	v7 =	vmul.u32 $0x18, v7  }
0x2ad: {  	v6 =	vand.u32 $0x7, v6  }
0x2ae: {  	v6 =	vor.u32 v6, v7  }
0x2af: {  	v7 =	vperm.xlane v6, v3;
	_ =	sdelay $0x1  }
0x2b0: {  	v7 =	vadd.s32 v4, v7;
	_ =	sdelay $0x1  }
0x2b1: {  	v6 =	vperm.xlane v6, v5;
	_ =	sdelay $0x1  }
0x2b2: {  	s26 =	simm.s32 $0xB800;
	v6 =	vadd.s32 v4, v6  }
0x2b3: {  	[tilespmem:s26], [sflag:$0x1] =	stream.indirect_vreg.gather [hbm4b:s3+s23], $0x80, v7, vm0, $0xb8;
	[tilespmem:$0x19400] =	vst v63  }
0x2b4: {  	s28 =	simm.s32 $0xC000  }
0x2b5: {  	[tilespmem:s28], [sflag:$0x1] =	stream.indirect_vreg.gather [hbm4b:s8+s23], $0x80, v7, vm1, $0xb8;
	[tilespmem:$0x19400] =	vst v63  }
0x2b6: {  	s25 =	simm.s32 $0xC400  }
0x2b7: {  	[tilespmem:s25], [sflag:$0x1] =	stream.indirect_vreg.gather [hbm4b:s3+s23], $0x80, v6, vm0, $0xb8;
	[tilespmem:$0x19400] =	vst v63  }
0x2b8: {  	s26 =	simm.s32 $0xCC00  }
0x2b9: {  	[tilespmem:s26], [sflag:$0x1] =	stream.indirect_vreg.gather [hbm4b:s8+s23], $0x80, v6, vm1, $0xb8;
	[tilespmem:$0x19400] =	vst v63  }
0x2ba: {  	v6 =	vld [tilespmem:$0x980];
	_ =	sdelay $0x4  }
0x2bb: {  	v7 =	vshrl.u32 v6, $0x3  }
0x2bc: {  	v7 =	vmul.u32 $0x18, v7  }
0x2bd: {  	v6 =	vand.u32 $0x7, v6  }
0x2be: {  	v6 =	vor.u32 v6, v7  }
0x2bf: {  	v7 =	vperm.xlane v6, v3;
	_ =	sdelay $0x1  }
0x2c0: {  	v7 =	vadd.s32 v4, v7;
	_ =	sdelay $0x1  }
0x2c1: {  	v6 =	vperm.xlane v6, v5;
	_ =	sdelay $0x1  }
0x2c2: {  	s28 =	simm.s32 $0xD000;
	v6 =	vadd.s32 v4, v6  }
0x2c3: {  	[tilespmem:s28], [sflag:$0x1] =	stream.indirect_vreg.gather [hbm4b:s3+s23], $0x80, v7, vm0, $0xb8;
	[tilespmem:$0x19400] =	vst v63  }
0x2c4: {  	s25 =	simm.s32 $0xD800  }
0x2c5: {  	[tilespmem:s25], [sflag:$0x1] =	stream.indirect_vreg.gather [hbm4b:s8+s23], $0x80, v7, vm1, $0xb8;
	[tilespmem:$0x19400] =	vst v63  }
0x2c6: {  	s26 =	simm.s32 $0xDC00  }
0x2c7: {  	[tilespmem:s26], [sflag:$0x1] =	stream.indirect_vreg.gather [hbm4b:s3+s23], $0x80, v6, vm0, $0xb8;
	[tilespmem:$0x19400] =	vst v63  }
0x2c8: {  	s28 =	simm.s32 $0xE400  }
0x2c9: {  	[tilespmem:s28], [sflag:$0x1] =	stream.indirect_vreg.gather [hbm4b:s8+s23], $0x80, v6, vm1, $0xb8;
	[tilespmem:$0x19400] =	vst v63  }
0x2ca: {  	v6 =	vld [tilespmem:$0x990];
	_ =	sdelay $0x4  }
0x2cb: {  	v7 =	vshrl.u32 v6, $0x3  }
0x2cc: {  	v7 =	vmul.u32 $0x18, v7  }
0x2cd: {  	v6 =	vand.u32 $0x7, v6  }
0x2ce: {  	v6 =	vor.u32 v6, v7  }
0x2cf: {  	v7 =	vperm.xlane v6, v3;
	_ =	sdelay $0x1  }
0x2d0: {  	v7 =	vadd.s32 v4, v7;
	_ =	sdelay $0x1  }
0x2d1: {  	v6 =	vperm.xlane v6, v5;
	_ =	sdelay $0x1  }
0x2d2: {  	s25 =	simm.s32 $0xE800;
	v6 =	vadd.s32 v4, v6  }
0x2d3: {  	[tilespmem:s25], [sflag:$0x1] =	stream.indirect_vreg.gather [hbm4b:s3+s23], $0x80, v7, vm0, $0xb8;
	[tilespmem:$0x19400] =	vst v63  }
0x2d4: {  	s26 =	simm.s32 $0xF000  }
0x2d5: {  	[tilespmem:s26], [sflag:$0x1] =	stream.indirect_vreg.gather [hbm4b:s8+s23], $0x80, v7, vm1, $0xb8;
	[tilespmem:$0x19400] =	vst v63  }
0x2d6: {  	s28 =	simm.s32 $0xF400  }
0x2d7: {  	[tilespmem:s28], [sflag:$0x1] =	stream.indirect_vreg.gather [hbm4b:s3+s23], $0x80, v6, vm0, $0xb8;
	[tilespmem:$0x19400] =	vst v63  }
0x2d8: {  	s25 =	simm.s32 $0xFC00  }
0x2d9: {  	[tilespmem:s25], [sflag:$0x1] =	stream.indirect_vreg.gather [hbm4b:s8+s23], $0x80, v6, vm1, $0xb8;
	[tilespmem:$0x19400] =	vst v63  }
0x2da: {  	v6 =	vld [tilespmem:$0x9A0];
	_ =	sdelay $0x4  }
0x2db: {  	v7 =	vshrl.u32 v6, $0x3  }
0x2dc: {  	v7 =	vmul.u32 $0x18, v7  }
0x2dd: {  	v6 =	vand.u32 $0x7, v6  }
0x2de: {  	v6 =	vor.u32 v6, v7  }
0x2df: {  	v7 =	vperm.xlane v6, v3;
	_ =	sdelay $0x1  }
0x2e0: {  	v7 =	vadd.s32 v4, v7;
	_ =	sdelay $0x1  }
0x2e1: {  	v6 =	vperm.xlane v6, v5;
	_ =	sdelay $0x1  }
0x2e2: {  	s26 =	simm.s32 $0x10000;
	v6 =	vadd.s32 v4, v6  }
0x2e3: {  	[tilespmem:s26], [sflag:$0x1] =	stream.indirect_vreg.gather [hbm4b:s3+s23], $0x80, v7, vm0, $0xb8;
	[tilespmem:$0x19400] =	vst v63  }
0x2e4: {  	s28 =	simm.s32 $0x10800  }
0x2e5: {  	[tilespmem:s28], [sflag:$0x1] =	stream.indirect_vreg.gather [hbm4b:s8+s23], $0x80, v7, vm1, $0xb8;
	[tilespmem:$0x19400] =	vst v63  }
0x2e6: {  	s25 =	simm.s32 $0x10C00  }
0x2e7: {  	[tilespmem:s25], [sflag:$0x1] =	stream.indirect_vreg.gather [hbm4b:s3+s23], $0x80, v6, vm0, $0xb8;
	[tilespmem:$0x19400] =	vst v63  }
0x2e8: {  	s26 =	simm.s32 $0x11400  }
0x2e9: {  	[tilespmem:s26], [sflag:$0x1] =	stream.indirect_vreg.gather [hbm4b:s8+s23], $0x80, v6, vm1, $0xb8;
	[tilespmem:$0x19400] =	vst v63  }
0x2ea: {  	v6 =	vld [tilespmem:$0x9B0];
	_ =	sdelay $0x4  }
0x2eb: {  	v7 =	vshrl.u32 v6, $0x3  }
0x2ec: {  	v7 =	vmul.u32 $0x18, v7  }
0x2ed: {  	v6 =	vand.u32 $0x7, v6  }
0x2ee: {  	v6 =	vor.u32 v6, v7  }
0x2ef: {  	v7 =	vperm.xlane v6, v3;
	_ =	sdelay $0x1  }
0x2f0: {  	v7 =	vadd.s32 v4, v7;
	_ =	sdelay $0x1  }
0x2f1: {  	v6 =	vperm.xlane v6, v5;
	_ =	sdelay $0x1  }
0x2f2: {  	s28 =	simm.s32 $0x11800;
	v6 =	vadd.s32 v4, v6  }
0x2f3: {  	[tilespmem:s28], [sflag:$0x1] =	stream.indirect_vreg.gather [hbm4b:s3+s23], $0x80, v7, vm0, $0xb8;
	[tilespmem:$0x19400] =	vst v63  }
0x2f4: {  	s25 =	simm.s32 $0x12000  }
0x2f5: {  	[tilespmem:s25], [sflag:$0x1] =	stream.indirect_vreg.gather [hbm4b:s8+s23], $0x80, v7, vm1, $0xb8;
	[tilespmem:$0x19400] =	vst v63  }
0x2f6: {  	s26 =	simm.s32 $0x12400  }
0x2f7: {  	[tilespmem:s26], [sflag:$0x1] =	stream.indirect_vreg.gather [hbm4b:s3+s23], $0x80, v6, vm0, $0xb8;
	[tilespmem:$0x19400] =	vst v63  }
0x2f8: {  	s28 =	simm.s32 $0x12C00  }
0x2f9: {  	[tilespmem:s28], [sflag:$0x1] =	stream.indirect_vreg.gather [hbm4b:s8+s23], $0x80, v6, vm1, $0xb8;
	[tilespmem:$0x19400] =	vst v63  }
0x2fa: {  	v6 =	vld [tilespmem:$0x9C0];
	_ =	sdelay $0x4  }
0x2fb: {  	v7 =	vshrl.u32 v6, $0x3  }
0x2fc: {  	v7 =	vmul.u32 $0x18, v7  }
0x2fd: {  	v6 =	vand.u32 $0x7, v6  }
0x2fe: {  	v6 =	vor.u32 v6, v7  }
0x2ff: {  	v7 =	vperm.xlane v6, v3;
	_ =	sdelay $0x1  }
0x300: {  	v7 =	vadd.s32 v4, v7;
	_ =	sdelay $0x1  }
0x301: {  	v6 =	vperm.xlane v6, v5;
	_ =	sdelay $0x1  }
0x302: {  	s25 =	simm.s32 $0x13000;
	v6 =	vadd.s32 v4, v6  }
0x303: {  	[tilespmem:s25], [sflag:$0x1] =	stream.indirect_vreg.gather [hbm4b:s3+s23], $0x80, v7, vm0, $0xb8;
	[tilespmem:$0x19400] =	vst v63  }
0x304: {  	s26 =	simm.s32 $0x13800  }
0x305: {  	[tilespmem:s26], [sflag:$0x1] =	stream.indirect_vreg.gather [hbm4b:s8+s23], $0x80, v7, vm1, $0xb8;
	[tilespmem:$0x19400] =	vst v63  }
0x306: {  	s28 =	simm.s32 $0x13C00  }
0x307: {  	[tilespmem:s28], [sflag:$0x1] =	stream.indirect_vreg.gather [hbm4b:s3+s23], $0x80, v6, vm0, $0xb8;
	[tilespmem:$0x19400] =	vst v63  }
0x308: {  	_ = 	snop  }
0x309: {  	[tilespmem:s29], [sflag:$0x1] =	stream.indirect_vreg.gather [hbm4b:s8+s23], $0x80, v6, vm1, $0xb8;
	[tilespmem:$0x19400] =	vst v63  }
0x30a: {  	v6 =	vld [tilespmem:$0x9D0];
	_ =	sdelay $0x4  }
0x30b: {  	v7 =	vshrl.u32 v6, $0x3  }
0x30c: {  	v7 =	vmul.u32 $0x18, v7  }
0x30d: {  	v6 =	vand.u32 $0x7, v6  }
0x30e: {  	v6 =	vor.u32 v6, v7  }
0x30f: {  	v7 =	vperm.xlane v6, v3;
	_ =	sdelay $0x1  }
0x310: {  	v7 =	vadd.s32 v4, v7;
	_ =	sdelay $0x1  }
0x311: {  	v6 =	vperm.xlane v6, v5;
	_ =	sdelay $0x1  }
0x312: {  	v6 =	vadd.s32 v4, v6  }
0x313: {  	[tilespmem:s30], [sflag:$0x1] =	stream.indirect_vreg.gather [hbm4b:s3+s23], $0x80, v7, vm0, $0xb8;
	[tilespmem:$0x19400] =	vst v63  }
0x314: {  	_ = 	snop  }
0x315: {  	[tilespmem:s31], [sflag:$0x1] =	stream.indirect_vreg.gather [hbm4b:s8+s23], $0x80, v7, vm1, $0xb8;
	[tilespmem:$0x19400] =	vst v63  }
0x316: {  	_ = 	snop  }
0x317: {  	[tilespmem:s0], [sflag:$0x1] =	stream.indirect_vreg.gather [hbm4b:s3+s23], $0x80, v6, vm0, $0xb8;
	[tilespmem:$0x19400] =	vst v63  }
0x318: {  	_ = 	snop  }
0x319: {  	[tilespmem:s1], [sflag:$0x1] =	stream.indirect_vreg.gather [hbm4b:s8+s23], $0x80, v6, vm1, $0xb8;
	[tilespmem:$0x19400] =	vst v63  }
0x31a: {  	v6 =	vld [tilespmem:$0x9E0];
	_ =	sdelay $0x4  }
0x31b: {  	v7 =	vshrl.u32 v6, $0x3  }
0x31c: {  	v7 =	vmul.u32 $0x18, v7  }
0x31d: {  	v6 =	vand.u32 $0x7, v6  }
0x31e: {  	v6 =	vor.u32 v6, v7  }
0x31f: {  	v7 =	vperm.xlane v6, v3;
	_ =	sdelay $0x1  }
0x320: {  	v7 =	vadd.s32 v4, v7;
	_ =	sdelay $0x1  }
0x321: {  	v6 =	vperm.xlane v6, v5;
	_ =	sdelay $0x1  }
0x322: {  	v6 =	vadd.s32 v4, v6  }
0x323: {  	[tilespmem:s4], [sflag:$0x1] =	stream.indirect_vreg.gather [hbm4b:s3+s23], $0x80, v7, vm0, $0xb8;
	[tilespmem:$0x19400] =	vst v63  }
0x324: {  	_ = 	snop  }
0x325: {  	[tilespmem:s5], [sflag:$0x1] =	stream.indirect_vreg.gather [hbm4b:s8+s23], $0x80, v7, vm1, $0xb8;
	[tilespmem:$0x19400] =	vst v63  }
0x326: {  	_ = 	snop  }
0x327: {  	[tilespmem:s6], [sflag:$0x1] =	stream.indirect_vreg.gather [hbm4b:s3+s23], $0x80, v6, vm0, $0xb8;
	[tilespmem:$0x19400] =	vst v63  }
0x328: {  	_ = 	snop  }
0x329: {  	[tilespmem:s12], [sflag:$0x1] =	stream.indirect_vreg.gather [hbm4b:s8+s23], $0x80, v6, vm1, $0xb8;
	[tilespmem:$0x19400] =	vst v63  }
0x32a: {  	v6 =	vld [tilespmem:$0x9F0];
	_ =	sdelay $0x4  }
0x32b: {  	v7 =	vshrl.u32 v6, $0x3  }
0x32c: {  	v7 =	vmul.u32 $0x18, v7  }
0x32d: {  	v6 =	vand.u32 $0x7, v6  }
0x32e: {  	v6 =	vor.u32 v6, v7  }
0x32f: {  	v7 =	vperm.xlane v6, v3;
	_ =	sdelay $0x1  }
0x330: {  	v7 =	vadd.s32 v4, v7;
	_ =	sdelay $0x1  }
0x331: {  	v6 =	vperm.xlane v6, v5;
	_ =	sdelay $0x1  }
0x332: {  	v6 =	vadd.s32 v4, v6  }
0x333: {  	[tilespmem:s13], [sflag:$0x1] =	stream.indirect_vreg.gather [hbm4b:s3+s23], $0x80, v7, vm0, $0xb8;
	[tilespmem:$0x19400] =	vst v63  }
0x334: {  	_ = 	snop  }
0x335: {  	[tilespmem:s17], [sflag:$0x1] =	stream.indirect_vreg.gather [hbm4b:s8+s23], $0x80, v7, vm1, $0xb8;
	[tilespmem:$0x19400] =	vst v63  }
0x336: {  	_ = 	snop  }
0x337: {  	[tilespmem:s18], [sflag:$0x1] =	stream.indirect_vreg.gather [hbm4b:s3+s23], $0x80, v6, vm0, $0xb8;
	[tilespmem:$0x19400] =	vst v63  }
0x338: {  	_ = 	snop  }
0x339: {  	[tilespmem:s19], [sflag:$0x1] =	stream.indirect_vreg.gather [hbm4b:s8+s23], $0x80, v6, vm1, $0xb8;
	[tilespmem:$0x19400] =	vst v63  }
0x33a: {  	_ =	swait.ge [sflag:s20], $0x18000  }
0x33b: {  	[sflag:s20] =	ssyncset.done $0x0  }
0x33c: {  	s24 =	simm.s32 $0x0;
	s25 =	simm.s32 $0x3000;
	[sflag:s20] =	ssyncadd.s32 $0xFFFE8000  }
.LBB2_4:
0x33d: {  	p0 =	sne.s32 s25, $0x5D000;
	s26 =	sadd.s32 $0x1000, s24;
	s23 =	sadd.s32 s23, s9  }
0x33e: {  	[hbm4b:s23+s14] =	stream.strided.scatter [tilespmem:s26], [sflag:$0x2], $0x400, s22, s14, $0x38;
	[tilespmem:$0x19400] =	vst v63  }
.Ltmp1:
0x33f: {  	s26 =	sadd.s32 $0x1400, s24;
	s28 =	sadd.s32 $0x80, s23;
	(pc) =	sbr.rel @p0 .LBB2_4-.Ltmp1, $4  }
0x340: {  	[hbm4b:s28+s14] =	stream.strided.scatter [tilespmem:s26], [sflag:$0x2], $0x400, s22, s14, $0x38;
	[tilespmem:$0x19400] =	vst v63  }
0x341: {  	s24 =	sadd.s32 $0x1800, s24;
	s26 =	sadd.s32 $0x100, s23;
	s23 =	smov.u32 s25  }
0x342: {  	[hbm4b:s26+s14] =	stream.strided.scatter [tilespmem:s24], [sflag:$0x2], $0x400, s22, s14, $0x38;
	[tilespmem:$0x19400] =	vst v63  }
0x343: {  	s25 =	sadd.s32 $0x3000, s25;
	s24 =	sshra.s32 s23, $0x2  }
0x344: {  	s25 =	sadd.s32 $0x1000, s24;
	s23 =	sadd.s32 s23, s9  }
0x345: {  	[hbm4b:s23+s14] =	stream.strided.scatter [tilespmem:s25], [sflag:$0x2], $0x400, s22, s14, $0x38;
	[tilespmem:$0x19400] =	vst v63  }
0x346: {  	s28 =	sadd.s32 $0x1400, s24;
	s26 =	sadd.s32 $0x80, s23  }
0x347: {  	[hbm4b:s26+s14] =	stream.strided.scatter [tilespmem:s28], [sflag:$0x2], $0x400, s22, s14, $0x38;
	[tilespmem:$0x19400] =	vst v63  }
0x348: {  	s25 =	sadd.s32 $0x1800, s24;
	s23 =	sadd.s32 $0x100, s23  }
0x349: {  	[hbm4b:s23+s14] =	stream.strided.scatter [tilespmem:s25], [sflag:$0x2], $0x400, s22, s14, $0x38;
	[tilespmem:$0x19400] =	vst v63  }
0x34a: {  	_ =	swait.ge [sflag:s16], $0x18000  }
0x34b: {  	[sflag:s16] =	ssyncset.done $0x0  }
0x34c: {  	[sflag:s16] =	ssyncadd.s32 $0xFFFE8000  }
0x34d: {  	v6 =	vld [tilespmem:$0xA00];
	_ =	sdelay $0x4  }
0x34e: {  	v7 =	vshrl.u32 v6, $0x3  }
0x34f: {  	v7 =	vmul.u32 $0x18, v7  }
0x350: {  	v6 =	vand.u32 $0x7, v6  }
0x351: {  	v6 =	vor.u32 v6, v7  }
0x352: {  	v7 =	vperm.xlane v6, v3;
	_ =	sdelay $0x1  }
0x353: {  	v7 =	vadd.s32 v4, v7;
	_ =	sdelay $0x1  }
0x354: {  	v6 =	vperm.xlane v6, v5;
	_ =	sdelay $0x1  }
0x355: {  	s26 =	simm.s32 $0x1000;
	s23 =	simm.s32 $0x0;
	v6 =	vadd.s32 v4, v6  }
0x356: {  	[tilespmem:s26], [sflag:$0x1] =	stream.indirect_vreg.gather [hbm4b:s3+s23], $0x80, v7, vm0, $0xb8;
	[tilespmem:$0x19400] =	vst v63  }
0x357: {  	s28 =	simm.s32 $0x1800  }
0x358: {  	[tilespmem:s28], [sflag:$0x1] =	stream.indirect_vreg.gather [hbm4b:s8+s23], $0x80, v7, vm1, $0xb8;
	[tilespmem:$0x19400] =	vst v63  }
0x359: {  	s25 =	simm.s32 $0x1C00  }
0x35a: {  	[tilespmem:s25], [sflag:$0x1] =	stream.indirect_vreg.gather [hbm4b:s3+s23], $0x80, v6, vm0, $0xb8;
	[tilespmem:$0x19400] =	vst v63  }
0x35b: {  	s26 =	simm.s32 $0x2400  }
0x35c: {  	[tilespmem:s26], [sflag:$0x1] =	stream.indirect_vreg.gather [hbm4b:s8+s23], $0x80, v6, vm1, $0xb8;
	[tilespmem:$0x19400] =	vst v63  }
0x35d: {  	v6 =	vld [tilespmem:$0xA10];
	_ =	sdelay $0x4  }
0x35e: {  	v7 =	vshrl.u32 v6, $0x3  }
0x35f: {  	v7 =	vmul.u32 $0x18, v7  }
0x360: {  	v6 =	vand.u32 $0x7, v6  }
0x361: {  	v6 =	vor.u32 v6, v7  }
0x362: {  	v7 =	vperm.xlane v6, v3;
	_ =	sdelay $0x1  }
0x363: {  	v7 =	vadd.s32 v4, v7;
	_ =	sdelay $0x1  }
0x364: {  	v6 =	vperm.xlane v6, v5;
	_ =	sdelay $0x1  }
0x365: {  	s28 =	simm.s32 $0x2800;
	v6 =	vadd.s32 v4, v6  }
0x366: {  	[tilespmem:s28], [sflag:$0x1] =	stream.indirect_vreg.gather [hbm4b:s3+s23], $0x80, v7, vm0, $0xb8;
	[tilespmem:$0x19400] =	vst v63  }
0x367: {  	_ = 	snop  }
0x368: {  	[tilespmem:s22], [sflag:$0x1] =	stream.indirect_vreg.gather [hbm4b:s8+s23], $0x80, v7, vm1, $0xb8;
	[tilespmem:$0x19400] =	vst v63  }
0x369: {  	s25 =	simm.s32 $0x3400  }
0x36a: {  	[tilespmem:s25], [sflag:$0x1] =	stream.indirect_vreg.gather [hbm4b:s3+s23], $0x80, v6, vm0, $0xb8;
	[tilespmem:$0x19400] =	vst v63  }
0x36b: {  	s26 =	simm.s32 $0x3C00  }
0x36c: {  	[tilespmem:s26], [sflag:$0x1] =	stream.indirect_vreg.gather [hbm4b:s8+s23], $0x80, v6, vm1, $0xb8;
	[tilespmem:$0x19400] =	vst v63  }
0x36d: {  	v6 =	vld [tilespmem:$0xA20];
	_ =	sdelay $0x4  }
0x36e: {  	v7 =	vshrl.u32 v6, $0x3  }
0x36f: {  	v7 =	vmul.u32 $0x18, v7  }
0x370: {  	v6 =	vand.u32 $0x7, v6  }
0x371: {  	v6 =	vor.u32 v6, v7  }
0x372: {  	v7 =	vperm.xlane v6, v3;
	_ =	sdelay $0x1  }
0x373: {  	v7 =	vadd.s32 v4, v7;
	_ =	sdelay $0x1  }
0x374: {  	v6 =	vperm.xlane v6, v5;
	_ =	sdelay $0x1  }
0x375: {  	s28 =	simm.s32 $0x4000;
	v6 =	vadd.s32 v4, v6  }
0x376: {  	[tilespmem:s28], [sflag:$0x1] =	stream.indirect_vreg.gather [hbm4b:s3+s23], $0x80, v7, vm0, $0xb8;
	[tilespmem:$0x19400] =	vst v63  }
0x377: {  	s25 =	simm.s32 $0x4800  }
0x378: {  	[tilespmem:s25], [sflag:$0x1] =	stream.indirect_vreg.gather [hbm4b:s8+s23], $0x80, v7, vm1, $0xb8;
	[tilespmem:$0x19400] =	vst v63  }
0x379: {  	s26 =	simm.s32 $0x4C00  }
0x37a: {  	[tilespmem:s26], [sflag:$0x1] =	stream.indirect_vreg.gather [hbm4b:s3+s23], $0x80, v6, vm0, $0xb8;
	[tilespmem:$0x19400] =	vst v63  }
0x37b: {  	s28 =	simm.s32 $0x5400  }
0x37c: {  	[tilespmem:s28], [sflag:$0x1] =	stream.indirect_vreg.gather [hbm4b:s8+s23], $0x80, v6, vm1, $0xb8;
	[tilespmem:$0x19400] =	vst v63  }
0x37d: {  	v6 =	vld [tilespmem:$0xA30];
	_ =	sdelay $0x4  }
0x37e: {  	v7 =	vshrl.u32 v6, $0x3  }
0x37f: {  	v7 =	vmul.u32 $0x18, v7  }
0x380: {  	v6 =	vand.u32 $0x7, v6  }
0x381: {  	v6 =	vor.u32 v6, v7  }
0x382: {  	v7 =	vperm.xlane v6, v3;
	_ =	sdelay $0x1  }
0x383: {  	v7 =	vadd.s32 v4, v7;
	_ =	sdelay $0x1  }
0x384: {  	v6 =	vperm.xlane v6, v5;
	_ =	sdelay $0x1  }
0x385: {  	s25 =	simm.s32 $0x5800;
	v6 =	vadd.s32 v4, v6  }
0x386: {  	[tilespmem:s25], [sflag:$0x1] =	stream.indirect_vreg.gather [hbm4b:s3+s23], $0x80, v7, vm0, $0xb8;
	[tilespmem:$0x19400] =	vst v63  }
0x387: {  	s26 =	simm.s32 $0x6000  }
0x388: {  	[tilespmem:s26], [sflag:$0x1] =	stream.indirect_vreg.gather [hbm4b:s8+s23], $0x80, v7, vm1, $0xb8;
	[tilespmem:$0x19400] =	vst v63  }
0x389: {  	s28 =	simm.s32 $0x6400  }
0x38a: {  	[tilespmem:s28], [sflag:$0x1] =	stream.indirect_vreg.gather [hbm4b:s3+s23], $0x80, v6, vm0, $0xb8;
	[tilespmem:$0x19400] =	vst v63  }
0x38b: {  	s25 =	simm.s32 $0x6C00  }
0x38c: {  	[tilespmem:s25], [sflag:$0x1] =	stream.indirect_vreg.gather [hbm4b:s8+s23], $0x80, v6, vm1, $0xb8;
	[tilespmem:$0x19400] =	vst v63  }
0x38d: {  	v6 =	vld [tilespmem:$0xA40];
	_ =	sdelay $0x4  }
0x38e: {  	v7 =	vshrl.u32 v6, $0x3  }
0x38f: {  	v7 =	vmul.u32 $0x18, v7  }
0x390: {  	v6 =	vand.u32 $0x7, v6  }
0x391: {  	v6 =	vor.u32 v6, v7  }
0x392: {  	v7 =	vperm.xlane v6, v3;
	_ =	sdelay $0x1  }
0x393: {  	v7 =	vadd.s32 v4, v7;
	_ =	sdelay $0x1  }
0x394: {  	v6 =	vperm.xlane v6, v5;
	_ =	sdelay $0x1  }
0x395: {  	s26 =	simm.s32 $0x7000;
	v6 =	vadd.s32 v4, v6  }
0x396: {  	[tilespmem:s26], [sflag:$0x1] =	stream.indirect_vreg.gather [hbm4b:s3+s23], $0x80, v7, vm0, $0xb8;
	[tilespmem:$0x19400] =	vst v63  }
0x397: {  	s28 =	simm.s32 $0x7800  }
0x398: {  	[tilespmem:s28], [sflag:$0x1] =	stream.indirect_vreg.gather [hbm4b:s8+s23], $0x80, v7, vm1, $0xb8;
	[tilespmem:$0x19400] =	vst v63  }
0x399: {  	s25 =	simm.s32 $0x7C00  }
0x39a: {  	[tilespmem:s25], [sflag:$0x1] =	stream.indirect_vreg.gather [hbm4b:s3+s23], $0x80, v6, vm0, $0xb8;
	[tilespmem:$0x19400] =	vst v63  }
0x39b: {  	s26 =	simm.s32 $0x8400  }
0x39c: {  	[tilespmem:s26], [sflag:$0x1] =	stream.indirect_vreg.gather [hbm4b:s8+s23], $0x80, v6, vm1, $0xb8;
	[tilespmem:$0x19400] =	vst v63  }
0x39d: {  	v6 =	vld [tilespmem:$0xA50];
	_ =	sdelay $0x4  }
0x39e: {  	v7 =	vshrl.u32 v6, $0x3  }
0x39f: {  	v7 =	vmul.u32 $0x18, v7  }
0x3a0: {  	v6 =	vand.u32 $0x7, v6  }
0x3a1: {  	v6 =	vor.u32 v6, v7  }
0x3a2: {  	v7 =	vperm.xlane v6, v3;
	_ =	sdelay $0x1  }
0x3a3: {  	v7 =	vadd.s32 v4, v7;
	_ =	sdelay $0x1  }
0x3a4: {  	v6 =	vperm.xlane v6, v5;
	_ =	sdelay $0x1  }
0x3a5: {  	s28 =	simm.s32 $0x8800;
	v6 =	vadd.s32 v4, v6  }
0x3a6: {  	[tilespmem:s28], [sflag:$0x1] =	stream.indirect_vreg.gather [hbm4b:s3+s23], $0x80, v7, vm0, $0xb8;
	[tilespmem:$0x19400] =	vst v63  }
0x3a7: {  	s25 =	simm.s32 $0x9000  }
0x3a8: {  	[tilespmem:s25], [sflag:$0x1] =	stream.indirect_vreg.gather [hbm4b:s8+s23], $0x80, v7, vm1, $0xb8;
	[tilespmem:$0x19400] =	vst v63  }
0x3a9: {  	s26 =	simm.s32 $0x9400  }
0x3aa: {  	[tilespmem:s26], [sflag:$0x1] =	stream.indirect_vreg.gather [hbm4b:s3+s23], $0x80, v6, vm0, $0xb8;
	[tilespmem:$0x19400] =	vst v63  }
0x3ab: {  	s28 =	simm.s32 $0x9C00  }
0x3ac: {  	[tilespmem:s28], [sflag:$0x1] =	stream.indirect_vreg.gather [hbm4b:s8+s23], $0x80, v6, vm1, $0xb8;
	[tilespmem:$0x19400] =	vst v63  }
0x3ad: {  	v6 =	vld [tilespmem:$0xA60];
	_ =	sdelay $0x4  }
0x3ae: {  	v7 =	vshrl.u32 v6, $0x3  }
0x3af: {  	v7 =	vmul.u32 $0x18, v7  }
0x3b0: {  	v6 =	vand.u32 $0x7, v6  }
0x3b1: {  	v6 =	vor.u32 v6, v7  }
0x3b2: {  	v7 =	vperm.xlane v6, v3;
	_ =	sdelay $0x1  }
0x3b3: {  	v7 =	vadd.s32 v4, v7;
	_ =	sdelay $0x1  }
0x3b4: {  	v6 =	vperm.xlane v6, v5;
	_ =	sdelay $0x1  }
0x3b5: {  	s25 =	simm.s32 $0xA000;
	v6 =	vadd.s32 v4, v6  }
0x3b6: {  	[tilespmem:s25], [sflag:$0x1] =	stream.indirect_vreg.gather [hbm4b:s3+s23], $0x80, v7, vm0, $0xb8;
	[tilespmem:$0x19400] =	vst v63  }
0x3b7: {  	s26 =	simm.s32 $0xA800  }
0x3b8: {  	[tilespmem:s26], [sflag:$0x1] =	stream.indirect_vreg.gather [hbm4b:s8+s23], $0x80, v7, vm1, $0xb8;
	[tilespmem:$0x19400] =	vst v63  }
0x3b9: {  	s28 =	simm.s32 $0xAC00  }
0x3ba: {  	[tilespmem:s28], [sflag:$0x1] =	stream.indirect_vreg.gather [hbm4b:s3+s23], $0x80, v6, vm0, $0xb8;
	[tilespmem:$0x19400] =	vst v63  }
0x3bb: {  	s25 =	simm.s32 $0xB400  }
0x3bc: {  	[tilespmem:s25], [sflag:$0x1] =	stream.indirect_vreg.gather [hbm4b:s8+s23], $0x80, v6, vm1, $0xb8;
	[tilespmem:$0x19400] =	vst v63  }
0x3bd: {  	v6 =	vld [tilespmem:$0xA70];
	_ =	sdelay $0x4  }
0x3be: {  	v7 =	vshrl.u32 v6, $0x3  }
0x3bf: {  	v7 =	vmul.u32 $0x18, v7  }
0x3c0: {  	v6 =	vand.u32 $0x7, v6  }
0x3c1: {  	v6 =	vor.u32 v6, v7  }
0x3c2: {  	v7 =	vperm.xlane v6, v3;
	_ =	sdelay $0x1  }
0x3c3: {  	v7 =	vadd.s32 v4, v7;
	_ =	sdelay $0x1  }
0x3c4: {  	v6 =	vperm.xlane v6, v5;
	_ =	sdelay $0x1  }
0x3c5: {  	s26 =	simm.s32 $0xB800;
	v6 =	vadd.s32 v4, v6  }
0x3c6: {  	[tilespmem:s26], [sflag:$0x1] =	stream.indirect_vreg.gather [hbm4b:s3+s23], $0x80, v7, vm0, $0xb8;
	[tilespmem:$0x19400] =	vst v63  }
0x3c7: {  	s28 =	simm.s32 $0xC000  }
0x3c8: {  	[tilespmem:s28], [sflag:$0x1] =	stream.indirect_vreg.gather [hbm4b:s8+s23], $0x80, v7, vm1, $0xb8;
	[tilespmem:$0x19400] =	vst v63  }
0x3c9: {  	s25 =	simm.s32 $0xC400  }
0x3ca: {  	[tilespmem:s25], [sflag:$0x1] =	stream.indirect_vreg.gather [hbm4b:s3+s23], $0x80, v6, vm0, $0xb8;
	[tilespmem:$0x19400] =	vst v63  }
0x3cb: {  	s26 =	simm.s32 $0xCC00  }
0x3cc: {  	[tilespmem:s26], [sflag:$0x1] =	stream.indirect_vreg.gather [hbm4b:s8+s23], $0x80, v6, vm1, $0xb8;
	[tilespmem:$0x19400] =	vst v63  }
0x3cd: {  	v6 =	vld [tilespmem:$0xA80];
	_ =	sdelay $0x4  }
0x3ce: {  	v7 =	vshrl.u32 v6, $0x3  }
0x3cf: {  	v7 =	vmul.u32 $0x18, v7  }
0x3d0: {  	v6 =	vand.u32 $0x7, v6  }
0x3d1: {  	v6 =	vor.u32 v6, v7  }
0x3d2: {  	v7 =	vperm.xlane v6, v3;
	_ =	sdelay $0x1  }
0x3d3: {  	v7 =	vadd.s32 v4, v7;
	_ =	sdelay $0x1  }
0x3d4: {  	v6 =	vperm.xlane v6, v5;
	_ =	sdelay $0x1  }
0x3d5: {  	s28 =	simm.s32 $0xD000;
	v6 =	vadd.s32 v4, v6  }
0x3d6: {  	[tilespmem:s28], [sflag:$0x1] =	stream.indirect_vreg.gather [hbm4b:s3+s23], $0x80, v7, vm0, $0xb8;
	[tilespmem:$0x19400] =	vst v63  }
0x3d7: {  	s25 =	simm.s32 $0xD800  }
0x3d8: {  	[tilespmem:s25], [sflag:$0x1] =	stream.indirect_vreg.gather [hbm4b:s8+s23], $0x80, v7, vm1, $0xb8;
	[tilespmem:$0x19400] =	vst v63  }
0x3d9: {  	s26 =	simm.s32 $0xDC00  }
0x3da: {  	[tilespmem:s26], [sflag:$0x1] =	stream.indirect_vreg.gather [hbm4b:s3+s23], $0x80, v6, vm0, $0xb8;
	[tilespmem:$0x19400] =	vst v63  }
0x3db: {  	s28 =	simm.s32 $0xE400  }
0x3dc: {  	[tilespmem:s28], [sflag:$0x1] =	stream.indirect_vreg.gather [hbm4b:s8+s23], $0x80, v6, vm1, $0xb8;
	[tilespmem:$0x19400] =	vst v63  }
0x3dd: {  	v6 =	vld [tilespmem:$0xA90];
	_ =	sdelay $0x4  }
0x3de: {  	v7 =	vshrl.u32 v6, $0x3  }
0x3df: {  	v7 =	vmul.u32 $0x18, v7  }
0x3e0: {  	v6 =	vand.u32 $0x7, v6  }
0x3e1: {  	v6 =	vor.u32 v6, v7  }
0x3e2: {  	v7 =	vperm.xlane v6, v3;
	_ =	sdelay $0x1  }
0x3e3: {  	v7 =	vadd.s32 v4, v7;
	_ =	sdelay $0x1  }
0x3e4: {  	v6 =	vperm.xlane v6, v5;
	_ =	sdelay $0x1  }
0x3e5: {  	s25 =	simm.s32 $0xE800;
	v6 =	vadd.s32 v4, v6  }
0x3e6: {  	[tilespmem:s25], [sflag:$0x1] =	stream.indirect_vreg.gather [hbm4b:s3+s23], $0x80, v7, vm0, $0xb8;
	[tilespmem:$0x19400] =	vst v63  }
0x3e7: {  	s26 =	simm.s32 $0xF000  }
0x3e8: {  	[tilespmem:s26], [sflag:$0x1] =	stream.indirect_vreg.gather [hbm4b:s8+s23], $0x80, v7, vm1, $0xb8;
	[tilespmem:$0x19400] =	vst v63  }
0x3e9: {  	s28 =	simm.s32 $0xF400  }
0x3ea: {  	[tilespmem:s28], [sflag:$0x1] =	stream.indirect_vreg.gather [hbm4b:s3+s23], $0x80, v6, vm0, $0xb8;
	[tilespmem:$0x19400] =	vst v63  }
0x3eb: {  	s25 =	simm.s32 $0xFC00  }
0x3ec: {  	[tilespmem:s25], [sflag:$0x1] =	stream.indirect_vreg.gather [hbm4b:s8+s23], $0x80, v6, vm1, $0xb8;
	[tilespmem:$0x19400] =	vst v63  }
0x3ed: {  	v6 =	vld [tilespmem:$0xAA0];
	_ =	sdelay $0x4  }
0x3ee: {  	v7 =	vshrl.u32 v6, $0x3  }
0x3ef: {  	v7 =	vmul.u32 $0x18, v7  }
0x3f0: {  	v6 =	vand.u32 $0x7, v6  }
0x3f1: {  	v6 =	vor.u32 v6, v7  }
0x3f2: {  	v7 =	vperm.xlane v6, v3;
	_ =	sdelay $0x1  }
0x3f3: {  	v7 =	vadd.s32 v4, v7;
	_ =	sdelay $0x1  }
0x3f4: {  	v6 =	vperm.xlane v6, v5;
	_ =	sdelay $0x1  }
0x3f5: {  	s26 =	simm.s32 $0x10000;
	v6 =	vadd.s32 v4, v6  }
0x3f6: {  	[tilespmem:s26], [sflag:$0x1] =	stream.indirect_vreg.gather [hbm4b:s3+s23], $0x80, v7, vm0, $0xb8;
	[tilespmem:$0x19400] =	vst v63  }
0x3f7: {  	s28 =	simm.s32 $0x10800  }
0x3f8: {  	[tilespmem:s28], [sflag:$0x1] =	stream.indirect_vreg.gather [hbm4b:s8+s23], $0x80, v7, vm1, $0xb8;
	[tilespmem:$0x19400] =	vst v63  }
0x3f9: {  	s25 =	simm.s32 $0x10C00  }
0x3fa: {  	[tilespmem:s25], [sflag:$0x1] =	stream.indirect_vreg.gather [hbm4b:s3+s23], $0x80, v6, vm0, $0xb8;
	[tilespmem:$0x19400] =	vst v63  }
0x3fb: {  	s26 =	simm.s32 $0x11400  }
0x3fc: {  	[tilespmem:s26], [sflag:$0x1] =	stream.indirect_vreg.gather [hbm4b:s8+s23], $0x80, v6, vm1, $0xb8;
	[tilespmem:$0x19400] =	vst v63  }
0x3fd: {  	v6 =	vld [tilespmem:$0xAB0];
	_ =	sdelay $0x4  }
0x3fe: {  	v7 =	vshrl.u32 v6, $0x3  }
0x3ff: {  	v7 =	vmul.u32 $0x18, v7  }
0x400: {  	v6 =	vand.u32 $0x7, v6  }
0x401: {  	v6 =	vor.u32 v6, v7  }
0x402: {  	v7 =	vperm.xlane v6, v3;
	_ =	sdelay $0x1  }
0x403: {  	v7 =	vadd.s32 v4, v7;
	_ =	sdelay $0x1  }
0x404: {  	v6 =	vperm.xlane v6, v5;
	_ =	sdelay $0x1  }
0x405: {  	s28 =	simm.s32 $0x11800;
	v6 =	vadd.s32 v4, v6  }
0x406: {  	[tilespmem:s28], [sflag:$0x1] =	stream.indirect_vreg.gather [hbm4b:s3+s23], $0x80, v7, vm0, $0xb8;
	[tilespmem:$0x19400] =	vst v63  }
0x407: {  	s25 =	simm.s32 $0x12000  }
0x408: {  	[tilespmem:s25], [sflag:$0x1] =	stream.indirect_vreg.gather [hbm4b:s8+s23], $0x80, v7, vm1, $0xb8;
	[tilespmem:$0x19400] =	vst v63  }
0x409: {  	s26 =	simm.s32 $0x12400  }
0x40a: {  	[tilespmem:s26], [sflag:$0x1] =	stream.indirect_vreg.gather [hbm4b:s3+s23], $0x80, v6, vm0, $0xb8;
	[tilespmem:$0x19400] =	vst v63  }
0x40b: {  	s28 =	simm.s32 $0x12C00  }
0x40c: {  	[tilespmem:s28], [sflag:$0x1] =	stream.indirect_vreg.gather [hbm4b:s8+s23], $0x80, v6, vm1, $0xb8;
	[tilespmem:$0x19400] =	vst v63  }
0x40d: {  	v6 =	vld [tilespmem:$0xAC0];
	_ =	sdelay $0x4  }
0x40e: {  	v7 =	vshrl.u32 v6, $0x3  }
0x40f: {  	v7 =	vmul.u32 $0x18, v7  }
0x410: {  	v6 =	vand.u32 $0x7, v6  }
0x411: {  	v6 =	vor.u32 v6, v7  }
0x412: {  	v7 =	vperm.xlane v6, v3;
	_ =	sdelay $0x1  }
0x413: {  	v7 =	vadd.s32 v4, v7;
	_ =	sdelay $0x1  }
0x414: {  	v6 =	vperm.xlane v6, v5;
	_ =	sdelay $0x1  }
0x415: {  	s25 =	simm.s32 $0x13000;
	v6 =	vadd.s32 v4, v6  }
0x416: {  	[tilespmem:s25], [sflag:$0x1] =	stream.indirect_vreg.gather [hbm4b:s3+s23], $0x80, v7, vm0, $0xb8;
	[tilespmem:$0x19400] =	vst v63  }
0x417: {  	s26 =	simm.s32 $0x13800  }
0x418: {  	[tilespmem:s26], [sflag:$0x1] =	stream.indirect_vreg.gather [hbm4b:s8+s23], $0x80, v7, vm1, $0xb8;
	[tilespmem:$0x19400] =	vst v63  }
0x419: {  	s28 =	simm.s32 $0x13C00  }
0x41a: {  	[tilespmem:s28], [sflag:$0x1] =	stream.indirect_vreg.gather [hbm4b:s3+s23], $0x80, v6, vm0, $0xb8;
	[tilespmem:$0x19400] =	vst v63  }
0x41b: {  	_ = 	snop  }
0x41c: {  	[tilespmem:s29], [sflag:$0x1] =	stream.indirect_vreg.gather [hbm4b:s8+s23], $0x80, v6, vm1, $0xb8;
	[tilespmem:$0x19400] =	vst v63  }
0x41d: {  	v6 =	vld [tilespmem:$0xAD0];
	_ =	sdelay $0x4  }
0x41e: {  	v7 =	vshrl.u32 v6, $0x3  }
0x41f: {  	v7 =	vmul.u32 $0x18, v7  }
0x420: {  	v6 =	vand.u32 $0x7, v6  }
0x421: {  	v6 =	vor.u32 v6, v7  }
0x422: {  	v7 =	vperm.xlane v6, v3;
	_ =	sdelay $0x1  }
0x423: {  	v7 =	vadd.s32 v4, v7;
	_ =	sdelay $0x1  }
0x424: {  	v6 =	vperm.xlane v6, v5;
	_ =	sdelay $0x1  }
0x425: {  	v6 =	vadd.s32 v4, v6  }
0x426: {  	[tilespmem:s30], [sflag:$0x1] =	stream.indirect_vreg.gather [hbm4b:s3+s23], $0x80, v7, vm0, $0xb8;
	[tilespmem:$0x19400] =	vst v63  }
0x427: {  	_ = 	snop  }
0x428: {  	[tilespmem:s31], [sflag:$0x1] =	stream.indirect_vreg.gather [hbm4b:s8+s23], $0x80, v7, vm1, $0xb8;
	[tilespmem:$0x19400] =	vst v63  }
0x429: {  	_ = 	snop  }
0x42a: {  	[tilespmem:s0], [sflag:$0x1] =	stream.indirect_vreg.gather [hbm4b:s3+s23], $0x80, v6, vm0, $0xb8;
	[tilespmem:$0x19400] =	vst v63  }
0x42b: {  	_ = 	snop  }
0x42c: {  	[tilespmem:s1], [sflag:$0x1] =	stream.indirect_vreg.gather [hbm4b:s8+s23], $0x80, v6, vm1, $0xb8;
	[tilespmem:$0x19400] =	vst v63  }
0x42d: {  	v6 =	vld [tilespmem:$0xAE0];
	_ =	sdelay $0x4  }
0x42e: {  	v7 =	vshrl.u32 v6, $0x3  }
0x42f: {  	v7 =	vmul.u32 $0x18, v7  }
0x430: {  	v6 =	vand.u32 $0x7, v6  }
0x431: {  	v6 =	vor.u32 v6, v7  }
0x432: {  	v7 =	vperm.xlane v6, v3;
	_ =	sdelay $0x1  }
0x433: {  	v7 =	vadd.s32 v4, v7;
	_ =	sdelay $0x1  }
0x434: {  	v6 =	vperm.xlane v6, v5;
	_ =	sdelay $0x1  }
0x435: {  	v6 =	vadd.s32 v4, v6  }
0x436: {  	[tilespmem:s4], [sflag:$0x1] =	stream.indirect_vreg.gather [hbm4b:s3+s23], $0x80, v7, vm0, $0xb8;
	[tilespmem:$0x19400] =	vst v63  }
0x437: {  	_ = 	snop  }
0x438: {  	[tilespmem:s5], [sflag:$0x1] =	stream.indirect_vreg.gather [hbm4b:s8+s23], $0x80, v7, vm1, $0xb8;
	[tilespmem:$0x19400] =	vst v63  }
0x439: {  	_ = 	snop  }
0x43a: {  	[tilespmem:s6], [sflag:$0x1] =	stream.indirect_vreg.gather [hbm4b:s3+s23], $0x80, v6, vm0, $0xb8;
	[tilespmem:$0x19400] =	vst v63  }
0x43b: {  	_ = 	snop  }
0x43c: {  	[tilespmem:s12], [sflag:$0x1] =	stream.indirect_vreg.gather [hbm4b:s8+s23], $0x80, v6, vm1, $0xb8;
	[tilespmem:$0x19400] =	vst v63  }
0x43d: {  	v6 =	vld [tilespmem:$0xAF0];
	_ =	sdelay $0x4  }
0x43e: {  	v7 =	vshrl.u32 v6, $0x3  }
0x43f: {  	v7 =	vmul.u32 $0x18, v7  }
0x440: {  	v6 =	vand.u32 $0x7, v6  }
0x441: {  	v6 =	vor.u32 v6, v7  }
0x442: {  	v7 =	vperm.xlane v6, v3;
	_ =	sdelay $0x1  }
0x443: {  	v7 =	vadd.s32 v4, v7;
	_ =	sdelay $0x1  }
0x444: {  	v6 =	vperm.xlane v6, v5;
	_ =	sdelay $0x1  }
0x445: {  	v6 =	vadd.s32 v4, v6  }
0x446: {  	[tilespmem:s13], [sflag:$0x1] =	stream.indirect_vreg.gather [hbm4b:s3+s23], $0x80, v7, vm0, $0xb8;
	[tilespmem:$0x19400] =	vst v63  }
0x447: {  	_ = 	snop  }
0x448: {  	[tilespmem:s17], [sflag:$0x1] =	stream.indirect_vreg.gather [hbm4b:s8+s23], $0x80, v7, vm1, $0xb8;
	[tilespmem:$0x19400] =	vst v63  }
0x449: {  	_ = 	snop  }
0x44a: {  	[tilespmem:s18], [sflag:$0x1] =	stream.indirect_vreg.gather [hbm4b:s3+s23], $0x80, v6, vm0, $0xb8;
	[tilespmem:$0x19400] =	vst v63  }
0x44b: {  	_ = 	snop  }
0x44c: {  	[tilespmem:s19], [sflag:$0x1] =	stream.indirect_vreg.gather [hbm4b:s8+s23], $0x80, v6, vm1, $0xb8;
	[tilespmem:$0x19400] =	vst v63  }
0x44d: {  	_ =	swait.ge [sflag:s20], $0x18000  }
0x44e: {  	[sflag:s20] =	ssyncset.done $0x0  }
0x44f: {  	s24 =	simm.s32 $0x0;
	s25 =	simm.s32 $0x3000;
	[sflag:s20] =	ssyncadd.s32 $0xFFFE8000  }
.LBB2_6:
0x450: {  	p0 =	sne.s32 s25, $0x5D000;
	s26 =	sadd.s32 $0x1000, s24;
	s23 =	sadd.s32 s23, s10  }
0x451: {  	[hbm4b:s23+s14] =	stream.strided.scatter [tilespmem:s26], [sflag:$0x2], $0x400, s22, s14, $0x38;
	[tilespmem:$0x19400] =	vst v63  }
.Ltmp2:
0x452: {  	s26 =	sadd.s32 $0x1400, s24;
	s28 =	sadd.s32 $0x80, s23;
	(pc) =	sbr.rel @p0 .LBB2_6-.Ltmp2, $4  }
0x453: {  	[hbm4b:s28+s14] =	stream.strided.scatter [tilespmem:s26], [sflag:$0x2], $0x400, s22, s14, $0x38;
	[tilespmem:$0x19400] =	vst v63  }
0x454: {  	s24 =	sadd.s32 $0x1800, s24;
	s26 =	sadd.s32 $0x100, s23;
	s23 =	smov.u32 s25  }
0x455: {  	[hbm4b:s26+s14] =	stream.strided.scatter [tilespmem:s24], [sflag:$0x2], $0x400, s22, s14, $0x38;
	[tilespmem:$0x19400] =	vst v63  }
0x456: {  	s25 =	sadd.s32 $0x3000, s25;
	s24 =	sshra.s32 s23, $0x2  }
0x457: {  	s25 =	sadd.s32 $0x1000, s24;
	s23 =	sadd.s32 s23, s10  }
0x458: {  	[hbm4b:s23+s14] =	stream.strided.scatter [tilespmem:s25], [sflag:$0x2], $0x400, s22, s14, $0x38;
	[tilespmem:$0x19400] =	vst v63  }
0x459: {  	s28 =	sadd.s32 $0x1400, s24;
	s26 =	sadd.s32 $0x80, s23  }
0x45a: {  	[hbm4b:s26+s14] =	stream.strided.scatter [tilespmem:s28], [sflag:$0x2], $0x400, s22, s14, $0x38;
	[tilespmem:$0x19400] =	vst v63  }
0x45b: {  	s25 =	sadd.s32 $0x1800, s24;
	s23 =	sadd.s32 $0x100, s23  }
0x45c: {  	[hbm4b:s23+s14] =	stream.strided.scatter [tilespmem:s25], [sflag:$0x2], $0x400, s22, s14, $0x38;
	[tilespmem:$0x19400] =	vst v63  }
0x45d: {  	_ =	swait.ge [sflag:s16], $0x18000  }
0x45e: {  	[sflag:s16] =	ssyncset.done $0x0  }
0x45f: {  	[sflag:s16] =	ssyncadd.s32 $0xFFFE8000  }
0x460: {  	v6 =	vld [tilespmem:$0xB00];
	_ =	sdelay $0x4  }
0x461: {  	v7 =	vshrl.u32 v6, $0x3  }
0x462: {  	v7 =	vmul.u32 $0x18, v7  }
0x463: {  	v6 =	vand.u32 $0x7, v6  }
0x464: {  	v6 =	vor.u32 v6, v7  }
0x465: {  	v7 =	vperm.xlane v6, v3;
	_ =	sdelay $0x1  }
0x466: {  	v7 =	vadd.s32 v4, v7;
	_ =	sdelay $0x1  }
0x467: {  	v6 =	vperm.xlane v6, v5;
	_ =	sdelay $0x1  }
0x468: {  	s26 =	simm.s32 $0x1000;
	s23 =	simm.s32 $0x0;
	v6 =	vadd.s32 v4, v6  }
0x469: {  	[tilespmem:s26], [sflag:$0x1] =	stream.indirect_vreg.gather [hbm4b:s3+s23], $0x80, v7, vm0, $0xb8;
	[tilespmem:$0x19400] =	vst v63  }
0x46a: {  	s28 =	simm.s32 $0x1800  }
0x46b: {  	[tilespmem:s28], [sflag:$0x1] =	stream.indirect_vreg.gather [hbm4b:s8+s23], $0x80, v7, vm1, $0xb8;
	[tilespmem:$0x19400] =	vst v63  }
0x46c: {  	s25 =	simm.s32 $0x1C00  }
0x46d: {  	[tilespmem:s25], [sflag:$0x1] =	stream.indirect_vreg.gather [hbm4b:s3+s23], $0x80, v6, vm0, $0xb8;
	[tilespmem:$0x19400] =	vst v63  }
0x46e: {  	s26 =	simm.s32 $0x2400  }
0x46f: {  	[tilespmem:s26], [sflag:$0x1] =	stream.indirect_vreg.gather [hbm4b:s8+s23], $0x80, v6, vm1, $0xb8;
	[tilespmem:$0x19400] =	vst v63  }
0x470: {  	v6 =	vld [tilespmem:$0xB10];
	_ =	sdelay $0x4  }
0x471: {  	v10 =	vshrl.u32 v6, $0x3  }
0x472: {  	v7 =	vmul.u32 $0x18, v10  }
0x473: {  	v6 =	vand.u32 $0x7, v6  }
0x474: {  	v6 =	vor.u32 v6, v7  }
0x475: {  	v7 =	vperm.xlane v6, v3;
	_ =	sdelay $0x1  }
0x476: {  	v7 =	vadd.s32 v4, v7;
	_ =	sdelay $0x1  }
0x477: {  	v6 =	vperm.xlane v6, v5;
	_ =	sdelay $0x1  }
0x478: {  	s28 =	simm.s32 $0x2800;
	v6 =	vadd.s32 v4, v6  }
0x479: {  	[tilespmem:s28], [sflag:$0x1] =	stream.indirect_vreg.gather [hbm4b:s3+s23], $0x80, v7, vm0, $0xb8;
	[tilespmem:$0x19400] =	vst v63  }
0x47a: {  	_ = 	snop  }
0x47b: {  	[tilespmem:s22], [sflag:$0x1] =	stream.indirect_vreg.gather [hbm4b:s8+s23], $0x80, v7, vm1, $0xb8;
	[tilespmem:$0x19400] =	vst v63  }
0x47c: {  	s25 =	simm.s32 $0x3400  }
0x47d: {  	[tilespmem:s25], [sflag:$0x1] =	stream.indirect_vreg.gather [hbm4b:s3+s23], $0x80, v6, vm0, $0xb8;
	[tilespmem:$0x19400] =	vst v63  }
0x47e: {  	s26 =	simm.s32 $0x3C00  }
0x47f: {  	[tilespmem:s26], [sflag:$0x1] =	stream.indirect_vreg.gather [hbm4b:s8+s23], $0x80, v6, vm1, $0xb8;
	[tilespmem:$0x19400] =	vst v63  }
0x480: {  	v6 =	vld [tilespmem:$0xB20];
	_ =	sdelay $0x4  }
0x481: {  	v11 =	vshrl.u32 v6, $0x3  }
0x482: {  	v7 =	vmul.u32 $0x18, v11  }
0x483: {  	v6 =	vand.u32 $0x7, v6  }
0x484: {  	v6 =	vor.u32 v6, v7  }
0x485: {  	v7 =	vperm.xlane v6, v3;
	_ =	sdelay $0x1  }
0x486: {  	v7 =	vadd.s32 v4, v7;
	_ =	sdelay $0x1  }
0x487: {  	v6 =	vperm.xlane v6, v5;
	_ =	sdelay $0x1  }
0x488: {  	s28 =	simm.s32 $0x4000;
	v6 =	vadd.s32 v4, v6  }
0x489: {  	[tilespmem:s28], [sflag:$0x1] =	stream.indirect_vreg.gather [hbm4b:s3+s23], $0x80, v7, vm0, $0xb8;
	[tilespmem:$0x19400] =	vst v63  }
0x48a: {  	s25 =	simm.s32 $0x4800  }
0x48b: {  	[tilespmem:s25], [sflag:$0x1] =	stream.indirect_vreg.gather [hbm4b:s8+s23], $0x80, v7, vm1, $0xb8;
	[tilespmem:$0x19400] =	vst v63  }
0x48c: {  	s26 =	simm.s32 $0x4C00  }
0x48d: {  	[tilespmem:s26], [sflag:$0x1] =	stream.indirect_vreg.gather [hbm4b:s3+s23], $0x80, v6, vm0, $0xb8;
	[tilespmem:$0x19400] =	vst v63  }
0x48e: {  	s28 =	simm.s32 $0x5400  }
0x48f: {  	[tilespmem:s28], [sflag:$0x1] =	stream.indirect_vreg.gather [hbm4b:s8+s23], $0x80, v6, vm1, $0xb8;
	[tilespmem:$0x19400] =	vst v63  }
0x490: {  	v6 =	vld [tilespmem:$0xB30];
	_ =	sdelay $0x4  }
0x491: {  	v9 =	vshrl.u32 v6, $0x3  }
0x492: {  	v7 =	vmul.u32 $0x18, v9  }
0x493: {  	v6 =	vand.u32 $0x7, v6  }
0x494: {  	v6 =	vor.u32 v6, v7  }
0x495: {  	v7 =	vperm.xlane v6, v3;
	_ =	sdelay $0x1  }
0x496: {  	v7 =	vadd.s32 v4, v7;
	_ =	sdelay $0x1  }
0x497: {  	v6 =	vperm.xlane v6, v5;
	_ =	sdelay $0x1  }
0x498: {  	s25 =	simm.s32 $0x5800;
	v6 =	vadd.s32 v4, v6  }
0x499: {  	[tilespmem:s25], [sflag:$0x1] =	stream.indirect_vreg.gather [hbm4b:s3+s23], $0x80, v7, vm0, $0xb8;
	[tilespmem:$0x19400] =	vst v63  }
0x49a: {  	s26 =	simm.s32 $0x6000  }
0x49b: {  	[tilespmem:s26], [sflag:$0x1] =	stream.indirect_vreg.gather [hbm4b:s8+s23], $0x80, v7, vm1, $0xb8;
	[tilespmem:$0x19400] =	vst v63  }
0x49c: {  	s28 =	simm.s32 $0x6400  }
0x49d: {  	[tilespmem:s28], [sflag:$0x1] =	stream.indirect_vreg.gather [hbm4b:s3+s23], $0x80, v6, vm0, $0xb8;
	[tilespmem:$0x19400] =	vst v63  }
0x49e: {  	s25 =	simm.s32 $0x6C00  }
0x49f: {  	[tilespmem:s25], [sflag:$0x1] =	stream.indirect_vreg.gather [hbm4b:s8+s23], $0x80, v6, vm1, $0xb8;
	[tilespmem:$0x19400] =	vst v63  }
0x4a0: {  	v6 =	vld [tilespmem:$0xB40];
	_ =	sdelay $0x4  }
0x4a1: {  	v10 =	vshrl.u32 v6, $0x3  }
0x4a2: {  	v7 =	vmul.u32 $0x18, v10  }
0x4a3: {  	v6 =	vand.u32 $0x7, v6  }
0x4a4: {  	v6 =	vor.u32 v6, v7  }
0x4a5: {  	v7 =	vperm.xlane v6, v3;
	_ =	sdelay $0x1  }
0x4a6: {  	v7 =	vadd.s32 v4, v7;
	_ =	sdelay $0x1  }
0x4a7: {  	v6 =	vperm.xlane v6, v5;
	_ =	sdelay $0x1  }
0x4a8: {  	s26 =	simm.s32 $0x7000;
	v6 =	vadd.s32 v4, v6  }
0x4a9: {  	[tilespmem:s26], [sflag:$0x1] =	stream.indirect_vreg.gather [hbm4b:s3+s23], $0x80, v7, vm0, $0xb8;
	[tilespmem:$0x19400] =	vst v63  }
0x4aa: {  	s28 =	simm.s32 $0x7800  }
0x4ab: {  	[tilespmem:s28], [sflag:$0x1] =	stream.indirect_vreg.gather [hbm4b:s8+s23], $0x80, v7, vm1, $0xb8;
	[tilespmem:$0x19400] =	vst v63  }
0x4ac: {  	s25 =	simm.s32 $0x7C00  }
0x4ad: {  	[tilespmem:s25], [sflag:$0x1] =	stream.indirect_vreg.gather [hbm4b:s3+s23], $0x80, v6, vm0, $0xb8;
	[tilespmem:$0x19400] =	vst v63  }
0x4ae: {  	s26 =	simm.s32 $0x8400  }
0x4af: {  	[tilespmem:s26], [sflag:$0x1] =	stream.indirect_vreg.gather [hbm4b:s8+s23], $0x80, v6, vm1, $0xb8;
	[tilespmem:$0x19400] =	vst v63  }
0x4b0: {  	v6 =	vld [tilespmem:$0xB50];
	_ =	sdelay $0x4  }
0x4b1: {  	v11 =	vshrl.u32 v6, $0x3  }
0x4b2: {  	v7 =	vmul.u32 $0x18, v11  }
0x4b3: {  	v6 =	vand.u32 $0x7, v6  }
0x4b4: {  	v6 =	vor.u32 v6, v7  }
0x4b5: {  	v7 =	vperm.xlane v6, v3;
	_ =	sdelay $0x1  }
0x4b6: {  	v7 =	vadd.s32 v4, v7;
	_ =	sdelay $0x1  }
0x4b7: {  	v6 =	vperm.xlane v6, v5;
	_ =	sdelay $0x1  }
0x4b8: {  	s28 =	simm.s32 $0x8800;
	v6 =	vadd.s32 v4, v6  }
0x4b9: {  	[tilespmem:s28], [sflag:$0x1] =	stream.indirect_vreg.gather [hbm4b:s3+s23], $0x80, v7, vm0, $0xb8;
	[tilespmem:$0x19400] =	vst v63  }
0x4ba: {  	s25 =	simm.s32 $0x9000  }
0x4bb: {  	[tilespmem:s25], [sflag:$0x1] =	stream.indirect_vreg.gather [hbm4b:s8+s23], $0x80, v7, vm1, $0xb8;
	[tilespmem:$0x19400] =	vst v63  }
0x4bc: {  	s26 =	simm.s32 $0x9400  }
0x4bd: {  	[tilespmem:s26], [sflag:$0x1] =	stream.indirect_vreg.gather [hbm4b:s3+s23], $0x80, v6, vm0, $0xb8;
	[tilespmem:$0x19400] =	vst v63  }
0x4be: {  	s28 =	simm.s32 $0x9C00  }
0x4bf: {  	[tilespmem:s28], [sflag:$0x1] =	stream.indirect_vreg.gather [hbm4b:s8+s23], $0x80, v6, vm1, $0xb8;
	[tilespmem:$0x19400] =	vst v63  }
0x4c0: {  	v6 =	vld [tilespmem:$0xB60];
	_ =	sdelay $0x4  }
0x4c1: {  	v9 =	vshrl.u32 v6, $0x3  }
0x4c2: {  	v7 =	vmul.u32 $0x18, v9  }
0x4c3: {  	v6 =	vand.u32 $0x7, v6  }
0x4c4: {  	v6 =	vor.u32 v6, v7  }
0x4c5: {  	v7 =	vperm.xlane v6, v3;
	_ =	sdelay $0x1  }
0x4c6: {  	v7 =	vadd.s32 v4, v7;
	_ =	sdelay $0x1  }
0x4c7: {  	v6 =	vperm.xlane v6, v5;
	_ =	sdelay $0x1  }
0x4c8: {  	s25 =	simm.s32 $0xA000;
	v6 =	vadd.s32 v4, v6  }
0x4c9: {  	[tilespmem:s25], [sflag:$0x1] =	stream.indirect_vreg.gather [hbm4b:s3+s23], $0x80, v7, vm0, $0xb8;
	[tilespmem:$0x19400] =	vst v63  }
0x4ca: {  	s26 =	simm.s32 $0xA800  }
0x4cb: {  	[tilespmem:s26], [sflag:$0x1] =	stream.indirect_vreg.gather [hbm4b:s8+s23], $0x80, v7, vm1, $0xb8;
	[tilespmem:$0x19400] =	vst v63  }
0x4cc: {  	s28 =	simm.s32 $0xAC00  }
0x4cd: {  	[tilespmem:s28], [sflag:$0x1] =	stream.indirect_vreg.gather [hbm4b:s3+s23], $0x80, v6, vm0, $0xb8;
	[tilespmem:$0x19400] =	vst v63  }
0x4ce: {  	s25 =	simm.s32 $0xB400  }
0x4cf: {  	[tilespmem:s25], [sflag:$0x1] =	stream.indirect_vreg.gather [hbm4b:s8+s23], $0x80, v6, vm1, $0xb8;
	[tilespmem:$0x19400] =	vst v63  }
0x4d0: {  	v6 =	vld [tilespmem:$0xB70];
	_ =	sdelay $0x4  }
0x4d1: {  	v10 =	vshrl.u32 v6, $0x3  }
0x4d2: {  	v7 =	vmul.u32 $0x18, v10  }
0x4d3: {  	v6 =	vand.u32 $0x7, v6  }
0x4d4: {  	v6 =	vor.u32 v6, v7  }
0x4d5: {  	v7 =	vperm.xlane v6, v3;
	_ =	sdelay $0x1  }
0x4d6: {  	v7 =	vadd.s32 v4, v7;
	_ =	sdelay $0x1  }
0x4d7: {  	v6 =	vperm.xlane v6, v5;
	_ =	sdelay $0x1  }
0x4d8: {  	s26 =	simm.s32 $0xB800;
	v6 =	vadd.s32 v4, v6  }
0x4d9: {  	[tilespmem:s26], [sflag:$0x1] =	stream.indirect_vreg.gather [hbm4b:s3+s23], $0x80, v7, vm0, $0xb8;
	[tilespmem:$0x19400] =	vst v63  }
0x4da: {  	s28 =	simm.s32 $0xC000  }
0x4db: {  	[tilespmem:s28], [sflag:$0x1] =	stream.indirect_vreg.gather [hbm4b:s8+s23], $0x80, v7, vm1, $0xb8;
	[tilespmem:$0x19400] =	vst v63  }
0x4dc: {  	s25 =	simm.s32 $0xC400  }
0x4dd: {  	[tilespmem:s25], [sflag:$0x1] =	stream.indirect_vreg.gather [hbm4b:s3+s23], $0x80, v6, vm0, $0xb8;
	[tilespmem:$0x19400] =	vst v63  }
0x4de: {  	s26 =	simm.s32 $0xCC00  }
0x4df: {  	[tilespmem:s26], [sflag:$0x1] =	stream.indirect_vreg.gather [hbm4b:s8+s23], $0x80, v6, vm1, $0xb8;
	[tilespmem:$0x19400] =	vst v63  }
0x4e0: {  	v6 =	vld [tilespmem:$0xB80];
	_ =	sdelay $0x4  }
0x4e1: {  	v11 =	vshrl.u32 v6, $0x3  }
0x4e2: {  	v7 =	vmul.u32 $0x18, v11  }
0x4e3: {  	v6 =	vand.u32 $0x7, v6  }
0x4e4: {  	v6 =	vor.u32 v6, v7  }
0x4e5: {  	v7 =	vperm.xlane v6, v3;
	_ =	sdelay $0x1  }
0x4e6: {  	v7 =	vadd.s32 v4, v7;
	_ =	sdelay $0x1  }
0x4e7: {  	v6 =	vperm.xlane v6, v5;
	_ =	sdelay $0x1  }
0x4e8: {  	s28 =	simm.s32 $0xD000;
	v6 =	vadd.s32 v4, v6  }
0x4e9: {  	[tilespmem:s28], [sflag:$0x1] =	stream.indirect_vreg.gather [hbm4b:s3+s23], $0x80, v7, vm0, $0xb8;
	[tilespmem:$0x19400] =	vst v63  }
0x4ea: {  	s25 =	simm.s32 $0xD800  }
0x4eb: {  	[tilespmem:s25], [sflag:$0x1] =	stream.indirect_vreg.gather [hbm4b:s8+s23], $0x80, v7, vm1, $0xb8;
	[tilespmem:$0x19400] =	vst v63  }
0x4ec: {  	s26 =	simm.s32 $0xDC00  }
0x4ed: {  	[tilespmem:s26], [sflag:$0x1] =	stream.indirect_vreg.gather [hbm4b:s3+s23], $0x80, v6, vm0, $0xb8;
	[tilespmem:$0x19400] =	vst v63  }
0x4ee: {  	s28 =	simm.s32 $0xE400  }
0x4ef: {  	[tilespmem:s28], [sflag:$0x1] =	stream.indirect_vreg.gather [hbm4b:s8+s23], $0x80, v6, vm1, $0xb8;
	[tilespmem:$0x19400] =	vst v63  }
0x4f0: {  	v6 =	vld [tilespmem:$0xB90];
	_ =	sdelay $0x4  }
0x4f1: {  	v9 =	vshrl.u32 v6, $0x3  }
0x4f2: {  	v7 =	vmul.u32 $0x18, v9  }
0x4f3: {  	v6 =	vand.u32 $0x7, v6  }
0x4f4: {  	v6 =	vor.u32 v6, v7  }
0x4f5: {  	v7 =	vperm.xlane v6, v3;
	_ =	sdelay $0x1  }
0x4f6: {  	v7 =	vadd.s32 v4, v7;
	_ =	sdelay $0x1  }
0x4f7: {  	v6 =	vperm.xlane v6, v5;
	_ =	sdelay $0x1  }
0x4f8: {  	s25 =	simm.s32 $0xE800;
	v6 =	vadd.s32 v4, v6  }
0x4f9: {  	[tilespmem:s25], [sflag:$0x1] =	stream.indirect_vreg.gather [hbm4b:s3+s23], $0x80, v7, vm0, $0xb8;
	[tilespmem:$0x19400] =	vst v63  }
0x4fa: {  	s26 =	simm.s32 $0xF000  }
0x4fb: {  	[tilespmem:s26], [sflag:$0x1] =	stream.indirect_vreg.gather [hbm4b:s8+s23], $0x80, v7, vm1, $0xb8;
	[tilespmem:$0x19400] =	vst v63  }
0x4fc: {  	s28 =	simm.s32 $0xF400  }
0x4fd: {  	[tilespmem:s28], [sflag:$0x1] =	stream.indirect_vreg.gather [hbm4b:s3+s23], $0x80, v6, vm0, $0xb8;
	[tilespmem:$0x19400] =	vst v63  }
0x4fe: {  	s25 =	simm.s32 $0xFC00  }
0x4ff: {  	[tilespmem:s25], [sflag:$0x1] =	stream.indirect_vreg.gather [hbm4b:s8+s23], $0x80, v6, vm1, $0xb8;
	[tilespmem:$0x19400] =	vst v63  }
0x500: {  	v6 =	vld [tilespmem:$0xBA0];
	_ =	sdelay $0x4  }
0x501: {  	v10 =	vshrl.u32 v6, $0x3  }
0x502: {  	v7 =	vmul.u32 $0x18, v10  }
0x503: {  	v6 =	vand.u32 $0x7, v6  }
0x504: {  	v6 =	vor.u32 v6, v7  }
0x505: {  	v7 =	vperm.xlane v6, v3;
	_ =	sdelay $0x1  }
0x506: {  	v7 =	vadd.s32 v4, v7;
	_ =	sdelay $0x1  }
0x507: {  	v6 =	vperm.xlane v6, v5;
	_ =	sdelay $0x1  }
0x508: {  	s26 =	simm.s32 $0x10000;
	v6 =	vadd.s32 v4, v6  }
0x509: {  	[tilespmem:s26], [sflag:$0x1] =	stream.indirect_vreg.gather [hbm4b:s3+s23], $0x80, v7, vm0, $0xb8;
	[tilespmem:$0x19400] =	vst v63  }
0x50a: {  	s28 =	simm.s32 $0x10800  }
0x50b: {  	[tilespmem:s28], [sflag:$0x1] =	stream.indirect_vreg.gather [hbm4b:s8+s23], $0x80, v7, vm1, $0xb8;
	[tilespmem:$0x19400] =	vst v63  }
0x50c: {  	s25 =	simm.s32 $0x10C00  }
0x50d: {  	[tilespmem:s25], [sflag:$0x1] =	stream.indirect_vreg.gather [hbm4b:s3+s23], $0x80, v6, vm0, $0xb8;
	[tilespmem:$0x19400] =	vst v63  }
0x50e: {  	s26 =	simm.s32 $0x11400  }
0x50f: {  	[tilespmem:s26], [sflag:$0x1] =	stream.indirect_vreg.gather [hbm4b:s8+s23], $0x80, v6, vm1, $0xb8;
	[tilespmem:$0x19400] =	vst v63  }
0x510: {  	v6 =	vld [tilespmem:$0xBB0];
	_ =	sdelay $0x4  }
0x511: {  	v11 =	vshrl.u32 v6, $0x3  }
0x512: {  	v7 =	vmul.u32 $0x18, v11  }
0x513: {  	v6 =	vand.u32 $0x7, v6  }
0x514: {  	v6 =	vor.u32 v6, v7  }
0x515: {  	v7 =	vperm.xlane v6, v3;
	_ =	sdelay $0x1  }
0x516: {  	v7 =	vadd.s32 v4, v7;
	_ =	sdelay $0x1  }
0x517: {  	v6 =	vperm.xlane v6, v5;
	_ =	sdelay $0x1  }
0x518: {  	s28 =	simm.s32 $0x11800;
	v6 =	vadd.s32 v4, v6  }
0x519: {  	[tilespmem:s28], [sflag:$0x1] =	stream.indirect_vreg.gather [hbm4b:s3+s23], $0x80, v7, vm0, $0xb8;
	[tilespmem:$0x19400] =	vst v63  }
0x51a: {  	s25 =	simm.s32 $0x12000  }
0x51b: {  	[tilespmem:s25], [sflag:$0x1] =	stream.indirect_vreg.gather [hbm4b:s8+s23], $0x80, v7, vm1, $0xb8;
	[tilespmem:$0x19400] =	vst v63  }
0x51c: {  	s26 =	simm.s32 $0x12400  }
0x51d: {  	[tilespmem:s26], [sflag:$0x1] =	stream.indirect_vreg.gather [hbm4b:s3+s23], $0x80, v6, vm0, $0xb8;
	[tilespmem:$0x19400] =	vst v63  }
0x51e: {  	s28 =	simm.s32 $0x12C00  }
0x51f: {  	[tilespmem:s28], [sflag:$0x1] =	stream.indirect_vreg.gather [hbm4b:s8+s23], $0x80, v6, vm1, $0xb8;
	[tilespmem:$0x19400] =	vst v63  }
0x520: {  	v6 =	vld [tilespmem:$0xBC0];
	_ =	sdelay $0x4  }
0x521: {  	v9 =	vshrl.u32 v6, $0x3  }
0x522: {  	v7 =	vmul.u32 $0x18, v9  }
0x523: {  	v6 =	vand.u32 $0x7, v6  }
0x524: {  	v6 =	vor.u32 v6, v7  }
0x525: {  	v7 =	vperm.xlane v6, v3;
	_ =	sdelay $0x1  }
0x526: {  	v7 =	vadd.s32 v4, v7;
	_ =	sdelay $0x1  }
0x527: {  	v6 =	vperm.xlane v6, v5;
	_ =	sdelay $0x1  }
0x528: {  	s25 =	simm.s32 $0x13000;
	v6 =	vadd.s32 v4, v6  }
0x529: {  	[tilespmem:s25], [sflag:$0x1] =	stream.indirect_vreg.gather [hbm4b:s3+s23], $0x80, v7, vm0, $0xb8;
	[tilespmem:$0x19400] =	vst v63  }
0x52a: {  	s26 =	simm.s32 $0x13800  }
0x52b: {  	[tilespmem:s26], [sflag:$0x1] =	stream.indirect_vreg.gather [hbm4b:s8+s23], $0x80, v7, vm1, $0xb8;
	[tilespmem:$0x19400] =	vst v63  }
0x52c: {  	s28 =	simm.s32 $0x13C00  }
0x52d: {  	[tilespmem:s28], [sflag:$0x1] =	stream.indirect_vreg.gather [hbm4b:s3+s23], $0x80, v6, vm0, $0xb8;
	[tilespmem:$0x19400] =	vst v63  }
0x52e: {  	_ = 	snop  }
0x52f: {  	[tilespmem:s29], [sflag:$0x1] =	stream.indirect_vreg.gather [hbm4b:s8+s23], $0x80, v6, vm1, $0xb8;
	[tilespmem:$0x19400] =	vst v63  }
0x530: {  	v6 =	vld [tilespmem:$0xBD0];
	_ =	sdelay $0x4  }
0x531: {  	v10 =	vshrl.u32 v6, $0x3  }
0x532: {  	v7 =	vmul.u32 $0x18, v10  }
0x533: {  	v6 =	vand.u32 $0x7, v6  }
0x534: {  	v6 =	vor.u32 v6, v7  }
0x535: {  	v7 =	vperm.xlane v6, v3;
	_ =	sdelay $0x1  }
0x536: {  	v7 =	vadd.s32 v4, v7;
	_ =	sdelay $0x1  }
0x537: {  	v6 =	vperm.xlane v6, v5;
	_ =	sdelay $0x1  }
0x538: {  	v6 =	vadd.s32 v4, v6  }
0x539: {  	[tilespmem:s30], [sflag:$0x1] =	stream.indirect_vreg.gather [hbm4b:s3+s23], $0x80, v7, vm0, $0xb8;
	[tilespmem:$0x19400] =	vst v63  }
0x53a: {  	_ = 	snop  }
0x53b: {  	[tilespmem:s31], [sflag:$0x1] =	stream.indirect_vreg.gather [hbm4b:s8+s23], $0x80, v7, vm1, $0xb8;
	[tilespmem:$0x19400] =	vst v63  }
0x53c: {  	_ = 	snop  }
0x53d: {  	[tilespmem:s0], [sflag:$0x1] =	stream.indirect_vreg.gather [hbm4b:s3+s23], $0x80, v6, vm0, $0xb8;
	[tilespmem:$0x19400] =	vst v63  }
0x53e: {  	_ = 	snop  }
0x53f: {  	[tilespmem:s1], [sflag:$0x1] =	stream.indirect_vreg.gather [hbm4b:s8+s23], $0x80, v6, vm1, $0xb8;
	[tilespmem:$0x19400] =	vst v63  }
0x540: {  	v6 =	vld [tilespmem:$0xBE0];
	_ =	sdelay $0x4  }
0x541: {  	v11 =	vshrl.u32 v6, $0x3  }
0x542: {  	v7 =	vmul.u32 $0x18, v11  }
0x543: {  	v6 =	vand.u32 $0x7, v6  }
0x544: {  	v6 =	vor.u32 v6, v7  }
0x545: {  	v7 =	vperm.xlane v6, v3;
	_ =	sdelay $0x1  }
0x546: {  	v7 =	vadd.s32 v4, v7;
	_ =	sdelay $0x1  }
0x547: {  	v6 =	vperm.xlane v6, v5;
	_ =	sdelay $0x1  }
0x548: {  	v6 =	vadd.s32 v4, v6  }
0x549: {  	[tilespmem:s4], [sflag:$0x1] =	stream.indirect_vreg.gather [hbm4b:s3+s23], $0x80, v7, vm0, $0xb8;
	[tilespmem:$0x19400] =	vst v63  }
0x54a: {  	_ = 	snop  }
0x54b: {  	[tilespmem:s5], [sflag:$0x1] =	stream.indirect_vreg.gather [hbm4b:s8+s23], $0x80, v7, vm1, $0xb8;
	[tilespmem:$0x19400] =	vst v63  }
0x54c: {  	_ = 	snop  }
0x54d: {  	[tilespmem:s6], [sflag:$0x1] =	stream.indirect_vreg.gather [hbm4b:s3+s23], $0x80, v6, vm0, $0xb8;
	[tilespmem:$0x19400] =	vst v63  }
0x54e: {  	_ = 	snop  }
0x54f: {  	[tilespmem:s12], [sflag:$0x1] =	stream.indirect_vreg.gather [hbm4b:s8+s23], $0x80, v6, vm1, $0xb8;
	[tilespmem:$0x19400] =	vst v63  }
0x550: {  	v6 =	vld [tilespmem:$0xBF0];
	_ =	sdelay $0x4  }
0x551: {  	v9 =	vshrl.u32 v6, $0x3  }
0x552: {  	v7 =	vmul.u32 $0x18, v9  }
0x553: {  	v6 =	vand.u32 $0x7, v6  }
0x554: {  	v6 =	vor.u32 v6, v7  }
0x555: {  	v3 =	vperm.xlane v6, v3;
	_ =	sdelay $0x1  }
0x556: {  	v3 =	vadd.s32 v4, v3;
	_ =	sdelay $0x1  }
0x557: {  	v10 =	vperm.xlane v6, v5;
	_ =	sdelay $0x1  }
0x558: {  	v11 =	vadd.s32 v4, v10  }
0x559: {  	[tilespmem:s13], [sflag:$0x1] =	stream.indirect_vreg.gather [hbm4b:s3+s23], $0x80, v3, vm0, $0xb8;
	[tilespmem:$0x19400] =	vst v63  }
0x55a: {  	_ = 	snop  }
0x55b: {  	[tilespmem:s17], [sflag:$0x1] =	stream.indirect_vreg.gather [hbm4b:s8+s23], $0x80, v3, vm1, $0xb8;
	[tilespmem:$0x19400] =	vst v63  }
0x55c: {  	_ = 	snop  }
0x55d: {  	[tilespmem:s18], [sflag:$0x1] =	stream.indirect_vreg.gather [hbm4b:s3+s23], $0x80, v11, vm0, $0xb8;
	[tilespmem:$0x19400] =	vst v63  }
0x55e: {  	_ = 	snop  }
0x55f: {  	[tilespmem:s19], [sflag:$0x1] =	stream.indirect_vreg.gather [hbm4b:s8+s23], $0x80, v11, vm1, $0xb8;
	[tilespmem:$0x19400] =	vst v63  }
0x560: {  	_ =	swait.ge [sflag:s20], $0x18000  }
0x561: {  	[sflag:s20] =	ssyncset.done $0x0  }
0x562: {  	s24 =	simm.s32 $0x0;
	s25 =	simm.s32 $0x3000;
	[sflag:s20] =	ssyncadd.s32 $0xFFFE8000  }
.LBB2_8:
0x563: {  	p0 =	sne.s32 s25, $0x5D000;
	s26 =	sadd.s32 $0x1000, s24;
	s23 =	sadd.s32 s23, s11  }
0x564: {  	[hbm4b:s23+s14] =	stream.strided.scatter [tilespmem:s26], [sflag:$0x2], $0x400, s22, s14, $0x38;
	[tilespmem:$0x19400] =	vst v63  }
.Ltmp3:
0x565: {  	s26 =	sadd.s32 $0x1400, s24;
	s28 =	sadd.s32 $0x80, s23;
	(pc) =	sbr.rel @p0 .LBB2_8-.Ltmp3, $4  }
0x566: {  	[hbm4b:s28+s14] =	stream.strided.scatter [tilespmem:s26], [sflag:$0x2], $0x400, s22, s14, $0x38;
	[tilespmem:$0x19400] =	vst v63  }
0x567: {  	s24 =	sadd.s32 $0x1800, s24;
	s26 =	sadd.s32 $0x100, s23;
	s23 =	smov.u32 s25  }
0x568: {  	[hbm4b:s26+s14] =	stream.strided.scatter [tilespmem:s24], [sflag:$0x2], $0x400, s22, s14, $0x38;
	[tilespmem:$0x19400] =	vst v63  }
0x569: {  	s25 =	sadd.s32 $0x3000, s25;
	s24 =	sshra.s32 s23, $0x2  }
0x56a: {  	s25 =	sadd.s32 $0x1000, s24;
	s23 =	sadd.s32 s23, s11  }
0x56b: {  	[hbm4b:s23+s14] =	stream.strided.scatter [tilespmem:s25], [sflag:$0x2], $0x400, s22, s14, $0x38;
	[tilespmem:$0x19400] =	vst v63  }
0x56c: {  	s28 =	sadd.s32 $0x1400, s24;
	s26 =	sadd.s32 $0x80, s23  }
0x56d: {  	[hbm4b:s26+s14] =	stream.strided.scatter [tilespmem:s28], [sflag:$0x2], $0x400, s22, s14, $0x38;
	[tilespmem:$0x19400] =	vst v63  }
0x56e: {  	s23 =	sadd.s32 $0x100, s23;
	s28 =	sadd.s32 $0x1800, s24  }
0x56f: {  	[hbm4b:s23+s14] =	stream.strided.scatter [tilespmem:s28], [sflag:$0x2], $0x400, s22, s14, $0x38;
	[tilespmem:$0x19400] =	vst v63  }
0x570: {  	_ =	swait.ge [sflag:s16], $0x18000  }
0x571: {  	s26 =	simm.s32 $0xC00;
	[sflag:s16] =	ssyncset.done $0x0  }
0x572: {  	s28 =	simm.s32 $0x19000;
	s25 =	rddreg [dreg:$0x5];
	[sflag:s16] =	ssyncadd.s32 $0xFFFE8000  }
0x573: {  	[tilespmem:s28], [sflag:$0x1] =	stream.indirect.gather [hbm4b:s25+s15], $0x1, s26, s15, $0xb8;
	[tilespmem:$0x19400] =	vst v63  }
0x574: {  	_ =	swait.ge [sflag:s20], $0x400  }
0x575: {  	[sflag:s20] =	ssyncset.done $0x0  }
0x576: {  	s26 =	rddreg [dreg:$0x8];
	[sflag:s20] =	ssyncadd.s32 $0xFFFFFC00  }
0x577: {  	[hbm4b:s26+s14] =	stream.strided.scatter [tilespmem:s28], [sflag:$0x2], $0x400, s15, s14, $0x38;
	[tilespmem:$0x19400] =	vst v63  }
0x578: {  	_ =	swait.ge [sflag:s16], $0x400  }
0x579: {  	s21 =	sadd.s32 $0x1, s21;
	s28 =	rddreg [dreg:$0x9]  }
0x57a: {  	p0 =	sne.s32 s21, s28  }
.Ltmp4:
0x57b: {  	_ = 	snop;
	(pc) =	sbr.rel @p0 .LBB2_1-.Ltmp4, $3  }
0x57c: {  	_ =	sdelay $0x1  }
0x57d: {  	[sflag:s16] =	ssyncset.done $0x0  }
0x57e: {  	[sflag:s16] =	ssyncadd.s32 $0xFFFFFC00  }
0x57f: {  	_ =	sfence.sel $0x180000  }
0x580: {  	[bflag:$0x0] =	sbarrier.arrive $0xFFFF  }
0x581: {  	_ =	strace $0x90000047  }
0x582: {  	s0 =	stileid.u32;
	[bflag:$0x2] =	sbarrier.arrive $0xFFFF  }
0x583: {  	p0 =	sne.s32 s0, $0x0;
	s0 =	rddreg [dreg:$0x4]  }
0x584: {  	s0 =	sadd.s32 @!p0 $0x100000, s0  }
0x585: {  	[sflag:s0] =	ssyncadd.tile.s32 @!p0 $0x1;
	_ =	shalt  }
.Lfunc_end2:
_tile_overlayer_lowered:
.L_overlay_start_2:
0x586: {  	(tag) =	ssettag $0x2  }
0x587: {  	s0 =	rddreg [dreg:$0x0];
	s2 =	stileid.u32  }
0x588: {  	s1 =	rddreg [dreg:$0x1];
	p0 =	sne.s32 s2, $0x0  }
0x589: {  	s3 =	rddreg [dreg:$0x2];
	[bflag:$0x3] =	sbarrier.arrive $0xFFFF;
	s2 =	simm.s32 @!p0 $0x1C02  }
0x58a: {  	[timem:s3], [sflag:s2] =	dma.local @!p0 [hbm:s0], s1  }
0x58b: {  	s0 =	simm.s32 @!p0 $0x2  }
0x58c: {  	_ =	swait.ge @!p0 [sflag:s0], s1  }
0x58d: {  	s1 =	ssub.s32 @!p0 $0x0, s1;
	[sflag:s0] =	ssyncset.done @!p0 $0x0  }
0x58e: {  	[sflag:s0] =	ssyncadd.s32 @!p0 s1  }
0x58f: {  	[bflag:$0x3] =	sbarrier.arrive $0xFFFF  }
0x590: {  	_ =	shalt  }

</sc_bundles>
